<compile_context>
chip_gen: v7x
topology: tpu7x:2x2x1
jax: 0.10.2.dev20260603
libtpu: 0.0.44.dev20260713+nightly
codegen_flags: <defaults>
</compile_context>

<pallas_src>
import functools

import jax
import jax.numpy as jnp
from jax import lax
from jax.experimental import pallas as pl
from jax.experimental.pallas import tpu as pltpu
from jax.experimental.pallas import tpu_sc as plsc

_N = 10000
_E = 320000
_D = 128
_R = 16

_BN = 2000
_NB = _N // _BN

_NC = 2
_NS = 16
_NW = _NC * _NS
_CH = 32
_NCH = 320
_NH = 80
_KB = 5
_EPW = _NCH * _CH
_EP = _NW * _EPW
_NP = 10240
_RPT = _NP // _NS


def _linz_body(x_ref, wwh_ref, b_ref, whr_ref, lin_ref, z_ref):
    lin = lax.dot_general(x_ref[...], wwh_ref[...], (((1,), (1,)), ((), ())),
                          preferred_element_type=jnp.float32) + b_ref[...]
    lin_ref[...] = lin
    z_ref[...] = lax.dot_general(jnp.tanh(lin), whr_ref[...],
                                 (((1,), (1,)), ((), ())),
                                 preferred_element_type=jnp.float32)


def _y_body(z_ref, ws_ref, y_ref):
    y_ref[0] = lax.dot_general(z_ref[...], ws_ref[0], (((1,), (1,)), ((), ())),
                               preferred_element_type=jnp.float32)


def _idx_body(t_ref, s_ref, o_ref):
    o_ref[...] = t_ref[...] * _N + s_ref[...]


def _final_body(lin_ref, p_ref, h_ref):
    h_ref[...] = jnp.tanh(lin_ref[...] + p_ref[0] + p_ref[1])


def _sc_agg(y2, flat3, dst3, zeros):
    mesh = plsc.VectorSubcoreMesh(core_axis_name="c", subcore_axis_name="s")

    @functools.partial(
        pl.kernel,
        out_type=jax.ShapeDtypeStruct((_NC, _NP, _D), jnp.float32),
        mesh=mesh,
        scratch_types=[
            pltpu.VMEM((_NH, _CH), jnp.int32),
            pltpu.VMEM((_NH, _CH), jnp.int32),
            [pltpu.VMEM((_CH, _D), jnp.float32) for _ in range(_KB)],
            pltpu.VMEM_SHARED((_NP, _D), jnp.float32),
            [pltpu.SemaphoreType.DMA for _ in range(_KB)],
        ],
    )
    def k(y_hbm, flat_hbm, dst_hbm, zero_hbm, out_hbm,
          idx_v, dst_v, rows, acc, sems):
        c = lax.axis_index("c")
        s = lax.axis_index("s")
        wid = s * _NC + c
        pltpu.sync_copy(zero_hbm.at[pl.ds(s * _RPT, _RPT)],
                        acc.at[pl.ds(s * _RPT, _RPT)])
        plsc.subcore_barrier()

        for phase in range(_NCH // _NH):
            pltpu.sync_copy(flat_hbm.at[wid, pl.ds(phase * _NH, _NH)], idx_v)
            pltpu.sync_copy(dst_hbm.at[wid, pl.ds(phase * _NH, _NH)], dst_v)
            for b in range(_KB):
                pltpu.async_copy(y_hbm.at[idx_v.at[b]], rows[b], sems[b])

            def body(q, carry):
                for b in range(_KB):
                    g = _KB * q + b
                    pltpu.make_async_copy(y_hbm.at[idx_v.at[g]], rows[b],
                                          sems[b]).wait()
                    pltpu.sync_copy(rows[b], acc.at[dst_v.at[g]], add=True)
                    nxt = jnp.minimum(g + _KB, _NH - 1)
                    pltpu.async_copy(y_hbm.at[idx_v.at[nxt]], rows[b],
                                     sems[b])
                return carry

            lax.fori_loop(0, _NH // _KB, body, 0)
            for b in range(_KB):
                pltpu.make_async_copy(y_hbm.at[idx_v.at[_NH - 1]], rows[b],
                                      sems[b]).wait()
        plsc.subcore_barrier()
        pltpu.sync_copy(acc.at[pl.ds(s * _RPT, _RPT)],
                        out_hbm.at[c, pl.ds(s * _RPT, _RPT)])

    return k(y2, flat3, dst3, zeros)


def kernel(x, edge_index, edge_type, w_wordvec_hidden, b_wordvec_hidden,
           w_hidden_relation, ws_relation_hidden):
    b2 = b_wordvec_hidden.reshape(1, _D)

    lin, z = pl.pallas_call(
        _linz_body,
        grid=(_NB,),
        in_specs=[
            pl.BlockSpec((_BN, _D), lambda i: (i, 0)),
            pl.BlockSpec((_D, _D), lambda i: (0, 0)),
            pl.BlockSpec((1, _D), lambda i: (0, 0)),
            pl.BlockSpec((_D, _D), lambda i: (0, 0)),
        ],
        out_specs=[
            pl.BlockSpec((_BN, _D), lambda i: (i, 0)),
            pl.BlockSpec((_BN, _D), lambda i: (i, 0)),
        ],
        out_shape=[
            jax.ShapeDtypeStruct((_N, _D), jnp.float32),
            jax.ShapeDtypeStruct((_N, _D), jnp.float32),
        ],
    )(x, w_wordvec_hidden, b2, w_hidden_relation)

    y = pl.pallas_call(
        _y_body,
        grid=(_NB, _R),
        in_specs=[
            pl.BlockSpec((_BN, _D), lambda i, r: (i, 0)),
            pl.BlockSpec((1, _D, _D), lambda i, r: (r, 0, 0)),
        ],
        out_specs=pl.BlockSpec((1, _BN, _D), lambda i, r: (r, i, 0)),
        out_shape=jax.ShapeDtypeStruct((_R, _N, _D), jnp.float32),
    )(z, ws_relation_hidden)
    y2 = y.reshape(_R * _N, _D)

    pad = _EP - _E
    zpad = jnp.zeros((pad,), jnp.int32)
    t2 = jnp.concatenate([edge_type, zpad]).reshape(_EP // _D, _D)
    s2 = jnp.concatenate([edge_index[0], zpad]).reshape(_EP // _D, _D)
    dst3 = jnp.concatenate(
        [edge_index[1], jnp.full((pad,), _N, jnp.int32)]
    ).reshape(_NW, _NCH, _CH)

    flat = pl.pallas_call(
        _idx_body,
        grid=(1,),
        in_specs=[
            pl.BlockSpec((_EP // _D, _D), lambda i: (0, 0)),
            pl.BlockSpec((_EP // _D, _D), lambda i: (0, 0)),
        ],
        out_specs=pl.BlockSpec((_EP // _D, _D), lambda i: (0, 0)),
        out_shape=jax.ShapeDtypeStruct((_EP // _D, _D), jnp.int32),
    )(t2, s2)
    flat3 = flat.reshape(_NW, _NCH, _CH)
    zeros = jnp.zeros((_NP, _D), jnp.float32)

    parts = _sc_agg(y2, flat3, dst3, zeros)

    h = pl.pallas_call(
        _final_body,
        grid=(_NB,),
        in_specs=[
            pl.BlockSpec((_BN, _D), lambda i: (i, 0)),
            pl.BlockSpec((_NC, _BN, _D), lambda i: (0, i, 0)),
        ],
        out_specs=pl.BlockSpec((_BN, _D), lambda i: (i, 0)),
        out_shape=jax.ShapeDtypeStruct((_N, _D), jnp.float32),
    )(lin, parts)
    return h

# --- scband reference (transcript-rebuilt; emitter-appended) ---
"""Pipeline reference for scband-rnscn-6330781795144 (READ-ONLY COPY).

The authoritative reference and input builder live on the scoring server;
editing this copy changes nothing except your own understanding.
"""

import jax, jax.numpy as jnp
import numpy as np

N = 10000
E = 320000
D_FEAT = 128
D_HID = 128
R = 16


def setup_inputs(seed: int = 0) -> dict:
    key = jax.random.key(seed)
    ks = jax.random.split(key, 8)
    x = jax.random.normal(ks[0], (N, D_FEAT), dtype=jnp.float32)
    edge_index = jax.random.randint(ks[1], (2, E), 0, N, dtype=jnp.int32)
    edge_type = jax.random.randint(ks[2], (E,), 0, R, dtype=jnp.int32)
    # learned parameters (keras 'uniform' initializer ~ U(-0.05, 0.05); 'zeros' for bias)
    w_wordvec_hidden = jax.random.uniform(ks[3], (D_HID, D_FEAT), dtype=jnp.float32, minval=-0.05, maxval=0.05)
    b_wordvec_hidden = jnp.zeros((D_HID,), dtype=jnp.float32)
    w_hidden_relation = jax.random.uniform(ks[4], (D_HID, D_HID), dtype=jnp.float32, minval=-0.05, maxval=0.05)
    ws_relation_hidden = jax.random.uniform(ks[5], (R, D_HID, D_HID), dtype=jnp.float32, minval=-0.05, maxval=0.05)
    return {
        'x': x,
        'edge_index': edge_index,
        'edge_type': edge_type,
        'w_wordvec_hidden': w_wordvec_hidden,
        'b_wordvec_hidden': b_wordvec_hidden,
        'w_hidden_relation': w_hidden_relation,
        'ws_relation_hidden': ws_relation_hidden,
    }


def reference(x, edge_index, edge_type, w_wordvec_hidden, b_wordvec_hidden, w_hidden_relation, ws_relation_hidden):
    # RNSCN per-node math, vectorized as one message-passing step over the dependency graph:
    #   focusHiddenSimple = tanh(W_wh @ wordvec + b)            (leaf / simple hidden)
    #   child message     = ws_relation[rel] @ (W_hr @ h_child)  (relation-typed transform)
    #   focusHidden       = tanh(W_wh @ wordvec + b + sum_children messages)
    src = edge_index[0]
    dst = edge_index[1]
    lin = x @ w_wordvec_hidden.T + b_wordvec_hidden            # [N, D_HID]
    h0 = jnp.tanh(lin)                                          # focusHiddenSimple for every node
    # fuse relation weight with hidden->relation projection: M_r = ws_rel[r] @ W_hr
    M = jnp.einsum('rij,jk->rik', ws_relation_hidden, w_hidden_relation)  # [R, D_HID, D_HID]
    # precompute per-relation transformed hiddens, then gather per edge
    Y = jnp.einsum('nd,rkd->rnk', h0, M)                        # [R, N, D_HID]
    flat_idx = edge_type * N + src
    msg = jnp.take(Y.reshape(R * N, D_HID), flat_idx, axis=0)  # [E, D_HID]
    agg = jax.ops.segment_sum(msg, dst, num_segments=N)         # scatter-add to parent nodes
    h = jnp.tanh(lin + agg)                                     # focusHidden
    return h

if __name__ == "__main__":
    import jax
    _d = setup_inputs()
    print(jax.jit(kernel)(*tuple(_d.values())))

</pallas_src>

<mosaic_0001>
#map = affine_map<(d0, d1) -> (0, 0)>
#map1 = affine_map<(d0, d1) -> (0, 0, 0)>
module attributes {stable_mosaic.version = 14 : i64} {
  func.func @k(%arg0: i32, %arg1: i32, %arg2: memref<160000x128xf32, #tpu.memory_space<hbm>>, %arg3: memref<32x320x32xi32, #tpu.memory_space<hbm>>, %arg4: memref<32x320x32xi32, #tpu.memory_space<hbm>>, %arg5: memref<10240x128xf32, #tpu.memory_space<hbm>>, %arg6: memref<2x10240x128xf32, #tpu.memory_space<hbm>>, %arg7: memref<80x32xi32, #tpu.memory_space<vmem>>, %arg8: memref<80x32xi32, #tpu.memory_space<vmem>>, %arg9: memref<32x128xf32, #tpu.memory_space<vmem>>, %arg10: memref<32x128xf32, #tpu.memory_space<vmem>>, %arg11: memref<32x128xf32, #tpu.memory_space<vmem>>, %arg12: memref<32x128xf32, #tpu.memory_space<vmem>>, %arg13: memref<32x128xf32, #tpu.memory_space<vmem>>, %arg14: memref<10240x128xf32, #tpu.memory_space<vmem_shared>>, %arg15: memref<!tpu.dma_semaphore, #tpu.memory_space<semaphore_mem>>, %arg16: memref<!tpu.dma_semaphore, #tpu.memory_space<semaphore_mem>>, %arg17: memref<!tpu.dma_semaphore, #tpu.memory_space<semaphore_mem>>, %arg18: memref<!tpu.dma_semaphore, #tpu.memory_space<semaphore_mem>>, %arg19: memref<!tpu.dma_semaphore, #tpu.memory_space<semaphore_mem>>) attributes {dimension_semantics = [#tpu.dimension_semantics<core_parallel>, #tpu.dimension_semantics<subcore_parallel>], iteration_bounds = array<i64: 2, 16>, scalar_prefetch = 0 : i64, scratch_operands = 13 : i64, tpu.core_type = #tpu.core_type<sc_vector_subcore>, window_params = [{transform_indices = #map}, {transform_indices = #map1}, {transform_indices = #map1}, {transform_indices = #map}, {transform_indices = #map1}]} {
    %mul3A = arith.constant 2 : i32
    %mul3A_0 = arith.muli %arg1, %mul3A : i32
    %add3A = arith.addi %mul3A_0, %arg0 : i32
    %mul3A_1 = arith.constant 640 : i32
    %mul3A_2 = arith.muli %arg1, %mul3A_1 : i32
    %mul3A_3 = arith.constant 640 : i32
    %mul3A_4 = arith.muli %arg1, %mul3A_3 : i32
    "tpu.region"() ({
      %run_scoped3A = tpu.sem_alloc : memref<!tpu.dma_semaphore, #tpu.memory_space<semaphore_mem>>
      %dma_start3A_311 = arith.constant 0 : i32
      %dma_start3A_312 = tpu.memref_slice %arg14[%mul3A_4, %dma_start3A_311] : memref<10240x128xf32, #tpu.memory_space<vmem_shared>> -> memref<640x128xf32, #tpu.memory_space<vmem_shared>>
      %dma_start3A_313 = arith.constant 0 : i32
      %dma_start3A_314 = tpu.memref_slice %arg5[%mul3A_2, %dma_start3A_313] : memref<10240x128xf32, #tpu.memory_space<hbm>> -> memref<640x128xf32, #tpu.memory_space<hbm>>
      tpu.enqueue_dma source(%dma_start3A_314 : memref<640x128xf32, #tpu.memory_space<hbm>>) target(%dma_start3A_312 : memref<640x128xf32, #tpu.memory_space<vmem_shared>>) target_semaphore(%run_scoped3A : memref<!tpu.dma_semaphore, #tpu.memory_space<semaphore_mem>>)
      %dma_wait3A_315 = arith.constant 0 : i32
      %dma_wait3A_316 = tpu.memref_slice %arg14[%mul3A_4, %dma_wait3A_315] : memref<10240x128xf32, #tpu.memory_space<vmem_shared>> -> memref<640x128xf32, #tpu.memory_space<vmem_shared>>
      %dma_wait3A_317 = arith.constant 0 : i32
      %dma_wait3A_318 = tpu.memref_slice %arg5[%mul3A_2, %dma_wait3A_317] : memref<10240x128xf32, #tpu.memory_space<hbm>> -> memref<640x128xf32, #tpu.memory_space<hbm>>
      tpu.wait_dma2 semaphore(%run_scoped3A : memref<!tpu.dma_semaphore, #tpu.memory_space<semaphore_mem>>) src(%dma_wait3A_318 : memref<640x128xf32, #tpu.memory_space<hbm>>) dst(%dma_wait3A_316 : memref<640x128xf32, #tpu.memory_space<vmem_shared>>)
      tpu.yield
    }) : () -> ()
    %barrier3A = arith.constant 0 : index
    tpu.barrier barrier_id(%barrier3A)
    "tpu.region"() ({
      %run_scoped3A = tpu.sem_alloc : memref<!tpu.dma_semaphore, #tpu.memory_space<semaphore_mem>>
      %dma_start3A_311 = arith.constant 0 : i32
      %dma_start3A_312 = arith.constant 0 : i32
      %dma_start3A_313 = tpu.memref_slice %arg3[%add3A, %dma_start3A_311, %dma_start3A_312] : memref<32x320x32xi32, #tpu.memory_space<hbm>> -> memref<1x80x32xi32, #tpu.memory_space<hbm>>
      %dma_start3A_314 = tpu.memref_squeeze %dma_start3A_313 : memref<1x80x32xi32, #tpu.memory_space<hbm>> -> memref<80x32xi32, #tpu.memory_space<hbm>>
      %dma_start3A_315 = arith.constant 0 : i32
      %dma_start3A_316 = arith.constant 0 : i32
      %dma_start3A_317 = tpu.memref_slice %arg3[%add3A, %dma_start3A_315, %dma_start3A_316] : memref<32x320x32xi32, #tpu.memory_space<hbm>> -> memref<1x80x32xi32, #tpu.memory_space<hbm>>
      %dma_start3A_318 = tpu.memref_squeeze %dma_start3A_317 : memref<1x80x32xi32, #tpu.memory_space<hbm>> -> memref<80x32xi32, #tpu.memory_space<hbm>>
      tpu.enqueue_dma source(%dma_start3A_318 : memref<80x32xi32, #tpu.memory_space<hbm>>) target(%arg7 : memref<80x32xi32, #tpu.memory_space<vmem>>) target_semaphore(%run_scoped3A : memref<!tpu.dma_semaphore, #tpu.memory_space<semaphore_mem>>)
      %dma_wait3A_319 = arith.constant 0 : i32
      %dma_wait3A_320 = arith.constant 0 : i32
      %dma_wait3A_321 = tpu.memref_slice %arg3[%add3A, %dma_wait3A_319, %dma_wait3A_320] : memref<32x320x32xi32, #tpu.memory_space<hbm>> -> memref<1x80x32xi32, #tpu.memory_space<hbm>>
      %dma_wait3A_322 = tpu.memref_squeeze %dma_wait3A_321 : memref<1x80x32xi32, #tpu.memory_space<hbm>> -> memref<80x32xi32, #tpu.memory_space<hbm>>
      %dma_wait3A_323 = arith.constant 0 : i32
      %dma_wait3A_324 = arith.constant 0 : i32
      %dma_wait3A_325 = tpu.memref_slice %arg3[%add3A, %dma_wait3A_323, %dma_wait3A_324] : memref<32x320x32xi32, #tpu.memory_space<hbm>> -> memref<1x80x32xi32, #tpu.memory_space<hbm>>
      %dma_wait3A_326 = tpu.memref_squeeze %dma_wait3A_325 : memref<1x80x32xi32, #tpu.memory_space<hbm>> -> memref<80x32xi32, #tpu.memory_space<hbm>>
      tpu.wait_dma2 semaphore(%run_scoped3A : memref<!tpu.dma_semaphore, #tpu.memory_space<semaphore_mem>>) src(%dma_wait3A_326 : memref<80x32xi32, #tpu.memory_space<hbm>>) dst(%arg7 : memref<80x32xi32, #tpu.memory_space<vmem>>)
      tpu.yield
    }) : () -> ()
    "tpu.region"() ({
      %run_scoped3A = tpu.sem_alloc : memref<!tpu.dma_semaphore, #tpu.memory_space<semaphore_mem>>
      %dma_start3A_311 = arith.constant 0 : i32
      %dma_start3A_312 = arith.constant 0 : i32
      %dma_start3A_313 = tpu.memref_slice %arg4[%add3A, %dma_start3A_311, %dma_start3A_312] : memref<32x320x32xi32, #tpu.memory_space<hbm>> -> memref<1x80x32xi32, #tpu.memory_space<hbm>>
      %dma_start3A_314 = tpu.memref_squeeze %dma_start3A_313 : memref<1x80x32xi32, #tpu.memory_space<hbm>> -> memref<80x32xi32, #tpu.memory_space<hbm>>
      %dma_start3A_315 = arith.constant 0 : i32
      %dma_start3A_316 = arith.constant 0 : i32
      %dma_start3A_317 = tpu.memref_slice %arg4[%add3A, %dma_start3A_315, %dma_start3A_316] : memref<32x320x32xi32, #tpu.memory_space<hbm>> -> memref<1x80x32xi32, #tpu.memory_space<hbm>>
      %dma_start3A_318 = tpu.memref_squeeze %dma_start3A_317 : memref<1x80x32xi32, #tpu.memory_space<hbm>> -> memref<80x32xi32, #tpu.memory_space<hbm>>
      tpu.enqueue_dma source(%dma_start3A_318 : memref<80x32xi32, #tpu.memory_space<hbm>>) target(%arg8 : memref<80x32xi32, #tpu.memory_space<vmem>>) target_semaphore(%run_scoped3A : memref<!tpu.dma_semaphore, #tpu.memory_space<semaphore_mem>>)
      %dma_wait3A_319 = arith.constant 0 : i32
      %dma_wait3A_320 = arith.constant 0 : i32
      %dma_wait3A_321 = tpu.memref_slice %arg4[%add3A, %dma_wait3A_319, %dma_wait3A_320] : memref<32x320x32xi32, #tpu.memory_space<hbm>> -> memref<1x80x32xi32, #tpu.memory_space<hbm>>
      %dma_wait3A_322 = tpu.memref_squeeze %dma_wait3A_321 : memref<1x80x32xi32, #tpu.memory_space<hbm>> -> memref<80x32xi32, #tpu.memory_space<hbm>>
      %dma_wait3A_323 = arith.constant 0 : i32
      %dma_wait3A_324 = arith.constant 0 : i32
      %dma_wait3A_325 = tpu.memref_slice %arg4[%add3A, %dma_wait3A_323, %dma_wait3A_324] : memref<32x320x32xi32, #tpu.memory_space<hbm>> -> memref<1x80x32xi32, #tpu.memory_space<hbm>>
      %dma_wait3A_326 = tpu.memref_squeeze %dma_wait3A_325 : memref<1x80x32xi32, #tpu.memory_space<hbm>> -> memref<80x32xi32, #tpu.memory_space<hbm>>
      tpu.wait_dma2 semaphore(%run_scoped3A : memref<!tpu.dma_semaphore, #tpu.memory_space<semaphore_mem>>) src(%dma_wait3A_326 : memref<80x32xi32, #tpu.memory_space<hbm>>) dst(%arg8 : memref<80x32xi32, #tpu.memory_space<vmem>>)
      tpu.yield
    }) : () -> ()
    %dma_start3A = arith.constant 0 : i32
    %dma_start3A_5 = arith.constant 0 : i32
    %dma_start3A_6 = tpu.memref_slice %arg7[%dma_start3A, %dma_start3A_5] : memref<80x32xi32, #tpu.memory_space<vmem>> -> memref<1x32xi32, #tpu.memory_space<vmem>>
    %dma_start3A_7 = tpu.memref_squeeze %dma_start3A_6 : memref<1x32xi32, #tpu.memory_space<vmem>> -> memref<32xi32, #tpu.memory_space<vmem>>
    %dma_start3A_8 = arith.constant 0 : i32
    %dma_start3A_9 = arith.constant 0 : i32
    %dma_start3A_10 = tpu.memref_slice %arg2[%dma_start3A_8, %dma_start3A_9] : memref<160000x128xf32, #tpu.memory_space<hbm>> -> memref<160000x128xf32, #tpu.memory_space<hbm>>
    tpu.enqueue_indirect_dma source(%dma_start3A_10 : memref<160000x128xf32, #tpu.memory_space<hbm>>) target(%arg9 : memref<32x128xf32, #tpu.memory_space<vmem>>) offsets(%dma_start3A_7 : memref<32xi32, #tpu.memory_space<vmem>>) semaphore(%arg15 : memref<!tpu.dma_semaphore, #tpu.memory_space<semaphore_mem>>)
    %dma_start3A_11 = arith.constant 1 : i32
    %dma_start3A_12 = arith.constant 0 : i32
    %dma_start3A_13 = tpu.memref_slice %arg7[%dma_start3A_11, %dma_start3A_12] : memref<80x32xi32, #tpu.memory_space<vmem>> -> memref<1x32xi32, #tpu.memory_space<vmem>>
    %dma_start3A_14 = tpu.memref_squeeze %dma_start3A_13 : memref<1x32xi32, #tpu.memory_space<vmem>> -> memref<32xi32, #tpu.memory_space<vmem>>
    %dma_start3A_15 = arith.constant 0 : i32
    %dma_start3A_16 = arith.constant 0 : i32
    %dma_start3A_17 = tpu.memref_slice %arg2[%dma_start3A_15, %dma_start3A_16] : memref<160000x128xf32, #tpu.memory_space<hbm>> -> memref<160000x128xf32, #tpu.memory_space<hbm>>
    tpu.enqueue_indirect_dma source(%dma_start3A_17 : memref<160000x128xf32, #tpu.memory_space<hbm>>) target(%arg10 : memref<32x128xf32, #tpu.memory_space<vmem>>) offsets(%dma_start3A_14 : memref<32xi32, #tpu.memory_space<vmem>>) semaphore(%arg16 : memref<!tpu.dma_semaphore, #tpu.memory_space<semaphore_mem>>)
    %dma_start3A_18 = arith.constant 2 : i32
    %dma_start3A_19 = arith.constant 0 : i32
    %dma_start3A_20 = tpu.memref_slice %arg7[%dma_start3A_18, %dma_start3A_19] : memref<80x32xi32, #tpu.memory_space<vmem>> -> memref<1x32xi32, #tpu.memory_space<vmem>>
    %dma_start3A_21 = tpu.memref_squeeze %dma_start3A_20 : memref<1x32xi32, #tpu.memory_space<vmem>> -> memref<32xi32, #tpu.memory_space<vmem>>
    %dma_start3A_22 = arith.constant 0 : i32
    %dma_start3A_23 = arith.constant 0 : i32
    %dma_start3A_24 = tpu.memref_slice %arg2[%dma_start3A_22, %dma_start3A_23] : memref<160000x128xf32, #tpu.memory_space<hbm>> -> memref<160000x128xf32, #tpu.memory_space<hbm>>
    tpu.enqueue_indirect_dma source(%dma_start3A_24 : memref<160000x128xf32, #tpu.memory_space<hbm>>) target(%arg11 : memref<32x128xf32, #tpu.memory_space<vmem>>) offsets(%dma_start3A_21 : memref<32xi32, #tpu.memory_space<vmem>>) semaphore(%arg17 : memref<!tpu.dma_semaphore, #tpu.memory_space<semaphore_mem>>)
    %dma_start3A_25 = arith.constant 3 : i32
    %dma_start3A_26 = arith.constant 0 : i32
    %dma_start3A_27 = tpu.memref_slice %arg7[%dma_start3A_25, %dma_start3A_26] : memref<80x32xi32, #tpu.memory_space<vmem>> -> memref<1x32xi32, #tpu.memory_space<vmem>>
    %dma_start3A_28 = tpu.memref_squeeze %dma_start3A_27 : memref<1x32xi32, #tpu.memory_space<vmem>> -> memref<32xi32, #tpu.memory_space<vmem>>
    %dma_start3A_29 = arith.constant 0 : i32
    %dma_start3A_30 = arith.constant 0 : i32
    %dma_start3A_31 = tpu.memref_slice %arg2[%dma_start3A_29, %dma_start3A_30] : memref<160000x128xf32, #tpu.memory_space<hbm>> -> memref<160000x128xf32, #tpu.memory_space<hbm>>
    tpu.enqueue_indirect_dma source(%dma_start3A_31 : memref<160000x128xf32, #tpu.memory_space<hbm>>) target(%arg12 : memref<32x128xf32, #tpu.memory_space<vmem>>) offsets(%dma_start3A_28 : memref<32xi32, #tpu.memory_space<vmem>>) semaphore(%arg18 : memref<!tpu.dma_semaphore, #tpu.memory_space<semaphore_mem>>)
    %dma_start3A_32 = arith.constant 4 : i32
    %dma_start3A_33 = arith.constant 0 : i32
    %dma_start3A_34 = tpu.memref_slice %arg7[%dma_start3A_32, %dma_start3A_33] : memref<80x32xi32, #tpu.memory_space<vmem>> -> memref<1x32xi32, #tpu.memory_space<vmem>>
    %dma_start3A_35 = tpu.memref_squeeze %dma_start3A_34 : memref<1x32xi32, #tpu.memory_space<vmem>> -> memref<32xi32, #tpu.memory_space<vmem>>
    %dma_start3A_36 = arith.constant 0 : i32
    %dma_start3A_37 = arith.constant 0 : i32
    %dma_start3A_38 = tpu.memref_slice %arg2[%dma_start3A_36, %dma_start3A_37] : memref<160000x128xf32, #tpu.memory_space<hbm>> -> memref<160000x128xf32, #tpu.memory_space<hbm>>
    tpu.enqueue_indirect_dma source(%dma_start3A_38 : memref<160000x128xf32, #tpu.memory_space<hbm>>) target(%arg13 : memref<32x128xf32, #tpu.memory_space<vmem>>) offsets(%dma_start3A_35 : memref<32xi32, #tpu.memory_space<vmem>>) semaphore(%arg19 : memref<!tpu.dma_semaphore, #tpu.memory_space<semaphore_mem>>)
    %scan3A = arith.constant 0 : i32
    %scan3A_39 = arith.constant 0 : i32
    %scan3A_40 = arith.constant 16 : i32
    %scan3A_41 = arith.addi %scan3A_39, %scan3A_40 : i32
    %scan3A_42 = arith.constant 1 : i32
    scf.for %scan3A_311 = %scan3A_39 to %scan3A_41 step %scan3A_42  : i32 {
      %mul3A_312 = arith.constant 5 : i32
      %mul3A_313 = arith.muli %mul3A_312, %scan3A_311 : i32
      %add3A_314 = arith.constant 0 : i32
      %add3A_315 = arith.addi %mul3A_313, %add3A_314 : i32
      %dma_wait3A_316 = arith.constant 0 : i32
      %dma_wait3A_317 = tpu.memref_slice %arg7[%add3A_315, %dma_wait3A_316] : memref<80x32xi32, #tpu.memory_space<vmem>> -> memref<1x32xi32, #tpu.memory_space<vmem>>
      %dma_wait3A_318 = tpu.memref_squeeze %dma_wait3A_317 : memref<1x32xi32, #tpu.memory_space<vmem>> -> memref<32xi32, #tpu.memory_space<vmem>>
      %dma_wait3A_319 = arith.constant 0 : i32
      %dma_wait3A_320 = arith.constant 0 : i32
      %dma_wait3A_321 = tpu.memref_slice %arg2[%dma_wait3A_319, %dma_wait3A_320] : memref<160000x128xf32, #tpu.memory_space<hbm>> -> memref<160000x128xf32, #tpu.memory_space<hbm>>
      tpu.wait_indirect_dma semaphore(%arg15 : memref<!tpu.dma_semaphore, #tpu.memory_space<semaphore_mem>>) src(%dma_wait3A_321 : memref<160000x128xf32, #tpu.memory_space<hbm>>) dst(%arg9 : memref<32x128xf32, #tpu.memory_space<vmem>>)
      "tpu.region"() ({
        %run_scoped3A = tpu.sem_alloc : memref<!tpu.dma_semaphore, #tpu.memory_space<semaphore_mem>>
        %dma_start3A_411 = arith.constant 0 : i32
        %dma_start3A_412 = tpu.memref_slice %arg8[%add3A_315, %dma_start3A_411] : memref<80x32xi32, #tpu.memory_space<vmem>> -> memref<1x32xi32, #tpu.memory_space<vmem>>
        %dma_start3A_413 = tpu.memref_squeeze %dma_start3A_412 : memref<1x32xi32, #tpu.memory_space<vmem>> -> memref<32xi32, #tpu.memory_space<vmem>>
        %dma_start3A_414 = arith.constant 0 : i32
        %dma_start3A_415 = arith.constant 0 : i32
        %dma_start3A_416 = tpu.memref_slice %arg14[%dma_start3A_414, %dma_start3A_415] : memref<10240x128xf32, #tpu.memory_space<vmem_shared>> -> memref<10240x128xf32, #tpu.memory_space<vmem_shared>>
        tpu.enqueue_indirect_dma source(%arg9 : memref<32x128xf32, #tpu.memory_space<vmem>>) target(%dma_start3A_416 : memref<10240x128xf32, #tpu.memory_space<vmem_shared>>) offsets(%dma_start3A_413 : memref<32xi32, #tpu.memory_space<vmem>>) semaphore(%run_scoped3A : memref<!tpu.dma_semaphore, #tpu.memory_space<semaphore_mem>>) {add = true}
        %dma_wait3A_417 = arith.constant 0 : i32
        %dma_wait3A_418 = tpu.memref_slice %arg8[%add3A_315, %dma_wait3A_417] : memref<80x32xi32, #tpu.memory_space<vmem>> -> memref<1x32xi32, #tpu.memory_space<vmem>>
        %dma_wait3A_419 = tpu.memref_squeeze %dma_wait3A_418 : memref<1x32xi32, #tpu.memory_space<vmem>> -> memref<32xi32, #tpu.memory_space<vmem>>
        %dma_wait3A_420 = arith.constant 0 : i32
        %dma_wait3A_421 = arith.constant 0 : i32
        %dma_wait3A_422 = tpu.memref_slice %arg14[%dma_wait3A_420, %dma_wait3A_421] : memref<10240x128xf32, #tpu.memory_space<vmem_shared>> -> memref<10240x128xf32, #tpu.memory_space<vmem_shared>>
        tpu.wait_indirect_dma semaphore(%run_scoped3A : memref<!tpu.dma_semaphore, #tpu.memory_space<semaphore_mem>>) src(%arg9 : memref<32x128xf32, #tpu.memory_space<vmem>>) dst(%dma_wait3A_422 : memref<10240x128xf32, #tpu.memory_space<vmem_shared>>)
        tpu.yield
      }) : () -> ()
      %add3A_322 = arith.constant 5 : i32
      %add3A_323 = arith.addi %add3A_315, %add3A_322 : i32
      %min3A = arith.constant 79 : i32
      %min3A_324 = arith.minsi %add3A_323, %min3A : i32
      %dma_start3A_325 = arith.constant 0 : i32
      %dma_start3A_326 = tpu.memref_slice %arg7[%min3A_324, %dma_start3A_325] : memref<80x32xi32, #tpu.memory_space<vmem>> -> memref<1x32xi32, #tpu.memory_space<vmem>>
      %dma_start3A_327 = tpu.memref_squeeze %dma_start3A_326 : memref<1x32xi32, #tpu.memory_space<vmem>> -> memref<32xi32, #tpu.memory_space<vmem>>
      %dma_start3A_328 = arith.constant 0 : i32
      %dma_start3A_329 = arith.constant 0 : i32
      %dma_start3A_330 = tpu.memref_slice %arg2[%dma_start3A_328, %dma_start3A_329] : memref<160000x128xf32, #tpu.memory_space<hbm>> -> memref<160000x128xf32, #tpu.memory_space<hbm>>
      tpu.enqueue_indirect_dma source(%dma_start3A_330 : memref<160000x128xf32, #tpu.memory_space<hbm>>) target(%arg9 : memref<32x128xf32, #tpu.memory_space<vmem>>) offsets(%dma_start3A_327 : memref<32xi32, #tpu.memory_space<vmem>>) semaphore(%arg15 : memref<!tpu.dma_semaphore, #tpu.memory_space<semaphore_mem>>)
      %mul3A_331 = arith.constant 5 : i32
      %mul3A_332 = arith.muli %mul3A_331, %scan3A_311 : i32
      %add3A_333 = arith.constant 1 : i32
      %add3A_334 = arith.addi %mul3A_332, %add3A_333 : i32
      %dma_wait3A_335 = arith.constant 0 : i32
      %dma_wait3A_336 = tpu.memref_slice %arg7[%add3A_334, %dma_wait3A_335] : memref<80x32xi32, #tpu.memory_space<vmem>> -> memref<1x32xi32, #tpu.memory_space<vmem>>
      %dma_wait3A_337 = tpu.memref_squeeze %dma_wait3A_336 : memref<1x32xi32, #tpu.memory_space<vmem>> -> memref<32xi32, #tpu.memory_space<vmem>>
      %dma_wait3A_338 = arith.constant 0 : i32
      %dma_wait3A_339 = arith.constant 0 : i32
      %dma_wait3A_340 = tpu.memref_slice %arg2[%dma_wait3A_338, %dma_wait3A_339] : memref<160000x128xf32, #tpu.memory_space<hbm>> -> memref<160000x128xf32, #tpu.memory_space<hbm>>
      tpu.wait_indirect_dma semaphore(%arg16 : memref<!tpu.dma_semaphore, #tpu.memory_space<semaphore_mem>>) src(%dma_wait3A_340 : memref<160000x128xf32, #tpu.memory_space<hbm>>) dst(%arg10 : memref<32x128xf32, #tpu.memory_space<vmem>>)
      "tpu.region"() ({
        %run_scoped3A = tpu.sem_alloc : memref<!tpu.dma_semaphore, #tpu.memory_space<semaphore_mem>>
        %dma_start3A_411 = arith.constant 0 : i32
        %dma_start3A_412 = tpu.memref_slice %arg8[%add3A_334, %dma_start3A_411] : memref<80x32xi32, #tpu.memory_space<vmem>> -> memref<1x32xi32, #tpu.memory_space<vmem>>
        %dma_start3A_413 = tpu.memref_squeeze %dma_start3A_412 : memref<1x32xi32, #tpu.memory_space<vmem>> -> memref<32xi32, #tpu.memory_space<vmem>>
        %dma_start3A_414 = arith.constant 0 : i32
        %dma_start3A_415 = arith.constant 0 : i32
        %dma_start3A_416 = tpu.memref_slice %arg14[%dma_start3A_414, %dma_start3A_415] : memref<10240x128xf32, #tpu.memory_space<vmem_shared>> -> memref<10240x128xf32, #tpu.memory_space<vmem_shared>>
        tpu.enqueue_indirect_dma source(%arg10 : memref<32x128xf32, #tpu.memory_space<vmem>>) target(%dma_start3A_416 : memref<10240x128xf32, #tpu.memory_space<vmem_shared>>) offsets(%dma_start3A_413 : memref<32xi32, #tpu.memory_space<vmem>>) semaphore(%run_scoped3A : memref<!tpu.dma_semaphore, #tpu.memory_space<semaphore_mem>>) {add = true}
        %dma_wait3A_417 = arith.constant 0 : i32
        %dma_wait3A_418 = tpu.memref_slice %arg8[%add3A_334, %dma_wait3A_417] : memref<80x32xi32, #tpu.memory_space<vmem>> -> memref<1x32xi32, #tpu.memory_space<vmem>>
        %dma_wait3A_419 = tpu.memref_squeeze %dma_wait3A_418 : memref<1x32xi32, #tpu.memory_space<vmem>> -> memref<32xi32, #tpu.memory_space<vmem>>
        %dma_wait3A_420 = arith.constant 0 : i32
        %dma_wait3A_421 = arith.constant 0 : i32
        %dma_wait3A_422 = tpu.memref_slice %arg14[%dma_wait3A_420, %dma_wait3A_421] : memref<10240x128xf32, #tpu.memory_space<vmem_shared>> -> memref<10240x128xf32, #tpu.memory_space<vmem_shared>>
        tpu.wait_indirect_dma semaphore(%run_scoped3A : memref<!tpu.dma_semaphore, #tpu.memory_space<semaphore_mem>>) src(%arg10 : memref<32x128xf32, #tpu.memory_space<vmem>>) dst(%dma_wait3A_422 : memref<10240x128xf32, #tpu.memory_space<vmem_shared>>)
        tpu.yield
      }) : () -> ()
      %add3A_341 = arith.constant 5 : i32
      %add3A_342 = arith.addi %add3A_334, %add3A_341 : i32
      %min3A_343 = arith.constant 79 : i32
      %min3A_344 = arith.minsi %add3A_342, %min3A_343 : i32
      %dma_start3A_345 = arith.constant 0 : i32
      %dma_start3A_346 = tpu.memref_slice %arg7[%min3A_344, %dma_start3A_345] : memref<80x32xi32, #tpu.memory_space<vmem>> -> memref<1x32xi32, #tpu.memory_space<vmem>>
      %dma_start3A_347 = tpu.memref_squeeze %dma_start3A_346 : memref<1x32xi32, #tpu.memory_space<vmem>> -> memref<32xi32, #tpu.memory_space<vmem>>
      %dma_start3A_348 = arith.constant 0 : i32
      %dma_start3A_349 = arith.constant 0 : i32
      %dma_start3A_350 = tpu.memref_slice %arg2[%dma_start3A_348, %dma_start3A_349] : memref<160000x128xf32, #tpu.memory_space<hbm>> -> memref<160000x128xf32, #tpu.memory_space<hbm>>
      tpu.enqueue_indirect_dma source(%dma_start3A_350 : memref<160000x128xf32, #tpu.memory_space<hbm>>) target(%arg10 : memref<32x128xf32, #tpu.memory_space<vmem>>) offsets(%dma_start3A_347 : memref<32xi32, #tpu.memory_space<vmem>>) semaphore(%arg16 : memref<!tpu.dma_semaphore, #tpu.memory_space<semaphore_mem>>)
      %mul3A_351 = arith.constant 5 : i32
      %mul3A_352 = arith.muli %mul3A_351, %scan3A_311 : i32
      %add3A_353 = arith.constant 2 : i32
      %add3A_354 = arith.addi %mul3A_352, %add3A_353 : i32
      %dma_wait3A_355 = arith.constant 0 : i32
      %dma_wait3A_356 = tpu.memref_slice %arg7[%add3A_354, %dma_wait3A_355] : memref<80x32xi32, #tpu.memory_space<vmem>> -> memref<1x32xi32, #tpu.memory_space<vmem>>
      %dma_wait3A_357 = tpu.memref_squeeze %dma_wait3A_356 : memref<1x32xi32, #tpu.memory_space<vmem>> -> memref<32xi32, #tpu.memory_space<vmem>>
      %dma_wait3A_358 = arith.constant 0 : i32
      %dma_wait3A_359 = arith.constant 0 : i32
      %dma_wait3A_360 = tpu.memref_slice %arg2[%dma_wait3A_358, %dma_wait3A_359] : memref<160000x128xf32, #tpu.memory_space<hbm>> -> memref<160000x128xf32, #tpu.memory_space<hbm>>
      tpu.wait_indirect_dma semaphore(%arg17 : memref<!tpu.dma_semaphore, #tpu.memory_space<semaphore_mem>>) src(%dma_wait3A_360 : memref<160000x128xf32, #tpu.memory_space<hbm>>) dst(%arg11 : memref<32x128xf32, #tpu.memory_space<vmem>>)
      "tpu.region"() ({
        %run_scoped3A = tpu.sem_alloc : memref<!tpu.dma_semaphore, #tpu.memory_space<semaphore_mem>>
        %dma_start3A_411 = arith.constant 0 : i32
        %dma_start3A_412 = tpu.memref_slice %arg8[%add3A_354, %dma_start3A_411] : memref<80x32xi32, #tpu.memory_space<vmem>> -> memref<1x32xi32, #tpu.memory_space<vmem>>
        %dma_start3A_413 = tpu.memref_squeeze %dma_start3A_412 : memref<1x32xi32, #tpu.memory_space<vmem>> -> memref<32xi32, #tpu.memory_space<vmem>>
        %dma_start3A_414 = arith.constant 0 : i32
        %dma_start3A_415 = arith.constant 0 : i32
        %dma_start3A_416 = tpu.memref_slice %arg14[%dma_start3A_414, %dma_start3A_415] : memref<10240x128xf32, #tpu.memory_space<vmem_shared>> -> memref<10240x128xf32, #tpu.memory_space<vmem_shared>>
        tpu.enqueue_indirect_dma source(%arg11 : memref<32x128xf32, #tpu.memory_space<vmem>>) target(%dma_start3A_416 : memref<10240x128xf32, #tpu.memory_space<vmem_shared>>) offsets(%dma_start3A_413 : memref<32xi32, #tpu.memory_space<vmem>>) semaphore(%run_scoped3A : memref<!tpu.dma_semaphore, #tpu.memory_space<semaphore_mem>>) {add = true}
        %dma_wait3A_417 = arith.constant 0 : i32
        %dma_wait3A_418 = tpu.memref_slice %arg8[%add3A_354, %dma_wait3A_417] : memref<80x32xi32, #tpu.memory_space<vmem>> -> memref<1x32xi32, #tpu.memory_space<vmem>>
        %dma_wait3A_419 = tpu.memref_squeeze %dma_wait3A_418 : memref<1x32xi32, #tpu.memory_space<vmem>> -> memref<32xi32, #tpu.memory_space<vmem>>
        %dma_wait3A_420 = arith.constant 0 : i32
        %dma_wait3A_421 = arith.constant 0 : i32
        %dma_wait3A_422 = tpu.memref_slice %arg14[%dma_wait3A_420, %dma_wait3A_421] : memref<10240x128xf32, #tpu.memory_space<vmem_shared>> -> memref<10240x128xf32, #tpu.memory_space<vmem_shared>>
        tpu.wait_indirect_dma semaphore(%run_scoped3A : memref<!tpu.dma_semaphore, #tpu.memory_space<semaphore_mem>>) src(%arg11 : memref<32x128xf32, #tpu.memory_space<vmem>>) dst(%dma_wait3A_422 : memref<10240x128xf32, #tpu.memory_space<vmem_shared>>)
        tpu.yield
      }) : () -> ()
      %add3A_361 = arith.constant 5 : i32
      %add3A_362 = arith.addi %add3A_354, %add3A_361 : i32
      %min3A_363 = arith.constant 79 : i32
      %min3A_364 = arith.minsi %add3A_362, %min3A_363 : i32
      %dma_start3A_365 = arith.constant 0 : i32
      %dma_start3A_366 = tpu.memref_slice %arg7[%min3A_364, %dma_start3A_365] : memref<80x32xi32, #tpu.memory_space<vmem>> -> memref<1x32xi32, #tpu.memory_space<vmem>>
      %dma_start3A_367 = tpu.memref_squeeze %dma_start3A_366 : memref<1x32xi32, #tpu.memory_space<vmem>> -> memref<32xi32, #tpu.memory_space<vmem>>
      %dma_start3A_368 = arith.constant 0 : i32
      %dma_start3A_369 = arith.constant 0 : i32
      %dma_start3A_370 = tpu.memref_slice %arg2[%dma_start3A_368, %dma_start3A_369] : memref<160000x128xf32, #tpu.memory_space<hbm>> -> memref<160000x128xf32, #tpu.memory_space<hbm>>
      tpu.enqueue_indirect_dma source(%dma_start3A_370 : memref<160000x128xf32, #tpu.memory_space<hbm>>) target(%arg11 : memref<32x128xf32, #tpu.memory_space<vmem>>) offsets(%dma_start3A_367 : memref<32xi32, #tpu.memory_space<vmem>>) semaphore(%arg17 : memref<!tpu.dma_semaphore, #tpu.memory_space<semaphore_mem>>)
      %mul3A_371 = arith.constant 5 : i32
      %mul3A_372 = arith.muli %mul3A_371, %scan3A_311 : i32
      %add3A_373 = arith.constant 3 : i32
      %add3A_374 = arith.addi %mul3A_372, %add3A_373 : i32
      %dma_wait3A_375 = arith.constant 0 : i32
      %dma_wait3A_376 = tpu.memref_slice %arg7[%add3A_374, %dma_wait3A_375] : memref<80x32xi32, #tpu.memory_space<vmem>> -> memref<1x32xi32, #tpu.memory_space<vmem>>
      %dma_wait3A_377 = tpu.memref_squeeze %dma_wait3A_376 : memref<1x32xi32, #tpu.memory_space<vmem>> -> memref<32xi32, #tpu.memory_space<vmem>>
      %dma_wait3A_378 = arith.constant 0 : i32
      %dma_wait3A_379 = arith.constant 0 : i32
      %dma_wait3A_380 = tpu.memref_slice %arg2[%dma_wait3A_378, %dma_wait3A_379] : memref<160000x128xf32, #tpu.memory_space<hbm>> -> memref<160000x128xf32, #tpu.memory_space<hbm>>
      tpu.wait_indirect_dma semaphore(%arg18 : memref<!tpu.dma_semaphore, #tpu.memory_space<semaphore_mem>>) src(%dma_wait3A_380 : memref<160000x128xf32, #tpu.memory_space<hbm>>) dst(%arg12 : memref<32x128xf32, #tpu.memory_space<vmem>>)
      "tpu.region"() ({
        %run_scoped3A = tpu.sem_alloc : memref<!tpu.dma_semaphore, #tpu.memory_space<semaphore_mem>>
        %dma_start3A_411 = arith.constant 0 : i32
        %dma_start3A_412 = tpu.memref_slice %arg8[%add3A_374, %dma_start3A_411] : memref<80x32xi32, #tpu.memory_space<vmem>> -> memref<1x32xi32, #tpu.memory_space<vmem>>
        %dma_start3A_413 = tpu.memref_squeeze %dma_start3A_412 : memref<1x32xi32, #tpu.memory_space<vmem>> -> memref<32xi32, #tpu.memory_space<vmem>>
        %dma_start3A_414 = arith.constant 0 : i32
        %dma_start3A_415 = arith.constant 0 : i32
        %dma_start3A_416 = tpu.memref_slice %arg14[%dma_start3A_414, %dma_start3A_415] : memref<10240x128xf32, #tpu.memory_space<vmem_shared>> -> memref<10240x128xf32, #tpu.memory_space<vmem_shared>>
        tpu.enqueue_indirect_dma source(%arg12 : memref<32x128xf32, #tpu.memory_space<vmem>>) target(%dma_start3A_416 : memref<10240x128xf32, #tpu.memory_space<vmem_shared>>) offsets(%dma_start3A_413 : memref<32xi32, #tpu.memory_space<vmem>>) semaphore(%run_scoped3A : memref<!tpu.dma_semaphore, #tpu.memory_space<semaphore_mem>>) {add = true}
        %dma_wait3A_417 = arith.constant 0 : i32
        %dma_wait3A_418 = tpu.memref_slice %arg8[%add3A_374, %dma_wait3A_417] : memref<80x32xi32, #tpu.memory_space<vmem>> -> memref<1x32xi32, #tpu.memory_space<vmem>>
        %dma_wait3A_419 = tpu.memref_squeeze %dma_wait3A_418 : memref<1x32xi32, #tpu.memory_space<vmem>> -> memref<32xi32, #tpu.memory_space<vmem>>
        %dma_wait3A_420 = arith.constant 0 : i32
        %dma_wait3A_421 = arith.constant 0 : i32
        %dma_wait3A_422 = tpu.memref_slice %arg14[%dma_wait3A_420, %dma_wait3A_421] : memref<10240x128xf32, #tpu.memory_space<vmem_shared>> -> memref<10240x128xf32, #tpu.memory_space<vmem_shared>>
        tpu.wait_indirect_dma semaphore(%run_scoped3A : memref<!tpu.dma_semaphore, #tpu.memory_space<semaphore_mem>>) src(%arg12 : memref<32x128xf32, #tpu.memory_space<vmem>>) dst(%dma_wait3A_422 : memref<10240x128xf32, #tpu.memory_space<vmem_shared>>)
        tpu.yield
      }) : () -> ()
      %add3A_381 = arith.constant 5 : i32
      %add3A_382 = arith.addi %add3A_374, %add3A_381 : i32
      %min3A_383 = arith.constant 79 : i32
      %min3A_384 = arith.minsi %add3A_382, %min3A_383 : i32
      %dma_start3A_385 = arith.constant 0 : i32
      %dma_start3A_386 = tpu.memref_slice %arg7[%min3A_384, %dma_start3A_385] : memref<80x32xi32, #tpu.memory_space<vmem>> -> memref<1x32xi32, #tpu.memory_space<vmem>>
      %dma_start3A_387 = tpu.memref_squeeze %dma_start3A_386 : memref<1x32xi32, #tpu.memory_space<vmem>> -> memref<32xi32, #tpu.memory_space<vmem>>
      %dma_start3A_388 = arith.constant 0 : i32
      %dma_start3A_389 = arith.constant 0 : i32
      %dma_start3A_390 = tpu.memref_slice %arg2[%dma_start3A_388, %dma_start3A_389] : memref<160000x128xf32, #tpu.memory_space<hbm>> -> memref<160000x128xf32, #tpu.memory_space<hbm>>
      tpu.enqueue_indirect_dma source(%dma_start3A_390 : memref<160000x128xf32, #tpu.memory_space<hbm>>) target(%arg12 : memref<32x128xf32, #tpu.memory_space<vmem>>) offsets(%dma_start3A_387 : memref<32xi32, #tpu.memory_space<vmem>>) semaphore(%arg18 : memref<!tpu.dma_semaphore, #tpu.memory_space<semaphore_mem>>)
      %mul3A_391 = arith.constant 5 : i32
      %mul3A_392 = arith.muli %mul3A_391, %scan3A_311 : i32
      %add3A_393 = arith.constant 4 : i32
      %add3A_394 = arith.addi %mul3A_392, %add3A_393 : i32
      %dma_wait3A_395 = arith.constant 0 : i32
      %dma_wait3A_396 = tpu.memref_slice %arg7[%add3A_394, %dma_wait3A_395] : memref<80x32xi32, #tpu.memory_space<vmem>> -> memref<1x32xi32, #tpu.memory_space<vmem>>
      %dma_wait3A_397 = tpu.memref_squeeze %dma_wait3A_396 : memref<1x32xi32, #tpu.memory_space<vmem>> -> memref<32xi32, #tpu.memory_space<vmem>>
      %dma_wait3A_398 = arith.constant 0 : i32
      %dma_wait3A_399 = arith.constant 0 : i32
      %dma_wait3A_400 = tpu.memref_slice %arg2[%dma_wait3A_398, %dma_wait3A_399] : memref<160000x128xf32, #tpu.memory_space<hbm>> -> memref<160000x128xf32, #tpu.memory_space<hbm>>
      tpu.wait_indirect_dma semaphore(%arg19 : memref<!tpu.dma_semaphore, #tpu.memory_space<semaphore_mem>>) src(%dma_wait3A_400 : memref<160000x128xf32, #tpu.memory_space<hbm>>) dst(%arg13 : memref<32x128xf32, #tpu.memory_space<vmem>>)
      "tpu.region"() ({
        %run_scoped3A = tpu.sem_alloc : memref<!tpu.dma_semaphore, #tpu.memory_space<semaphore_mem>>
        %dma_start3A_411 = arith.constant 0 : i32
        %dma_start3A_412 = tpu.memref_slice %arg8[%add3A_394, %dma_start3A_411] : memref<80x32xi32, #tpu.memory_space<vmem>> -> memref<1x32xi32, #tpu.memory_space<vmem>>
        %dma_start3A_413 = tpu.memref_squeeze %dma_start3A_412 : memref<1x32xi32, #tpu.memory_space<vmem>> -> memref<32xi32, #tpu.memory_space<vmem>>
        %dma_start3A_414 = arith.constant 0 : i32
        %dma_start3A_415 = arith.constant 0 : i32
        %dma_start3A_416 = tpu.memref_slice %arg14[%dma_start3A_414, %dma_start3A_415] : memref<10240x128xf32, #tpu.memory_space<vmem_shared>> -> memref<10240x128xf32, #tpu.memory_space<vmem_shared>>
        tpu.enqueue_indirect_dma source(%arg13 : memref<32x128xf32, #tpu.memory_space<vmem>>) target(%dma_start3A_416 : memref<10240x128xf32, #tpu.memory_space<vmem_shared>>) offsets(%dma_start3A_413 : memref<32xi32, #tpu.memory_space<vmem>>) semaphore(%run_scoped3A : memref<!tpu.dma_semaphore, #tpu.memory_space<semaphore_mem>>) {add = true}
        %dma_wait3A_417 = arith.constant 0 : i32
        %dma_wait3A_418 = tpu.memref_slice %arg8[%add3A_394, %dma_wait3A_417] : memref<80x32xi32, #tpu.memory_space<vmem>> -> memref<1x32xi32, #tpu.memory_space<vmem>>
        %dma_wait3A_419 = tpu.memref_squeeze %dma_wait3A_418 : memref<1x32xi32, #tpu.memory_space<vmem>> -> memref<32xi32, #tpu.memory_space<vmem>>
        %dma_wait3A_420 = arith.constant 0 : i32
        %dma_wait3A_421 = arith.constant 0 : i32
        %dma_wait3A_422 = tpu.memref_slice %arg14[%dma_wait3A_420, %dma_wait3A_421] : memref<10240x128xf32, #tpu.memory_space<vmem_shared>> -> memref<10240x128xf32, #tpu.memory_space<vmem_shared>>
        tpu.wait_indirect_dma semaphore(%run_scoped3A : memref<!tpu.dma_semaphore, #tpu.memory_space<semaphore_mem>>) src(%arg13 : memref<32x128xf32, #tpu.memory_space<vmem>>) dst(%dma_wait3A_422 : memref<10240x128xf32, #tpu.memory_space<vmem_shared>>)
        tpu.yield
      }) : () -> ()
      %add3A_401 = arith.constant 5 : i32
      %add3A_402 = arith.addi %add3A_394, %add3A_401 : i32
      %min3A_403 = arith.constant 79 : i32
      %min3A_404 = arith.minsi %add3A_402, %min3A_403 : i32
      %dma_start3A_405 = arith.constant 0 : i32
      %dma_start3A_406 = tpu.memref_slice %arg7[%min3A_404, %dma_start3A_405] : memref<80x32xi32, #tpu.memory_space<vmem>> -> memref<1x32xi32, #tpu.memory_space<vmem>>
      %dma_start3A_407 = tpu.memref_squeeze %dma_start3A_406 : memref<1x32xi32, #tpu.memory_space<vmem>> -> memref<32xi32, #tpu.memory_space<vmem>>
      %dma_start3A_408 = arith.constant 0 : i32
      %dma_start3A_409 = arith.constant 0 : i32
      %dma_start3A_410 = tpu.memref_slice %arg2[%dma_start3A_408, %dma_start3A_409] : memref<160000x128xf32, #tpu.memory_space<hbm>> -> memref<160000x128xf32, #tpu.memory_space<hbm>>
      tpu.enqueue_indirect_dma source(%dma_start3A_410 : memref<160000x128xf32, #tpu.memory_space<hbm>>) target(%arg13 : memref<32x128xf32, #tpu.memory_space<vmem>>) offsets(%dma_start3A_407 : memref<32xi32, #tpu.memory_space<vmem>>) semaphore(%arg19 : memref<!tpu.dma_semaphore, #tpu.memory_space<semaphore_mem>>)
    }
    %scan3A_43 = arith.constant 16 : i32
    %dma_wait3A = arith.constant 79 : i32
    %dma_wait3A_44 = arith.constant 0 : i32
    %dma_wait3A_45 = tpu.memref_slice %arg7[%dma_wait3A, %dma_wait3A_44] : memref<80x32xi32, #tpu.memory_space<vmem>> -> memref<1x32xi32, #tpu.memory_space<vmem>>
    %dma_wait3A_46 = tpu.memref_squeeze %dma_wait3A_45 : memref<1x32xi32, #tpu.memory_space<vmem>> -> memref<32xi32, #tpu.memory_space<vmem>>
    %dma_wait3A_47 = arith.constant 0 : i32
    %dma_wait3A_48 = arith.constant 0 : i32
    %dma_wait3A_49 = tpu.memref_slice %arg2[%dma_wait3A_47, %dma_wait3A_48] : memref<160000x128xf32, #tpu.memory_space<hbm>> -> memref<160000x128xf32, #tpu.memory_space<hbm>>
    tpu.wait_indirect_dma semaphore(%arg15 : memref<!tpu.dma_semaphore, #tpu.memory_space<semaphore_mem>>) src(%dma_wait3A_49 : memref<160000x128xf32, #tpu.memory_space<hbm>>) dst(%arg9 : memref<32x128xf32, #tpu.memory_space<vmem>>)
    %dma_wait3A_50 = arith.constant 79 : i32
    %dma_wait3A_51 = arith.constant 0 : i32
    %dma_wait3A_52 = tpu.memref_slice %arg7[%dma_wait3A_50, %dma_wait3A_51] : memref<80x32xi32, #tpu.memory_space<vmem>> -> memref<1x32xi32, #tpu.memory_space<vmem>>
    %dma_wait3A_53 = tpu.memref_squeeze %dma_wait3A_52 : memref<1x32xi32, #tpu.memory_space<vmem>> -> memref<32xi32, #tpu.memory_space<vmem>>
    %dma_wait3A_54 = arith.constant 0 : i32
    %dma_wait3A_55 = arith.constant 0 : i32
    %dma_wait3A_56 = tpu.memref_slice %arg2[%dma_wait3A_54, %dma_wait3A_55] : memref<160000x128xf32, #tpu.memory_space<hbm>> -> memref<160000x128xf32, #tpu.memory_space<hbm>>
    tpu.wait_indirect_dma semaphore(%arg16 : memref<!tpu.dma_semaphore, #tpu.memory_space<semaphore_mem>>) src(%dma_wait3A_56 : memref<160000x128xf32, #tpu.memory_space<hbm>>) dst(%arg10 : memref<32x128xf32, #tpu.memory_space<vmem>>)
    %dma_wait3A_57 = arith.constant 79 : i32
    %dma_wait3A_58 = arith.constant 0 : i32
    %dma_wait3A_59 = tpu.memref_slice %arg7[%dma_wait3A_57, %dma_wait3A_58] : memref<80x32xi32, #tpu.memory_space<vmem>> -> memref<1x32xi32, #tpu.memory_space<vmem>>
    %dma_wait3A_60 = tpu.memref_squeeze %dma_wait3A_59 : memref<1x32xi32, #tpu.memory_space<vmem>> -> memref<32xi32, #tpu.memory_space<vmem>>
    %dma_wait3A_61 = arith.constant 0 : i32
    %dma_wait3A_62 = arith.constant 0 : i32
    %dma_wait3A_63 = tpu.memref_slice %arg2[%dma_wait3A_61, %dma_wait3A_62] : memref<160000x128xf32, #tpu.memory_space<hbm>> -> memref<160000x128xf32, #tpu.memory_space<hbm>>
    tpu.wait_indirect_dma semaphore(%arg17 : memref<!tpu.dma_semaphore, #tpu.memory_space<semaphore_mem>>) src(%dma_wait3A_63 : memref<160000x128xf32, #tpu.memory_space<hbm>>) dst(%arg11 : memref<32x128xf32, #tpu.memory_space<vmem>>)
    %dma_wait3A_64 = arith.constant 79 : i32
    %dma_wait3A_65 = arith.constant 0 : i32
    %dma_wait3A_66 = tpu.memref_slice %arg7[%dma_wait3A_64, %dma_wait3A_65] : memref<80x32xi32, #tpu.memory_space<vmem>> -> memref<1x32xi32, #tpu.memory_space<vmem>>
    %dma_wait3A_67 = tpu.memref_squeeze %dma_wait3A_66 : memref<1x32xi32, #tpu.memory_space<vmem>> -> memref<32xi32, #tpu.memory_space<vmem>>
    %dma_wait3A_68 = arith.constant 0 : i32
    %dma_wait3A_69 = arith.constant 0 : i32
    %dma_wait3A_70 = tpu.memref_slice %arg2[%dma_wait3A_68, %dma_wait3A_69] : memref<160000x128xf32, #tpu.memory_space<hbm>> -> memref<160000x128xf32, #tpu.memory_space<hbm>>
    tpu.wait_indirect_dma semaphore(%arg18 : memref<!tpu.dma_semaphore, #tpu.memory_space<semaphore_mem>>) src(%dma_wait3A_70 : memref<160000x128xf32, #tpu.memory_space<hbm>>) dst(%arg12 : memref<32x128xf32, #tpu.memory_space<vmem>>)
    %dma_wait3A_71 = arith.constant 79 : i32
    %dma_wait3A_72 = arith.constant 0 : i32
    %dma_wait3A_73 = tpu.memref_slice %arg7[%dma_wait3A_71, %dma_wait3A_72] : memref<80x32xi32, #tpu.memory_space<vmem>> -> memref<1x32xi32, #tpu.memory_space<vmem>>
    %dma_wait3A_74 = tpu.memref_squeeze %dma_wait3A_73 : memref<1x32xi32, #tpu.memory_space<vmem>> -> memref<32xi32, #tpu.memory_space<vmem>>
    %dma_wait3A_75 = arith.constant 0 : i32
    %dma_wait3A_76 = arith.constant 0 : i32
    %dma_wait3A_77 = tpu.memref_slice %arg2[%dma_wait3A_75, %dma_wait3A_76] : memref<160000x128xf32, #tpu.memory_space<hbm>> -> memref<160000x128xf32, #tpu.memory_space<hbm>>
    tpu.wait_indirect_dma semaphore(%arg19 : memref<!tpu.dma_semaphore, #tpu.memory_space<semaphore_mem>>) src(%dma_wait3A_77 : memref<160000x128xf32, #tpu.memory_space<hbm>>) dst(%arg13 : memref<32x128xf32, #tpu.memory_space<vmem>>)
    "tpu.region"() ({
      %run_scoped3A = tpu.sem_alloc : memref<!tpu.dma_semaphore, #tpu.memory_space<semaphore_mem>>
      %dma_start3A_311 = arith.constant 80 : i32
      %dma_start3A_312 = arith.constant 0 : i32
      %dma_start3A_313 = tpu.memref_slice %arg3[%add3A, %dma_start3A_311, %dma_start3A_312] : memref<32x320x32xi32, #tpu.memory_space<hbm>> -> memref<1x80x32xi32, #tpu.memory_space<hbm>>
      %dma_start3A_314 = tpu.memref_squeeze %dma_start3A_313 : memref<1x80x32xi32, #tpu.memory_space<hbm>> -> memref<80x32xi32, #tpu.memory_space<hbm>>
      %dma_start3A_315 = arith.constant 80 : i32
      %dma_start3A_316 = arith.constant 0 : i32
      %dma_start3A_317 = tpu.memref_slice %arg3[%add3A, %dma_start3A_315, %dma_start3A_316] : memref<32x320x32xi32, #tpu.memory_space<hbm>> -> memref<1x80x32xi32, #tpu.memory_space<hbm>>
      %dma_start3A_318 = tpu.memref_squeeze %dma_start3A_317 : memref<1x80x32xi32, #tpu.memory_space<hbm>> -> memref<80x32xi32, #tpu.memory_space<hbm>>
      tpu.enqueue_dma source(%dma_start3A_318 : memref<80x32xi32, #tpu.memory_space<hbm>>) target(%arg7 : memref<80x32xi32, #tpu.memory_space<vmem>>) target_semaphore(%run_scoped3A : memref<!tpu.dma_semaphore, #tpu.memory_space<semaphore_mem>>)
      %dma_wait3A_319 = arith.constant 80 : i32
      %dma_wait3A_320 = arith.constant 0 : i32
      %dma_wait3A_321 = tpu.memref_slice %arg3[%add3A, %dma_wait3A_319, %dma_wait3A_320] : memref<32x320x32xi32, #tpu.memory_space<hbm>> -> memref<1x80x32xi32, #tpu.memory_space<hbm>>
      %dma_wait3A_322 = tpu.memref_squeeze %dma_wait3A_321 : memref<1x80x32xi32, #tpu.memory_space<hbm>> -> memref<80x32xi32, #tpu.memory_space<hbm>>
      %dma_wait3A_323 = arith.constant 80 : i32
      %dma_wait3A_324 = arith.constant 0 : i32
      %dma_wait3A_325 = tpu.memref_slice %arg3[%add3A, %dma_wait3A_323, %dma_wait3A_324] : memref<32x320x32xi32, #tpu.memory_space<hbm>> -> memref<1x80x32xi32, #tpu.memory_space<hbm>>
      %dma_wait3A_326 = tpu.memref_squeeze %dma_wait3A_325 : memref<1x80x32xi32, #tpu.memory_space<hbm>> -> memref<80x32xi32, #tpu.memory_space<hbm>>
      tpu.wait_dma2 semaphore(%run_scoped3A : memref<!tpu.dma_semaphore, #tpu.memory_space<semaphore_mem>>) src(%dma_wait3A_326 : memref<80x32xi32, #tpu.memory_space<hbm>>) dst(%arg7 : memref<80x32xi32, #tpu.memory_space<vmem>>)
      tpu.yield
    }) : () -> ()
    "tpu.region"() ({
      %run_scoped3A = tpu.sem_alloc : memref<!tpu.dma_semaphore, #tpu.memory_space<semaphore_mem>>
      %dma_start3A_311 = arith.constant 80 : i32
      %dma_start3A_312 = arith.constant 0 : i32
      %dma_start3A_313 = tpu.memref_slice %arg4[%add3A, %dma_start3A_311, %dma_start3A_312] : memref<32x320x32xi32, #tpu.memory_space<hbm>> -> memref<1x80x32xi32, #tpu.memory_space<hbm>>
      %dma_start3A_314 = tpu.memref_squeeze %dma_start3A_313 : memref<1x80x32xi32, #tpu.memory_space<hbm>> -> memref<80x32xi32, #tpu.memory_space<hbm>>
      %dma_start3A_315 = arith.constant 80 : i32
      %dma_start3A_316 = arith.constant 0 : i32
      %dma_start3A_317 = tpu.memref_slice %arg4[%add3A, %dma_start3A_315, %dma_start3A_316] : memref<32x320x32xi32, #tpu.memory_space<hbm>> -> memref<1x80x32xi32, #tpu.memory_space<hbm>>
      %dma_start3A_318 = tpu.memref_squeeze %dma_start3A_317 : memref<1x80x32xi32, #tpu.memory_space<hbm>> -> memref<80x32xi32, #tpu.memory_space<hbm>>
      tpu.enqueue_dma source(%dma_start3A_318 : memref<80x32xi32, #tpu.memory_space<hbm>>) target(%arg8 : memref<80x32xi32, #tpu.memory_space<vmem>>) target_semaphore(%run_scoped3A : memref<!tpu.dma_semaphore, #tpu.memory_space<semaphore_mem>>)
      %dma_wait3A_319 = arith.constant 80 : i32
      %dma_wait3A_320 = arith.constant 0 : i32
      %dma_wait3A_321 = tpu.memref_slice %arg4[%add3A, %dma_wait3A_319, %dma_wait3A_320] : memref<32x320x32xi32, #tpu.memory_space<hbm>> -> memref<1x80x32xi32, #tpu.memory_space<hbm>>
      %dma_wait3A_322 = tpu.memref_squeeze %dma_wait3A_321 : memref<1x80x32xi32, #tpu.memory_space<hbm>> -> memref<80x32xi32, #tpu.memory_space<hbm>>
      %dma_wait3A_323 = arith.constant 80 : i32
      %dma_wait3A_324 = arith.constant 0 : i32
      %dma_wait3A_325 = tpu.memref_slice %arg4[%add3A, %dma_wait3A_323, %dma_wait3A_324] : memref<32x320x32xi32, #tpu.memory_space<hbm>> -> memref<1x80x32xi32, #tpu.memory_space<hbm>>
      %dma_wait3A_326 = tpu.memref_squeeze %dma_wait3A_325 : memref<1x80x32xi32, #tpu.memory_space<hbm>> -> memref<80x32xi32, #tpu.memory_space<hbm>>
      tpu.wait_dma2 semaphore(%run_scoped3A : memref<!tpu.dma_semaphore, #tpu.memory_space<semaphore_mem>>) src(%dma_wait3A_326 : memref<80x32xi32, #tpu.memory_space<hbm>>) dst(%arg8 : memref<80x32xi32, #tpu.memory_space<vmem>>)
      tpu.yield
    }) : () -> ()
    %dma_start3A_78 = arith.constant 0 : i32
    %dma_start3A_79 = arith.constant 0 : i32
    %dma_start3A_80 = tpu.memref_slice %arg7[%dma_start3A_78, %dma_start3A_79] : memref<80x32xi32, #tpu.memory_space<vmem>> -> memref<1x32xi32, #tpu.memory_space<vmem>>
    %dma_start3A_81 = tpu.memref_squeeze %dma_start3A_80 : memref<1x32xi32, #tpu.memory_space<vmem>> -> memref<32xi32, #tpu.memory_space<vmem>>
    %dma_start3A_82 = arith.constant 0 : i32
    %dma_start3A_83 = arith.constant 0 : i32
    %dma_start3A_84 = tpu.memref_slice %arg2[%dma_start3A_82, %dma_start3A_83] : memref<160000x128xf32, #tpu.memory_space<hbm>> -> memref<160000x128xf32, #tpu.memory_space<hbm>>
    tpu.enqueue_indirect_dma source(%dma_start3A_84 : memref<160000x128xf32, #tpu.memory_space<hbm>>) target(%arg9 : memref<32x128xf32, #tpu.memory_space<vmem>>) offsets(%dma_start3A_81 : memref<32xi32, #tpu.memory_space<vmem>>) semaphore(%arg15 : memref<!tpu.dma_semaphore, #tpu.memory_space<semaphore_mem>>)
    %dma_start3A_85 = arith.constant 1 : i32
    %dma_start3A_86 = arith.constant 0 : i32
    %dma_start3A_87 = tpu.memref_slice %arg7[%dma_start3A_85, %dma_start3A_86] : memref<80x32xi32, #tpu.memory_space<vmem>> -> memref<1x32xi32, #tpu.memory_space<vmem>>
    %dma_start3A_88 = tpu.memref_squeeze %dma_start3A_87 : memref<1x32xi32, #tpu.memory_space<vmem>> -> memref<32xi32, #tpu.memory_space<vmem>>
    %dma_start3A_89 = arith.constant 0 : i32
    %dma_start3A_90 = arith.constant 0 : i32
    %dma_start3A_91 = tpu.memref_slice %arg2[%dma_start3A_89, %dma_start3A_90] : memref<160000x128xf32, #tpu.memory_space<hbm>> -> memref<160000x128xf32, #tpu.memory_space<hbm>>
    tpu.enqueue_indirect_dma source(%dma_start3A_91 : memref<160000x128xf32, #tpu.memory_space<hbm>>) target(%arg10 : memref<32x128xf32, #tpu.memory_space<vmem>>) offsets(%dma_start3A_88 : memref<32xi32, #tpu.memory_space<vmem>>) semaphore(%arg16 : memref<!tpu.dma_semaphore, #tpu.memory_space<semaphore_mem>>)
    %dma_start3A_92 = arith.constant 2 : i32
    %dma_start3A_93 = arith.constant 0 : i32
    %dma_start3A_94 = tpu.memref_slice %arg7[%dma_start3A_92, %dma_start3A_93] : memref<80x32xi32, #tpu.memory_space<vmem>> -> memref<1x32xi32, #tpu.memory_space<vmem>>
    %dma_start3A_95 = tpu.memref_squeeze %dma_start3A_94 : memref<1x32xi32, #tpu.memory_space<vmem>> -> memref<32xi32, #tpu.memory_space<vmem>>
    %dma_start3A_96 = arith.constant 0 : i32
    %dma_start3A_97 = arith.constant 0 : i32
    %dma_start3A_98 = tpu.memref_slice %arg2[%dma_start3A_96, %dma_start3A_97] : memref<160000x128xf32, #tpu.memory_space<hbm>> -> memref<160000x128xf32, #tpu.memory_space<hbm>>
    tpu.enqueue_indirect_dma source(%dma_start3A_98 : memref<160000x128xf32, #tpu.memory_space<hbm>>) target(%arg11 : memref<32x128xf32, #tpu.memory_space<vmem>>) offsets(%dma_start3A_95 : memref<32xi32, #tpu.memory_space<vmem>>) semaphore(%arg17 : memref<!tpu.dma_semaphore, #tpu.memory_space<semaphore_mem>>)
    %dma_start3A_99 = arith.constant 3 : i32
    %dma_start3A_100 = arith.constant 0 : i32
    %dma_start3A_101 = tpu.memref_slice %arg7[%dma_start3A_99, %dma_start3A_100] : memref<80x32xi32, #tpu.memory_space<vmem>> -> memref<1x32xi32, #tpu.memory_space<vmem>>
    %dma_start3A_102 = tpu.memref_squeeze %dma_start3A_101 : memref<1x32xi32, #tpu.memory_space<vmem>> -> memref<32xi32, #tpu.memory_space<vmem>>
    %dma_start3A_103 = arith.constant 0 : i32
    %dma_start3A_104 = arith.constant 0 : i32
    %dma_start3A_105 = tpu.memref_slice %arg2[%dma_start3A_103, %dma_start3A_104] : memref<160000x128xf32, #tpu.memory_space<hbm>> -> memref<160000x128xf32, #tpu.memory_space<hbm>>
    tpu.enqueue_indirect_dma source(%dma_start3A_105 : memref<160000x128xf32, #tpu.memory_space<hbm>>) target(%arg12 : memref<32x128xf32, #tpu.memory_space<vmem>>) offsets(%dma_start3A_102 : memref<32xi32, #tpu.memory_space<vmem>>) semaphore(%arg18 : memref<!tpu.dma_semaphore, #tpu.memory_space<semaphore_mem>>)
    %dma_start3A_106 = arith.constant 4 : i32
    %dma_start3A_107 = arith.constant 0 : i32
    %dma_start3A_108 = tpu.memref_slice %arg7[%dma_start3A_106, %dma_start3A_107] : memref<80x32xi32, #tpu.memory_space<vmem>> -> memref<1x32xi32, #tpu.memory_space<vmem>>
    %dma_start3A_109 = tpu.memref_squeeze %dma_start3A_108 : memref<1x32xi32, #tpu.memory_space<vmem>> -> memref<32xi32, #tpu.memory_space<vmem>>
    %dma_start3A_110 = arith.constant 0 : i32
    %dma_start3A_111 = arith.constant 0 : i32
    %dma_start3A_112 = tpu.memref_slice %arg2[%dma_start3A_110, %dma_start3A_111] : memref<160000x128xf32, #tpu.memory_space<hbm>> -> memref<160000x128xf32, #tpu.memory_space<hbm>>
    tpu.enqueue_indirect_dma source(%dma_start3A_112 : memref<160000x128xf32, #tpu.memory_space<hbm>>) target(%arg13 : memref<32x128xf32, #tpu.memory_space<vmem>>) offsets(%dma_start3A_109 : memref<32xi32, #tpu.memory_space<vmem>>) semaphore(%arg19 : memref<!tpu.dma_semaphore, #tpu.memory_space<semaphore_mem>>)
    %scan3A_113 = arith.constant 0 : i32
    %scan3A_114 = arith.constant 0 : i32
    %scan3A_115 = arith.constant 16 : i32
    %scan3A_116 = arith.addi %scan3A_114, %scan3A_115 : i32
    %scan3A_117 = arith.constant 1 : i32
    scf.for %scan3A_311 = %scan3A_114 to %scan3A_116 step %scan3A_117  : i32 {
      %mul3A_312 = arith.constant 5 : i32
      %mul3A_313 = arith.muli %mul3A_312, %scan3A_311 : i32
      %add3A_314 = arith.constant 0 : i32
      %add3A_315 = arith.addi %mul3A_313, %add3A_314 : i32
      %dma_wait3A_316 = arith.constant 0 : i32
      %dma_wait3A_317 = tpu.memref_slice %arg7[%add3A_315, %dma_wait3A_316] : memref<80x32xi32, #tpu.memory_space<vmem>> -> memref<1x32xi32, #tpu.memory_space<vmem>>
      %dma_wait3A_318 = tpu.memref_squeeze %dma_wait3A_317 : memref<1x32xi32, #tpu.memory_space<vmem>> -> memref<32xi32, #tpu.memory_space<vmem>>
      %dma_wait3A_319 = arith.constant 0 : i32
      %dma_wait3A_320 = arith.constant 0 : i32
      %dma_wait3A_321 = tpu.memref_slice %arg2[%dma_wait3A_319, %dma_wait3A_320] : memref<160000x128xf32, #tpu.memory_space<hbm>> -> memref<160000x128xf32, #tpu.memory_space<hbm>>
      tpu.wait_indirect_dma semaphore(%arg15 : memref<!tpu.dma_semaphore, #tpu.memory_space<semaphore_mem>>) src(%dma_wait3A_321 : memref<160000x128xf32, #tpu.memory_space<hbm>>) dst(%arg9 : memref<32x128xf32, #tpu.memory_space<vmem>>)
      "tpu.region"() ({
        %run_scoped3A = tpu.sem_alloc : memref<!tpu.dma_semaphore, #tpu.memory_space<semaphore_mem>>
        %dma_start3A_411 = arith.constant 0 : i32
        %dma_start3A_412 = tpu.memref_slice %arg8[%add3A_315, %dma_start3A_411] : memref<80x32xi32, #tpu.memory_space<vmem>> -> memref<1x32xi32, #tpu.memory_space<vmem>>
        %dma_start3A_413 = tpu.memref_squeeze %dma_start3A_412 : memref<1x32xi32, #tpu.memory_space<vmem>> -> memref<32xi32, #tpu.memory_space<vmem>>
        %dma_start3A_414 = arith.constant 0 : i32
        %dma_start3A_415 = arith.constant 0 : i32
        %dma_start3A_416 = tpu.memref_slice %arg14[%dma_start3A_414, %dma_start3A_415] : memref<10240x128xf32, #tpu.memory_space<vmem_shared>> -> memref<10240x128xf32, #tpu.memory_space<vmem_shared>>
        tpu.enqueue_indirect_dma source(%arg9 : memref<32x128xf32, #tpu.memory_space<vmem>>) target(%dma_start3A_416 : memref<10240x128xf32, #tpu.memory_space<vmem_shared>>) offsets(%dma_start3A_413 : memref<32xi32, #tpu.memory_space<vmem>>) semaphore(%run_scoped3A : memref<!tpu.dma_semaphore, #tpu.memory_space<semaphore_mem>>) {add = true}
        %dma_wait3A_417 = arith.constant 0 : i32
        %dma_wait3A_418 = tpu.memref_slice %arg8[%add3A_315, %dma_wait3A_417] : memref<80x32xi32, #tpu.memory_space<vmem>> -> memref<1x32xi32, #tpu.memory_space<vmem>>
        %dma_wait3A_419 = tpu.memref_squeeze %dma_wait3A_418 : memref<1x32xi32, #tpu.memory_space<vmem>> -> memref<32xi32, #tpu.memory_space<vmem>>
        %dma_wait3A_420 = arith.constant 0 : i32
        %dma_wait3A_421 = arith.constant 0 : i32
        %dma_wait3A_422 = tpu.memref_slice %arg14[%dma_wait3A_420, %dma_wait3A_421] : memref<10240x128xf32, #tpu.memory_space<vmem_shared>> -> memref<10240x128xf32, #tpu.memory_space<vmem_shared>>
        tpu.wait_indirect_dma semaphore(%run_scoped3A : memref<!tpu.dma_semaphore, #tpu.memory_space<semaphore_mem>>) src(%arg9 : memref<32x128xf32, #tpu.memory_space<vmem>>) dst(%dma_wait3A_422 : memref<10240x128xf32, #tpu.memory_space<vmem_shared>>)
        tpu.yield
      }) : () -> ()
      %add3A_322 = arith.constant 5 : i32
      %add3A_323 = arith.addi %add3A_315, %add3A_322 : i32
      %min3A = arith.constant 79 : i32
      %min3A_324 = arith.minsi %add3A_323, %min3A : i32
      %dma_start3A_325 = arith.constant 0 : i32
      %dma_start3A_326 = tpu.memref_slice %arg7[%min3A_324, %dma_start3A_325] : memref<80x32xi32, #tpu.memory_space<vmem>> -> memref<1x32xi32, #tpu.memory_space<vmem>>
      %dma_start3A_327 = tpu.memref_squeeze %dma_start3A_326 : memref<1x32xi32, #tpu.memory_space<vmem>> -> memref<32xi32, #tpu.memory_space<vmem>>
      %dma_start3A_328 = arith.constant 0 : i32
      %dma_start3A_329 = arith.constant 0 : i32
      %dma_start3A_330 = tpu.memref_slice %arg2[%dma_start3A_328, %dma_start3A_329] : memref<160000x128xf32, #tpu.memory_space<hbm>> -> memref<160000x128xf32, #tpu.memory_space<hbm>>
      tpu.enqueue_indirect_dma source(%dma_start3A_330 : memref<160000x128xf32, #tpu.memory_space<hbm>>) target(%arg9 : memref<32x128xf32, #tpu.memory_space<vmem>>) offsets(%dma_start3A_327 : memref<32xi32, #tpu.memory_space<vmem>>) semaphore(%arg15 : memref<!tpu.dma_semaphore, #tpu.memory_space<semaphore_mem>>)
      %mul3A_331 = arith.constant 5 : i32
      %mul3A_332 = arith.muli %mul3A_331, %scan3A_311 : i32
      %add3A_333 = arith.constant 1 : i32
      %add3A_334 = arith.addi %mul3A_332, %add3A_333 : i32
      %dma_wait3A_335 = arith.constant 0 : i32
      %dma_wait3A_336 = tpu.memref_slice %arg7[%add3A_334, %dma_wait3A_335] : memref<80x32xi32, #tpu.memory_space<vmem>> -> memref<1x32xi32, #tpu.memory_space<vmem>>
      %dma_wait3A_337 = tpu.memref_squeeze %dma_wait3A_336 : memref<1x32xi32, #tpu.memory_space<vmem>> -> memref<32xi32, #tpu.memory_space<vmem>>
      %dma_wait3A_338 = arith.constant 0 : i32
      %dma_wait3A_339 = arith.constant 0 : i32
      %dma_wait3A_340 = tpu.memref_slice %arg2[%dma_wait3A_338, %dma_wait3A_339] : memref<160000x128xf32, #tpu.memory_space<hbm>> -> memref<160000x128xf32, #tpu.memory_space<hbm>>
      tpu.wait_indirect_dma semaphore(%arg16 : memref<!tpu.dma_semaphore, #tpu.memory_space<semaphore_mem>>) src(%dma_wait3A_340 : memref<160000x128xf32, #tpu.memory_space<hbm>>) dst(%arg10 : memref<32x128xf32, #tpu.memory_space<vmem>>)
      "tpu.region"() ({
        %run_scoped3A = tpu.sem_alloc : memref<!tpu.dma_semaphore, #tpu.memory_space<semaphore_mem>>
        %dma_start3A_411 = arith.constant 0 : i32
        %dma_start3A_412 = tpu.memref_slice %arg8[%add3A_334, %dma_start3A_411] : memref<80x32xi32, #tpu.memory_space<vmem>> -> memref<1x32xi32, #tpu.memory_space<vmem>>
        %dma_start3A_413 = tpu.memref_squeeze %dma_start3A_412 : memref<1x32xi32, #tpu.memory_space<vmem>> -> memref<32xi32, #tpu.memory_space<vmem>>
        %dma_start3A_414 = arith.constant 0 : i32
        %dma_start3A_415 = arith.constant 0 : i32
        %dma_start3A_416 = tpu.memref_slice %arg14[%dma_start3A_414, %dma_start3A_415] : memref<10240x128xf32, #tpu.memory_space<vmem_shared>> -> memref<10240x128xf32, #tpu.memory_space<vmem_shared>>
        tpu.enqueue_indirect_dma source(%arg10 : memref<32x128xf32, #tpu.memory_space<vmem>>) target(%dma_start3A_416 : memref<10240x128xf32, #tpu.memory_space<vmem_shared>>) offsets(%dma_start3A_413 : memref<32xi32, #tpu.memory_space<vmem>>) semaphore(%run_scoped3A : memref<!tpu.dma_semaphore, #tpu.memory_space<semaphore_mem>>) {add = true}
        %dma_wait3A_417 = arith.constant 0 : i32
        %dma_wait3A_418 = tpu.memref_slice %arg8[%add3A_334, %dma_wait3A_417] : memref<80x32xi32, #tpu.memory_space<vmem>> -> memref<1x32xi32, #tpu.memory_space<vmem>>
        %dma_wait3A_419 = tpu.memref_squeeze %dma_wait3A_418 : memref<1x32xi32, #tpu.memory_space<vmem>> -> memref<32xi32, #tpu.memory_space<vmem>>
        %dma_wait3A_420 = arith.constant 0 : i32
        %dma_wait3A_421 = arith.constant 0 : i32
        %dma_wait3A_422 = tpu.memref_slice %arg14[%dma_wait3A_420, %dma_wait3A_421] : memref<10240x128xf32, #tpu.memory_space<vmem_shared>> -> memref<10240x128xf32, #tpu.memory_space<vmem_shared>>
        tpu.wait_indirect_dma semaphore(%run_scoped3A : memref<!tpu.dma_semaphore, #tpu.memory_space<semaphore_mem>>) src(%arg10 : memref<32x128xf32, #tpu.memory_space<vmem>>) dst(%dma_wait3A_422 : memref<10240x128xf32, #tpu.memory_space<vmem_shared>>)
        tpu.yield
      }) : () -> ()
      %add3A_341 = arith.constant 5 : i32
      %add3A_342 = arith.addi %add3A_334, %add3A_341 : i32
      %min3A_343 = arith.constant 79 : i32
      %min3A_344 = arith.minsi %add3A_342, %min3A_343 : i32
      %dma_start3A_345 = arith.constant 0 : i32
      %dma_start3A_346 = tpu.memref_slice %arg7[%min3A_344, %dma_start3A_345] : memref<80x32xi32, #tpu.memory_space<vmem>> -> memref<1x32xi32, #tpu.memory_space<vmem>>
      %dma_start3A_347 = tpu.memref_squeeze %dma_start3A_346 : memref<1x32xi32, #tpu.memory_space<vmem>> -> memref<32xi32, #tpu.memory_space<vmem>>
      %dma_start3A_348 = arith.constant 0 : i32
      %dma_start3A_349 = arith.constant 0 : i32
      %dma_start3A_350 = tpu.memref_slice %arg2[%dma_start3A_348, %dma_start3A_349] : memref<160000x128xf32, #tpu.memory_space<hbm>> -> memref<160000x128xf32, #tpu.memory_space<hbm>>
      tpu.enqueue_indirect_dma source(%dma_start3A_350 : memref<160000x128xf32, #tpu.memory_space<hbm>>) target(%arg10 : memref<32x128xf32, #tpu.memory_space<vmem>>) offsets(%dma_start3A_347 : memref<32xi32, #tpu.memory_space<vmem>>) semaphore(%arg16 : memref<!tpu.dma_semaphore, #tpu.memory_space<semaphore_mem>>)
      %mul3A_351 = arith.constant 5 : i32
      %mul3A_352 = arith.muli %mul3A_351, %scan3A_311 : i32
      %add3A_353 = arith.constant 2 : i32
      %add3A_354 = arith.addi %mul3A_352, %add3A_353 : i32
      %dma_wait3A_355 = arith.constant 0 : i32
      %dma_wait3A_356 = tpu.memref_slice %arg7[%add3A_354, %dma_wait3A_355] : memref<80x32xi32, #tpu.memory_space<vmem>> -> memref<1x32xi32, #tpu.memory_space<vmem>>
      %dma_wait3A_357 = tpu.memref_squeeze %dma_wait3A_356 : memref<1x32xi32, #tpu.memory_space<vmem>> -> memref<32xi32, #tpu.memory_space<vmem>>
      %dma_wait3A_358 = arith.constant 0 : i32
      %dma_wait3A_359 = arith.constant 0 : i32
      %dma_wait3A_360 = tpu.memref_slice %arg2[%dma_wait3A_358, %dma_wait3A_359] : memref<160000x128xf32, #tpu.memory_space<hbm>> -> memref<160000x128xf32, #tpu.memory_space<hbm>>
      tpu.wait_indirect_dma semaphore(%arg17 : memref<!tpu.dma_semaphore, #tpu.memory_space<semaphore_mem>>) src(%dma_wait3A_360 : memref<160000x128xf32, #tpu.memory_space<hbm>>) dst(%arg11 : memref<32x128xf32, #tpu.memory_space<vmem>>)
      "tpu.region"() ({
        %run_scoped3A = tpu.sem_alloc : memref<!tpu.dma_semaphore, #tpu.memory_space<semaphore_mem>>
        %dma_start3A_411 = arith.constant 0 : i32
        %dma_start3A_412 = tpu.memref_slice %arg8[%add3A_354, %dma_start3A_411] : memref<80x32xi32, #tpu.memory_space<vmem>> -> memref<1x32xi32, #tpu.memory_space<vmem>>
        %dma_start3A_413 = tpu.memref_squeeze %dma_start3A_412 : memref<1x32xi32, #tpu.memory_space<vmem>> -> memref<32xi32, #tpu.memory_space<vmem>>
        %dma_start3A_414 = arith.constant 0 : i32
        %dma_start3A_415 = arith.constant 0 : i32
        %dma_start3A_416 = tpu.memref_slice %arg14[%dma_start3A_414, %dma_start3A_415] : memref<10240x128xf32, #tpu.memory_space<vmem_shared>> -> memref<10240x128xf32, #tpu.memory_space<vmem_shared>>
        tpu.enqueue_indirect_dma source(%arg11 : memref<32x128xf32, #tpu.memory_space<vmem>>) target(%dma_start3A_416 : memref<10240x128xf32, #tpu.memory_space<vmem_shared>>) offsets(%dma_start3A_413 : memref<32xi32, #tpu.memory_space<vmem>>) semaphore(%run_scoped3A : memref<!tpu.dma_semaphore, #tpu.memory_space<semaphore_mem>>) {add = true}
        %dma_wait3A_417 = arith.constant 0 : i32
        %dma_wait3A_418 = tpu.memref_slice %arg8[%add3A_354, %dma_wait3A_417] : memref<80x32xi32, #tpu.memory_space<vmem>> -> memref<1x32xi32, #tpu.memory_space<vmem>>
        %dma_wait3A_419 = tpu.memref_squeeze %dma_wait3A_418 : memref<1x32xi32, #tpu.memory_space<vmem>> -> memref<32xi32, #tpu.memory_space<vmem>>
        %dma_wait3A_420 = arith.constant 0 : i32
        %dma_wait3A_421 = arith.constant 0 : i32
        %dma_wait3A_422 = tpu.memref_slice %arg14[%dma_wait3A_420, %dma_wait3A_421] : memref<10240x128xf32, #tpu.memory_space<vmem_shared>> -> memref<10240x128xf32, #tpu.memory_space<vmem_shared>>
        tpu.wait_indirect_dma semaphore(%run_scoped3A : memref<!tpu.dma_semaphore, #tpu.memory_space<semaphore_mem>>) src(%arg11 : memref<32x128xf32, #tpu.memory_space<vmem>>) dst(%dma_wait3A_422 : memref<10240x128xf32, #tpu.memory_space<vmem_shared>>)
        tpu.yield
      }) : () -> ()
      %add3A_361 = arith.constant 5 : i32
      %add3A_362 = arith.addi %add3A_354, %add3A_361 : i32
      %min3A_363 = arith.constant 79 : i32
      %min3A_364 = arith.minsi %add3A_362, %min3A_363 : i32
      %dma_start3A_365 = arith.constant 0 : i32
      %dma_start3A_366 = tpu.memref_slice %arg7[%min3A_364, %dma_start3A_365] : memref<80x32xi32, #tpu.memory_space<vmem>> -> memref<1x32xi32, #tpu.memory_space<vmem>>
      %dma_start3A_367 = tpu.memref_squeeze %dma_start3A_366 : memref<1x32xi32, #tpu.memory_space<vmem>> -> memref<32xi32, #tpu.memory_space<vmem>>
      %dma_start3A_368 = arith.constant 0 : i32
      %dma_start3A_369 = arith.constant 0 : i32
      %dma_start3A_370 = tpu.memref_slice %arg2[%dma_start3A_368, %dma_start3A_369] : memref<160000x128xf32, #tpu.memory_space<hbm>> -> memref<160000x128xf32, #tpu.memory_space<hbm>>
      tpu.enqueue_indirect_dma source(%dma_start3A_370 : memref<160000x128xf32, #tpu.memory_space<hbm>>) target(%arg11 : memref<32x128xf32, #tpu.memory_space<vmem>>) offsets(%dma_start3A_367 : memref<32xi32, #tpu.memory_space<vmem>>) semaphore(%arg17 : memref<!tpu.dma_semaphore, #tpu.memory_space<semaphore_mem>>)
      %mul3A_371 = arith.constant 5 : i32
      %mul3A_372 = arith.muli %mul3A_371, %scan3A_311 : i32
      %add3A_373 = arith.constant 3 : i32
      %add3A_374 = arith.addi %mul3A_372, %add3A_373 : i32
      %dma_wait3A_375 = arith.constant 0 : i32
      %dma_wait3A_376 = tpu.memref_slice %arg7[%add3A_374, %dma_wait3A_375] : memref<80x32xi32, #tpu.memory_space<vmem>> -> memref<1x32xi32, #tpu.memory_space<vmem>>
      %dma_wait3A_377 = tpu.memref_squeeze %dma_wait3A_376 : memref<1x32xi32, #tpu.memory_space<vmem>> -> memref<32xi32, #tpu.memory_space<vmem>>
      %dma_wait3A_378 = arith.constant 0 : i32
      %dma_wait3A_379 = arith.constant 0 : i32
      %dma_wait3A_380 = tpu.memref_slice %arg2[%dma_wait3A_378, %dma_wait3A_379] : memref<160000x128xf32, #tpu.memory_space<hbm>> -> memref<160000x128xf32, #tpu.memory_space<hbm>>
      tpu.wait_indirect_dma semaphore(%arg18 : memref<!tpu.dma_semaphore, #tpu.memory_space<semaphore_mem>>) src(%dma_wait3A_380 : memref<160000x128xf32, #tpu.memory_space<hbm>>) dst(%arg12 : memref<32x128xf32, #tpu.memory_space<vmem>>)
      "tpu.region"() ({
        %run_scoped3A = tpu.sem_alloc : memref<!tpu.dma_semaphore, #tpu.memory_space<semaphore_mem>>
        %dma_start3A_411 = arith.constant 0 : i32
        %dma_start3A_412 = tpu.memref_slice %arg8[%add3A_374, %dma_start3A_411] : memref<80x32xi32, #tpu.memory_space<vmem>> -> memref<1x32xi32, #tpu.memory_space<vmem>>
        %dma_start3A_413 = tpu.memref_squeeze %dma_start3A_412 : memref<1x32xi32, #tpu.memory_space<vmem>> -> memref<32xi32, #tpu.memory_space<vmem>>
        %dma_start3A_414 = arith.constant 0 : i32
        %dma_start3A_415 = arith.constant 0 : i32
        %dma_start3A_416 = tpu.memref_slice %arg14[%dma_start3A_414, %dma_start3A_415] : memref<10240x128xf32, #tpu.memory_space<vmem_shared>> -> memref<10240x128xf32, #tpu.memory_space<vmem_shared>>
        tpu.enqueue_indirect_dma source(%arg12 : memref<32x128xf32, #tpu.memory_space<vmem>>) target(%dma_start3A_416 : memref<10240x128xf32, #tpu.memory_space<vmem_shared>>) offsets(%dma_start3A_413 : memref<32xi32, #tpu.memory_space<vmem>>) semaphore(%run_scoped3A : memref<!tpu.dma_semaphore, #tpu.memory_space<semaphore_mem>>) {add = true}
        %dma_wait3A_417 = arith.constant 0 : i32
        %dma_wait3A_418 = tpu.memref_slice %arg8[%add3A_374, %dma_wait3A_417] : memref<80x32xi32, #tpu.memory_space<vmem>> -> memref<1x32xi32, #tpu.memory_space<vmem>>
        %dma_wait3A_419 = tpu.memref_squeeze %dma_wait3A_418 : memref<1x32xi32, #tpu.memory_space<vmem>> -> memref<32xi32, #tpu.memory_space<vmem>>
        %dma_wait3A_420 = arith.constant 0 : i32
        %dma_wait3A_421 = arith.constant 0 : i32
        %dma_wait3A_422 = tpu.memref_slice %arg14[%dma_wait3A_420, %dma_wait3A_421] : memref<10240x128xf32, #tpu.memory_space<vmem_shared>> -> memref<10240x128xf32, #tpu.memory_space<vmem_shared>>
        tpu.wait_indirect_dma semaphore(%run_scoped3A : memref<!tpu.dma_semaphore, #tpu.memory_space<semaphore_mem>>) src(%arg12 : memref<32x128xf32, #tpu.memory_space<vmem>>) dst(%dma_wait3A_422 : memref<10240x128xf32, #tpu.memory_space<vmem_shared>>)
        tpu.yield
      }) : () -> ()
      %add3A_381 = arith.constant 5 : i32
      %add3A_382 = arith.addi %add3A_374, %add3A_381 : i32
      %min3A_383 = arith.constant 79 : i32
      %min3A_384 = arith.minsi %add3A_382, %min3A_383 : i32
      %dma_start3A_385 = arith.constant 0 : i32
      %dma_start3A_386 = tpu.memref_slice %arg7[%min3A_384, %dma_start3A_385] : memref<80x32xi32, #tpu.memory_space<vmem>> -> memref<1x32xi32, #tpu.memory_space<vmem>>
      %dma_start3A_387 = tpu.memref_squeeze %dma_start3A_386 : memref<1x32xi32, #tpu.memory_space<vmem>> -> memref<32xi32, #tpu.memory_space<vmem>>
      %dma_start3A_388 = arith.constant 0 : i32
      %dma_start3A_389 = arith.constant 0 : i32
      %dma_start3A_390 = tpu.memref_slice %arg2[%dma_start3A_388, %dma_start3A_389] : memref<160000x128xf32, #tpu.memory_space<hbm>> -> memref<160000x128xf32, #tpu.memory_space<hbm>>
      tpu.enqueue_indirect_dma source(%dma_start3A_390 : memref<160000x128xf32, #tpu.memory_space<hbm>>) target(%arg12 : memref<32x128xf32, #tpu.memory_space<vmem>>) offsets(%dma_start3A_387 : memref<32xi32, #tpu.memory_space<vmem>>) semaphore(%arg18 : memref<!tpu.dma_semaphore, #tpu.memory_space<semaphore_mem>>)
      %mul3A_391 = arith.constant 5 : i32
      %mul3A_392 = arith.muli %mul3A_391, %scan3A_311 : i32
      %add3A_393 = arith.constant 4 : i32
      %add3A_394 = arith.addi %mul3A_392, %add3A_393 : i32
      %dma_wait3A_395 = arith.constant 0 : i32
      %dma_wait3A_396 = tpu.memref_slice %arg7[%add3A_394, %dma_wait3A_395] : memref<80x32xi32, #tpu.memory_space<vmem>> -> memref<1x32xi32, #tpu.memory_space<vmem>>
      %dma_wait3A_397 = tpu.memref_squeeze %dma_wait3A_396 : memref<1x32xi32, #tpu.memory_space<vmem>> -> memref<32xi32, #tpu.memory_space<vmem>>
      %dma_wait3A_398 = arith.constant 0 : i32
      %dma_wait3A_399 = arith.constant 0 : i32
      %dma_wait3A_400 = tpu.memref_slice %arg2[%dma_wait3A_398, %dma_wait3A_399] : memref<160000x128xf32, #tpu.memory_space<hbm>> -> memref<160000x128xf32, #tpu.memory_space<hbm>>
      tpu.wait_indirect_dma semaphore(%arg19 : memref<!tpu.dma_semaphore, #tpu.memory_space<semaphore_mem>>) src(%dma_wait3A_400 : memref<160000x128xf32, #tpu.memory_space<hbm>>) dst(%arg13 : memref<32x128xf32, #tpu.memory_space<vmem>>)
      "tpu.region"() ({
        %run_scoped3A = tpu.sem_alloc : memref<!tpu.dma_semaphore, #tpu.memory_space<semaphore_mem>>
        %dma_start3A_411 = arith.constant 0 : i32
        %dma_start3A_412 = tpu.memref_slice %arg8[%add3A_394, %dma_start3A_411] : memref<80x32xi32, #tpu.memory_space<vmem>> -> memref<1x32xi32, #tpu.memory_space<vmem>>
        %dma_start3A_413 = tpu.memref_squeeze %dma_start3A_412 : memref<1x32xi32, #tpu.memory_space<vmem>> -> memref<32xi32, #tpu.memory_space<vmem>>
        %dma_start3A_414 = arith.constant 0 : i32
        %dma_start3A_415 = arith.constant 0 : i32
        %dma_start3A_416 = tpu.memref_slice %arg14[%dma_start3A_414, %dma_start3A_415] : memref<10240x128xf32, #tpu.memory_space<vmem_shared>> -> memref<10240x128xf32, #tpu.memory_space<vmem_shared>>
        tpu.enqueue_indirect_dma source(%arg13 : memref<32x128xf32, #tpu.memory_space<vmem>>) target(%dma_start3A_416 : memref<10240x128xf32, #tpu.memory_space<vmem_shared>>) offsets(%dma_start3A_413 : memref<32xi32, #tpu.memory_space<vmem>>) semaphore(%run_scoped3A : memref<!tpu.dma_semaphore, #tpu.memory_space<semaphore_mem>>) {add = true}
        %dma_wait3A_417 = arith.constant 0 : i32
        %dma_wait3A_418 = tpu.memref_slice %arg8[%add3A_394, %dma_wait3A_417] : memref<80x32xi32, #tpu.memory_space<vmem>> -> memref<1x32xi32, #tpu.memory_space<vmem>>
        %dma_wait3A_419 = tpu.memref_squeeze %dma_wait3A_418 : memref<1x32xi32, #tpu.memory_space<vmem>> -> memref<32xi32, #tpu.memory_space<vmem>>
        %dma_wait3A_420 = arith.constant 0 : i32
        %dma_wait3A_421 = arith.constant 0 : i32
        %dma_wait3A_422 = tpu.memref_slice %arg14[%dma_wait3A_420, %dma_wait3A_421] : memref<10240x128xf32, #tpu.memory_space<vmem_shared>> -> memref<10240x128xf32, #tpu.memory_space<vmem_shared>>
        tpu.wait_indirect_dma semaphore(%run_scoped3A : memref<!tpu.dma_semaphore, #tpu.memory_space<semaphore_mem>>) src(%arg13 : memref<32x128xf32, #tpu.memory_space<vmem>>) dst(%dma_wait3A_422 : memref<10240x128xf32, #tpu.memory_space<vmem_shared>>)
        tpu.yield
      }) : () -> ()
      %add3A_401 = arith.constant 5 : i32
      %add3A_402 = arith.addi %add3A_394, %add3A_401 : i32
      %min3A_403 = arith.constant 79 : i32
      %min3A_404 = arith.minsi %add3A_402, %min3A_403 : i32
      %dma_start3A_405 = arith.constant 0 : i32
      %dma_start3A_406 = tpu.memref_slice %arg7[%min3A_404, %dma_start3A_405] : memref<80x32xi32, #tpu.memory_space<vmem>> -> memref<1x32xi32, #tpu.memory_space<vmem>>
      %dma_start3A_407 = tpu.memref_squeeze %dma_start3A_406 : memref<1x32xi32, #tpu.memory_space<vmem>> -> memref<32xi32, #tpu.memory_space<vmem>>
      %dma_start3A_408 = arith.constant 0 : i32
      %dma_start3A_409 = arith.constant 0 : i32
      %dma_start3A_410 = tpu.memref_slice %arg2[%dma_start3A_408, %dma_start3A_409] : memref<160000x128xf32, #tpu.memory_space<hbm>> -> memref<160000x128xf32, #tpu.memory_space<hbm>>
      tpu.enqueue_indirect_dma source(%dma_start3A_410 : memref<160000x128xf32, #tpu.memory_space<hbm>>) target(%arg13 : memref<32x128xf32, #tpu.memory_space<vmem>>) offsets(%dma_start3A_407 : memref<32xi32, #tpu.memory_space<vmem>>) semaphore(%arg19 : memref<!tpu.dma_semaphore, #tpu.memory_space<semaphore_mem>>)
    }
    %scan3A_118 = arith.constant 16 : i32
    %dma_wait3A_119 = arith.constant 79 : i32
    %dma_wait3A_120 = arith.constant 0 : i32
    %dma_wait3A_121 = tpu.memref_slice %arg7[%dma_wait3A_119, %dma_wait3A_120] : memref<80x32xi32, #tpu.memory_space<vmem>> -> memref<1x32xi32, #tpu.memory_space<vmem>>
    %dma_wait3A_122 = tpu.memref_squeeze %dma_wait3A_121 : memref<1x32xi32, #tpu.memory_space<vmem>> -> memref<32xi32, #tpu.memory_space<vmem>>
    %dma_wait3A_123 = arith.constant 0 : i32
    %dma_wait3A_124 = arith.constant 0 : i32
    %dma_wait3A_125 = tpu.memref_slice %arg2[%dma_wait3A_123, %dma_wait3A_124] : memref<160000x128xf32, #tpu.memory_space<hbm>> -> memref<160000x128xf32, #tpu.memory_space<hbm>>
    tpu.wait_indirect_dma semaphore(%arg15 : memref<!tpu.dma_semaphore, #tpu.memory_space<semaphore_mem>>) src(%dma_wait3A_125 : memref<160000x128xf32, #tpu.memory_space<hbm>>) dst(%arg9 : memref<32x128xf32, #tpu.memory_space<vmem>>)
    %dma_wait3A_126 = arith.constant 79 : i32
    %dma_wait3A_127 = arith.constant 0 : i32
    %dma_wait3A_128 = tpu.memref_slice %arg7[%dma_wait3A_126, %dma_wait3A_127] : memref<80x32xi32, #tpu.memory_space<vmem>> -> memref<1x32xi32, #tpu.memory_space<vmem>>
    %dma_wait3A_129 = tpu.memref_squeeze %dma_wait3A_128 : memref<1x32xi32, #tpu.memory_space<vmem>> -> memref<32xi32, #tpu.memory_space<vmem>>
    %dma_wait3A_130 = arith.constant 0 : i32
    %dma_wait3A_131 = arith.constant 0 : i32
    %dma_wait3A_132 = tpu.memref_slice %arg2[%dma_wait3A_130, %dma_wait3A_131] : memref<160000x128xf32, #tpu.memory_space<hbm>> -> memref<160000x128xf32, #tpu.memory_space<hbm>>
    tpu.wait_indirect_dma semaphore(%arg16 : memref<!tpu.dma_semaphore, #tpu.memory_space<semaphore_mem>>) src(%dma_wait3A_132 : memref<160000x128xf32, #tpu.memory_space<hbm>>) dst(%arg10 : memref<32x128xf32, #tpu.memory_space<vmem>>)
    %dma_wait3A_133 = arith.constant 79 : i32
    %dma_wait3A_134 = arith.constant 0 : i32
    %dma_wait3A_135 = tpu.memref_slice %arg7[%dma_wait3A_133, %dma_wait3A_134] : memref<80x32xi32, #tpu.memory_space<vmem>> -> memref<1x32xi32, #tpu.memory_space<vmem>>
    %dma_wait3A_136 = tpu.memref_squeeze %dma_wait3A_135 : memref<1x32xi32, #tpu.memory_space<vmem>> -> memref<32xi32, #tpu.memory_space<vmem>>
    %dma_wait3A_137 = arith.constant 0 : i32
    %dma_wait3A_138 = arith.constant 0 : i32
    %dma_wait3A_139 = tpu.memref_slice %arg2[%dma_wait3A_137, %dma_wait3A_138] : memref<160000x128xf32, #tpu.memory_space<hbm>> -> memref<160000x128xf32, #tpu.memory_space<hbm>>
    tpu.wait_indirect_dma semaphore(%arg17 : memref<!tpu.dma_semaphore, #tpu.memory_space<semaphore_mem>>) src(%dma_wait3A_139 : memref<160000x128xf32, #tpu.memory_space<hbm>>) dst(%arg11 : memref<32x128xf32, #tpu.memory_space<vmem>>)
    %dma_wait3A_140 = arith.constant 79 : i32
    %dma_wait3A_141 = arith.constant 0 : i32
    %dma_wait3A_142 = tpu.memref_slice %arg7[%dma_wait3A_140, %dma_wait3A_141] : memref<80x32xi32, #tpu.memory_space<vmem>> -> memref<1x32xi32, #tpu.memory_space<vmem>>
    %dma_wait3A_143 = tpu.memref_squeeze %dma_wait3A_142 : memref<1x32xi32, #tpu.memory_space<vmem>> -> memref<32xi32, #tpu.memory_space<vmem>>
    %dma_wait3A_144 = arith.constant 0 : i32
    %dma_wait3A_145 = arith.constant 0 : i32
    %dma_wait3A_146 = tpu.memref_slice %arg2[%dma_wait3A_144, %dma_wait3A_145] : memref<160000x128xf32, #tpu.memory_space<hbm>> -> memref<160000x128xf32, #tpu.memory_space<hbm>>
    tpu.wait_indirect_dma semaphore(%arg18 : memref<!tpu.dma_semaphore, #tpu.memory_space<semaphore_mem>>) src(%dma_wait3A_146 : memref<160000x128xf32, #tpu.memory_space<hbm>>) dst(%arg12 : memref<32x128xf32, #tpu.memory_space<vmem>>)
    %dma_wait3A_147 = arith.constant 79 : i32
    %dma_wait3A_148 = arith.constant 0 : i32
    %dma_wait3A_149 = tpu.memref_slice %arg7[%dma_wait3A_147, %dma_wait3A_148] : memref<80x32xi32, #tpu.memory_space<vmem>> -> memref<1x32xi32, #tpu.memory_space<vmem>>
    %dma_wait3A_150 = tpu.memref_squeeze %dma_wait3A_149 : memref<1x32xi32, #tpu.memory_space<vmem>> -> memref<32xi32, #tpu.memory_space<vmem>>
    %dma_wait3A_151 = arith.constant 0 : i32
    %dma_wait3A_152 = arith.constant 0 : i32
    %dma_wait3A_153 = tpu.memref_slice %arg2[%dma_wait3A_151, %dma_wait3A_152] : memref<160000x128xf32, #tpu.memory_space<hbm>> -> memref<160000x128xf32, #tpu.memory_space<hbm>>
    tpu.wait_indirect_dma semaphore(%arg19 : memref<!tpu.dma_semaphore, #tpu.memory_space<semaphore_mem>>) src(%dma_wait3A_153 : memref<160000x128xf32, #tpu.memory_space<hbm>>) dst(%arg13 : memref<32x128xf32, #tpu.memory_space<vmem>>)
    "tpu.region"() ({
      %run_scoped3A = tpu.sem_alloc : memref<!tpu.dma_semaphore, #tpu.memory_space<semaphore_mem>>
      %dma_start3A_311 = arith.constant 160 : i32
      %dma_start3A_312 = arith.constant 0 : i32
      %dma_start3A_313 = tpu.memref_slice %arg3[%add3A, %dma_start3A_311, %dma_start3A_312] : memref<32x320x32xi32, #tpu.memory_space<hbm>> -> memref<1x80x32xi32, #tpu.memory_space<hbm>>
      %dma_start3A_314 = tpu.memref_squeeze %dma_start3A_313 : memref<1x80x32xi32, #tpu.memory_space<hbm>> -> memref<80x32xi32, #tpu.memory_space<hbm>>
      %dma_start3A_315 = arith.constant 160 : i32
      %dma_start3A_316 = arith.constant 0 : i32
      %dma_start3A_317 = tpu.memref_slice %arg3[%add3A, %dma_start3A_315, %dma_start3A_316] : memref<32x320x32xi32, #tpu.memory_space<hbm>> -> memref<1x80x32xi32, #tpu.memory_space<hbm>>
      %dma_start3A_318 = tpu.memref_squeeze %dma_start3A_317 : memref<1x80x32xi32, #tpu.memory_space<hbm>> -> memref<80x32xi32, #tpu.memory_space<hbm>>
      tpu.enqueue_dma source(%dma_start3A_318 : memref<80x32xi32, #tpu.memory_space<hbm>>) target(%arg7 : memref<80x32xi32, #tpu.memory_space<vmem>>) target_semaphore(%run_scoped3A : memref<!tpu.dma_semaphore, #tpu.memory_space<semaphore_mem>>)
      %dma_wait3A_319 = arith.constant 160 : i32
      %dma_wait3A_320 = arith.constant 0 : i32
      %dma_wait3A_321 = tpu.memref_slice %arg3[%add3A, %dma_wait3A_319, %dma_wait3A_320] : memref<32x320x32xi32, #tpu.memory_space<hbm>> -> memref<1x80x32xi32, #tpu.memory_space<hbm>>
      %dma_wait3A_322 = tpu.memref_squeeze %dma_wait3A_321 : memref<1x80x32xi32, #tpu.memory_space<hbm>> -> memref<80x32xi32, #tpu.memory_space<hbm>>
      %dma_wait3A_323 = arith.constant 160 : i32
      %dma_wait3A_324 = arith.constant 0 : i32
      %dma_wait3A_325 = tpu.memref_slice %arg3[%add3A, %dma_wait3A_323, %dma_wait3A_324] : memref<32x320x32xi32, #tpu.memory_space<hbm>> -> memref<1x80x32xi32, #tpu.memory_space<hbm>>
      %dma_wait3A_326 = tpu.memref_squeeze %dma_wait3A_325 : memref<1x80x32xi32, #tpu.memory_space<hbm>> -> memref<80x32xi32, #tpu.memory_space<hbm>>
      tpu.wait_dma2 semaphore(%run_scoped3A : memref<!tpu.dma_semaphore, #tpu.memory_space<semaphore_mem>>) src(%dma_wait3A_326 : memref<80x32xi32, #tpu.memory_space<hbm>>) dst(%arg7 : memref<80x32xi32, #tpu.memory_space<vmem>>)
      tpu.yield
    }) : () -> ()
    "tpu.region"() ({
      %run_scoped3A = tpu.sem_alloc : memref<!tpu.dma_semaphore, #tpu.memory_space<semaphore_mem>>
      %dma_start3A_311 = arith.constant 160 : i32
      %dma_start3A_312 = arith.constant 0 : i32
      %dma_start3A_313 = tpu.memref_slice %arg4[%add3A, %dma_start3A_311, %dma_start3A_312] : memref<32x320x32xi32, #tpu.memory_space<hbm>> -> memref<1x80x32xi32, #tpu.memory_space<hbm>>
      %dma_start3A_314 = tpu.memref_squeeze %dma_start3A_313 : memref<1x80x32xi32, #tpu.memory_space<hbm>> -> memref<80x32xi32, #tpu.memory_space<hbm>>
      %dma_start3A_315 = arith.constant 160 : i32
      %dma_start3A_316 = arith.constant 0 : i32
      %dma_start3A_317 = tpu.memref_slice %arg4[%add3A, %dma_start3A_315, %dma_start3A_316] : memref<32x320x32xi32, #tpu.memory_space<hbm>> -> memref<1x80x32xi32, #tpu.memory_space<hbm>>
      %dma_start3A_318 = tpu.memref_squeeze %dma_start3A_317 : memref<1x80x32xi32, #tpu.memory_space<hbm>> -> memref<80x32xi32, #tpu.memory_space<hbm>>
      tpu.enqueue_dma source(%dma_start3A_318 : memref<80x32xi32, #tpu.memory_space<hbm>>) target(%arg8 : memref<80x32xi32, #tpu.memory_space<vmem>>) target_semaphore(%run_scoped3A : memref<!tpu.dma_semaphore, #tpu.memory_space<semaphore_mem>>)
      %dma_wait3A_319 = arith.constant 160 : i32
      %dma_wait3A_320 = arith.constant 0 : i32
      %dma_wait3A_321 = tpu.memref_slice %arg4[%add3A, %dma_wait3A_319, %dma_wait3A_320] : memref<32x320x32xi32, #tpu.memory_space<hbm>> -> memref<1x80x32xi32, #tpu.memory_space<hbm>>
      %dma_wait3A_322 = tpu.memref_squeeze %dma_wait3A_321 : memref<1x80x32xi32, #tpu.memory_space<hbm>> -> memref<80x32xi32, #tpu.memory_space<hbm>>
      %dma_wait3A_323 = arith.constant 160 : i32
      %dma_wait3A_324 = arith.constant 0 : i32
      %dma_wait3A_325 = tpu.memref_slice %arg4[%add3A, %dma_wait3A_323, %dma_wait3A_324] : memref<32x320x32xi32, #tpu.memory_space<hbm>> -> memref<1x80x32xi32, #tpu.memory_space<hbm>>
      %dma_wait3A_326 = tpu.memref_squeeze %dma_wait3A_325 : memref<1x80x32xi32, #tpu.memory_space<hbm>> -> memref<80x32xi32, #tpu.memory_space<hbm>>
      tpu.wait_dma2 semaphore(%run_scoped3A : memref<!tpu.dma_semaphore, #tpu.memory_space<semaphore_mem>>) src(%dma_wait3A_326 : memref<80x32xi32, #tpu.memory_space<hbm>>) dst(%arg8 : memref<80x32xi32, #tpu.memory_space<vmem>>)
      tpu.yield
    }) : () -> ()
    %dma_start3A_154 = arith.constant 0 : i32
    %dma_start3A_155 = arith.constant 0 : i32
    %dma_start3A_156 = tpu.memref_slice %arg7[%dma_start3A_154, %dma_start3A_155] : memref<80x32xi32, #tpu.memory_space<vmem>> -> memref<1x32xi32, #tpu.memory_space<vmem>>
    %dma_start3A_157 = tpu.memref_squeeze %dma_start3A_156 : memref<1x32xi32, #tpu.memory_space<vmem>> -> memref<32xi32, #tpu.memory_space<vmem>>
    %dma_start3A_158 = arith.constant 0 : i32
    %dma_start3A_159 = arith.constant 0 : i32
    %dma_start3A_160 = tpu.memref_slice %arg2[%dma_start3A_158, %dma_start3A_159] : memref<160000x128xf32, #tpu.memory_space<hbm>> -> memref<160000x128xf32, #tpu.memory_space<hbm>>
    tpu.enqueue_indirect_dma source(%dma_start3A_160 : memref<160000x128xf32, #tpu.memory_space<hbm>>) target(%arg9 : memref<32x128xf32, #tpu.memory_space<vmem>>) offsets(%dma_start3A_157 : memref<32xi32, #tpu.memory_space<vmem>>) semaphore(%arg15 : memref<!tpu.dma_semaphore, #tpu.memory_space<semaphore_mem>>)
    %dma_start3A_161 = arith.constant 1 : i32
    %dma_start3A_162 = arith.constant 0 : i32
    %dma_start3A_163 = tpu.memref_slice %arg7[%dma_start3A_161, %dma_start3A_162] : memref<80x32xi32, #tpu.memory_space<vmem>> -> memref<1x32xi32, #tpu.memory_space<vmem>>
    %dma_start3A_164 = tpu.memref_squeeze %dma_start3A_163 : memref<1x32xi32, #tpu.memory_space<vmem>> -> memref<32xi32, #tpu.memory_space<vmem>>
    %dma_start3A_165 = arith.constant 0 : i32
    %dma_start3A_166 = arith.constant 0 : i32
    %dma_start3A_167 = tpu.memref_slice %arg2[%dma_start3A_165, %dma_start3A_166] : memref<160000x128xf32, #tpu.memory_space<hbm>> -> memref<160000x128xf32, #tpu.memory_space<hbm>>
    tpu.enqueue_indirect_dma source(%dma_start3A_167 : memref<160000x128xf32, #tpu.memory_space<hbm>>) target(%arg10 : memref<32x128xf32, #tpu.memory_space<vmem>>) offsets(%dma_start3A_164 : memref<32xi32, #tpu.memory_space<vmem>>) semaphore(%arg16 : memref<!tpu.dma_semaphore, #tpu.memory_space<semaphore_mem>>)
    %dma_start3A_168 = arith.constant 2 : i32
    %dma_start3A_169 = arith.constant 0 : i32
    %dma_start3A_170 = tpu.memref_slice %arg7[%dma_start3A_168, %dma_start3A_169] : memref<80x32xi32, #tpu.memory_space<vmem>> -> memref<1x32xi32, #tpu.memory_space<vmem>>
    %dma_start3A_171 = tpu.memref_squeeze %dma_start3A_170 : memref<1x32xi32, #tpu.memory_space<vmem>> -> memref<32xi32, #tpu.memory_space<vmem>>
    %dma_start3A_172 = arith.constant 0 : i32
    %dma_start3A_173 = arith.constant 0 : i32
    %dma_start3A_174 = tpu.memref_slice %arg2[%dma_start3A_172, %dma_start3A_173] : memref<160000x128xf32, #tpu.memory_space<hbm>> -> memref<160000x128xf32, #tpu.memory_space<hbm>>
    tpu.enqueue_indirect_dma source(%dma_start3A_174 : memref<160000x128xf32, #tpu.memory_space<hbm>>) target(%arg11 : memref<32x128xf32, #tpu.memory_space<vmem>>) offsets(%dma_start3A_171 : memref<32xi32, #tpu.memory_space<vmem>>) semaphore(%arg17 : memref<!tpu.dma_semaphore, #tpu.memory_space<semaphore_mem>>)
    %dma_start3A_175 = arith.constant 3 : i32
    %dma_start3A_176 = arith.constant 0 : i32
    %dma_start3A_177 = tpu.memref_slice %arg7[%dma_start3A_175, %dma_start3A_176] : memref<80x32xi32, #tpu.memory_space<vmem>> -> memref<1x32xi32, #tpu.memory_space<vmem>>
    %dma_start3A_178 = tpu.memref_squeeze %dma_start3A_177 : memref<1x32xi32, #tpu.memory_space<vmem>> -> memref<32xi32, #tpu.memory_space<vmem>>
    %dma_start3A_179 = arith.constant 0 : i32
    %dma_start3A_180 = arith.constant 0 : i32
    %dma_start3A_181 = tpu.memref_slice %arg2[%dma_start3A_179, %dma_start3A_180] : memref<160000x128xf32, #tpu.memory_space<hbm>> -> memref<160000x128xf32, #tpu.memory_space<hbm>>
    tpu.enqueue_indirect_dma source(%dma_start3A_181 : memref<160000x128xf32, #tpu.memory_space<hbm>>) target(%arg12 : memref<32x128xf32, #tpu.memory_space<vmem>>) offsets(%dma_start3A_178 : memref<32xi32, #tpu.memory_space<vmem>>) semaphore(%arg18 : memref<!tpu.dma_semaphore, #tpu.memory_space<semaphore_mem>>)
    %dma_start3A_182 = arith.constant 4 : i32
    %dma_start3A_183 = arith.constant 0 : i32
    %dma_start3A_184 = tpu.memref_slice %arg7[%dma_start3A_182, %dma_start3A_183] : memref<80x32xi32, #tpu.memory_space<vmem>> -> memref<1x32xi32, #tpu.memory_space<vmem>>
    %dma_start3A_185 = tpu.memref_squeeze %dma_start3A_184 : memref<1x32xi32, #tpu.memory_space<vmem>> -> memref<32xi32, #tpu.memory_space<vmem>>
    %dma_start3A_186 = arith.constant 0 : i32
    %dma_start3A_187 = arith.constant 0 : i32
    %dma_start3A_188 = tpu.memref_slice %arg2[%dma_start3A_186, %dma_start3A_187] : memref<160000x128xf32, #tpu.memory_space<hbm>> -> memref<160000x128xf32, #tpu.memory_space<hbm>>
    tpu.enqueue_indirect_dma source(%dma_start3A_188 : memref<160000x128xf32, #tpu.memory_space<hbm>>) target(%arg13 : memref<32x128xf32, #tpu.memory_space<vmem>>) offsets(%dma_start3A_185 : memref<32xi32, #tpu.memory_space<vmem>>) semaphore(%arg19 : memref<!tpu.dma_semaphore, #tpu.memory_space<semaphore_mem>>)
    %scan3A_189 = arith.constant 0 : i32
    %scan3A_190 = arith.constant 0 : i32
    %scan3A_191 = arith.constant 16 : i32
    %scan3A_192 = arith.addi %scan3A_190, %scan3A_191 : i32
    %scan3A_193 = arith.constant 1 : i32
    scf.for %scan3A_311 = %scan3A_190 to %scan3A_192 step %scan3A_193  : i32 {
      %mul3A_312 = arith.constant 5 : i32
      %mul3A_313 = arith.muli %mul3A_312, %scan3A_311 : i32
      %add3A_314 = arith.constant 0 : i32
      %add3A_315 = arith.addi %mul3A_313, %add3A_314 : i32
      %dma_wait3A_316 = arith.constant 0 : i32
      %dma_wait3A_317 = tpu.memref_slice %arg7[%add3A_315, %dma_wait3A_316] : memref<80x32xi32, #tpu.memory_space<vmem>> -> memref<1x32xi32, #tpu.memory_space<vmem>>
      %dma_wait3A_318 = tpu.memref_squeeze %dma_wait3A_317 : memref<1x32xi32, #tpu.memory_space<vmem>> -> memref<32xi32, #tpu.memory_space<vmem>>
      %dma_wait3A_319 = arith.constant 0 : i32
      %dma_wait3A_320 = arith.constant 0 : i32
      %dma_wait3A_321 = tpu.memref_slice %arg2[%dma_wait3A_319, %dma_wait3A_320] : memref<160000x128xf32, #tpu.memory_space<hbm>> -> memref<160000x128xf32, #tpu.memory_space<hbm>>
      tpu.wait_indirect_dma semaphore(%arg15 : memref<!tpu.dma_semaphore, #tpu.memory_space<semaphore_mem>>) src(%dma_wait3A_321 : memref<160000x128xf32, #tpu.memory_space<hbm>>) dst(%arg9 : memref<32x128xf32, #tpu.memory_space<vmem>>)
      "tpu.region"() ({
        %run_scoped3A = tpu.sem_alloc : memref<!tpu.dma_semaphore, #tpu.memory_space<semaphore_mem>>
        %dma_start3A_411 = arith.constant 0 : i32
        %dma_start3A_412 = tpu.memref_slice %arg8[%add3A_315, %dma_start3A_411] : memref<80x32xi32, #tpu.memory_space<vmem>> -> memref<1x32xi32, #tpu.memory_space<vmem>>
        %dma_start3A_413 = tpu.memref_squeeze %dma_start3A_412 : memref<1x32xi32, #tpu.memory_space<vmem>> -> memref<32xi32, #tpu.memory_space<vmem>>
        %dma_start3A_414 = arith.constant 0 : i32
        %dma_start3A_415 = arith.constant 0 : i32
        %dma_start3A_416 = tpu.memref_slice %arg14[%dma_start3A_414, %dma_start3A_415] : memref<10240x128xf32, #tpu.memory_space<vmem_shared>> -> memref<10240x128xf32, #tpu.memory_space<vmem_shared>>
        tpu.enqueue_indirect_dma source(%arg9 : memref<32x128xf32, #tpu.memory_space<vmem>>) target(%dma_start3A_416 : memref<10240x128xf32, #tpu.memory_space<vmem_shared>>) offsets(%dma_start3A_413 : memref<32xi32, #tpu.memory_space<vmem>>) semaphore(%run_scoped3A : memref<!tpu.dma_semaphore, #tpu.memory_space<semaphore_mem>>) {add = true}
        %dma_wait3A_417 = arith.constant 0 : i32
        %dma_wait3A_418 = tpu.memref_slice %arg8[%add3A_315, %dma_wait3A_417] : memref<80x32xi32, #tpu.memory_space<vmem>> -> memref<1x32xi32, #tpu.memory_space<vmem>>
        %dma_wait3A_419 = tpu.memref_squeeze %dma_wait3A_418 : memref<1x32xi32, #tpu.memory_space<vmem>> -> memref<32xi32, #tpu.memory_space<vmem>>
        %dma_wait3A_420 = arith.constant 0 : i32
        %dma_wait3A_421 = arith.constant 0 : i32
        %dma_wait3A_422 = tpu.memref_slice %arg14[%dma_wait3A_420, %dma_wait3A_421] : memref<10240x128xf32, #tpu.memory_space<vmem_shared>> -> memref<10240x128xf32, #tpu.memory_space<vmem_shared>>
        tpu.wait_indirect_dma semaphore(%run_scoped3A : memref<!tpu.dma_semaphore, #tpu.memory_space<semaphore_mem>>) src(%arg9 : memref<32x128xf32, #tpu.memory_space<vmem>>) dst(%dma_wait3A_422 : memref<10240x128xf32, #tpu.memory_space<vmem_shared>>)
        tpu.yield
      }) : () -> ()
      %add3A_322 = arith.constant 5 : i32
      %add3A_323 = arith.addi %add3A_315, %add3A_322 : i32
      %min3A = arith.constant 79 : i32
      %min3A_324 = arith.minsi %add3A_323, %min3A : i32
      %dma_start3A_325 = arith.constant 0 : i32
      %dma_start3A_326 = tpu.memref_slice %arg7[%min3A_324, %dma_start3A_325] : memref<80x32xi32, #tpu.memory_space<vmem>> -> memref<1x32xi32, #tpu.memory_space<vmem>>
      %dma_start3A_327 = tpu.memref_squeeze %dma_start3A_326 : memref<1x32xi32, #tpu.memory_space<vmem>> -> memref<32xi32, #tpu.memory_space<vmem>>
      %dma_start3A_328 = arith.constant 0 : i32
      %dma_start3A_329 = arith.constant 0 : i32
      %dma_start3A_330 = tpu.memref_slice %arg2[%dma_start3A_328, %dma_start3A_329] : memref<160000x128xf32, #tpu.memory_space<hbm>> -> memref<160000x128xf32, #tpu.memory_space<hbm>>
      tpu.enqueue_indirect_dma source(%dma_start3A_330 : memref<160000x128xf32, #tpu.memory_space<hbm>>) target(%arg9 : memref<32x128xf32, #tpu.memory_space<vmem>>) offsets(%dma_start3A_327 : memref<32xi32, #tpu.memory_space<vmem>>) semaphore(%arg15 : memref<!tpu.dma_semaphore, #tpu.memory_space<semaphore_mem>>)
      %mul3A_331 = arith.constant 5 : i32
      %mul3A_332 = arith.muli %mul3A_331, %scan3A_311 : i32
      %add3A_333 = arith.constant 1 : i32
      %add3A_334 = arith.addi %mul3A_332, %add3A_333 : i32
      %dma_wait3A_335 = arith.constant 0 : i32
      %dma_wait3A_336 = tpu.memref_slice %arg7[%add3A_334, %dma_wait3A_335] : memref<80x32xi32, #tpu.memory_space<vmem>> -> memref<1x32xi32, #tpu.memory_space<vmem>>
      %dma_wait3A_337 = tpu.memref_squeeze %dma_wait3A_336 : memref<1x32xi32, #tpu.memory_space<vmem>> -> memref<32xi32, #tpu.memory_space<vmem>>
      %dma_wait3A_338 = arith.constant 0 : i32
      %dma_wait3A_339 = arith.constant 0 : i32
      %dma_wait3A_340 = tpu.memref_slice %arg2[%dma_wait3A_338, %dma_wait3A_339] : memref<160000x128xf32, #tpu.memory_space<hbm>> -> memref<160000x128xf32, #tpu.memory_space<hbm>>
      tpu.wait_indirect_dma semaphore(%arg16 : memref<!tpu.dma_semaphore, #tpu.memory_space<semaphore_mem>>) src(%dma_wait3A_340 : memref<160000x128xf32, #tpu.memory_space<hbm>>) dst(%arg10 : memref<32x128xf32, #tpu.memory_space<vmem>>)
      "tpu.region"() ({
        %run_scoped3A = tpu.sem_alloc : memref<!tpu.dma_semaphore, #tpu.memory_space<semaphore_mem>>
        %dma_start3A_411 = arith.constant 0 : i32
        %dma_start3A_412 = tpu.memref_slice %arg8[%add3A_334, %dma_start3A_411] : memref<80x32xi32, #tpu.memory_space<vmem>> -> memref<1x32xi32, #tpu.memory_space<vmem>>
        %dma_start3A_413 = tpu.memref_squeeze %dma_start3A_412 : memref<1x32xi32, #tpu.memory_space<vmem>> -> memref<32xi32, #tpu.memory_space<vmem>>
        %dma_start3A_414 = arith.constant 0 : i32
        %dma_start3A_415 = arith.constant 0 : i32
        %dma_start3A_416 = tpu.memref_slice %arg14[%dma_start3A_414, %dma_start3A_415] : memref<10240x128xf32, #tpu.memory_space<vmem_shared>> -> memref<10240x128xf32, #tpu.memory_space<vmem_shared>>
        tpu.enqueue_indirect_dma source(%arg10 : memref<32x128xf32, #tpu.memory_space<vmem>>) target(%dma_start3A_416 : memref<10240x128xf32, #tpu.memory_space<vmem_shared>>) offsets(%dma_start3A_413 : memref<32xi32, #tpu.memory_space<vmem>>) semaphore(%run_scoped3A : memref<!tpu.dma_semaphore, #tpu.memory_space<semaphore_mem>>) {add = true}
        %dma_wait3A_417 = arith.constant 0 : i32
        %dma_wait3A_418 = tpu.memref_slice %arg8[%add3A_334, %dma_wait3A_417] : memref<80x32xi32, #tpu.memory_space<vmem>> -> memref<1x32xi32, #tpu.memory_space<vmem>>
        %dma_wait3A_419 = tpu.memref_squeeze %dma_wait3A_418 : memref<1x32xi32, #tpu.memory_space<vmem>> -> memref<32xi32, #tpu.memory_space<vmem>>
        %dma_wait3A_420 = arith.constant 0 : i32
        %dma_wait3A_421 = arith.constant 0 : i32
        %dma_wait3A_422 = tpu.memref_slice %arg14[%dma_wait3A_420, %dma_wait3A_421] : memref<10240x128xf32, #tpu.memory_space<vmem_shared>> -> memref<10240x128xf32, #tpu.memory_space<vmem_shared>>
        tpu.wait_indirect_dma semaphore(%run_scoped3A : memref<!tpu.dma_semaphore, #tpu.memory_space<semaphore_mem>>) src(%arg10 : memref<32x128xf32, #tpu.memory_space<vmem>>) dst(%dma_wait3A_422 : memref<10240x128xf32, #tpu.memory_space<vmem_shared>>)
        tpu.yield
      }) : () -> ()
      %add3A_341 = arith.constant 5 : i32
      %add3A_342 = arith.addi %add3A_334, %add3A_341 : i32
      %min3A_343 = arith.constant 79 : i32
      %min3A_344 = arith.minsi %add3A_342, %min3A_343 : i32
      %dma_start3A_345 = arith.constant 0 : i32
      %dma_start3A_346 = tpu.memref_slice %arg7[%min3A_344, %dma_start3A_345] : memref<80x32xi32, #tpu.memory_space<vmem>> -> memref<1x32xi32, #tpu.memory_space<vmem>>
      %dma_start3A_347 = tpu.memref_squeeze %dma_start3A_346 : memref<1x32xi32, #tpu.memory_space<vmem>> -> memref<32xi32, #tpu.memory_space<vmem>>
      %dma_start3A_348 = arith.constant 0 : i32
      %dma_start3A_349 = arith.constant 0 : i32
      %dma_start3A_350 = tpu.memref_slice %arg2[%dma_start3A_348, %dma_start3A_349] : memref<160000x128xf32, #tpu.memory_space<hbm>> -> memref<160000x128xf32, #tpu.memory_space<hbm>>
      tpu.enqueue_indirect_dma source(%dma_start3A_350 : memref<160000x128xf32, #tpu.memory_space<hbm>>) target(%arg10 : memref<32x128xf32, #tpu.memory_space<vmem>>) offsets(%dma_start3A_347 : memref<32xi32, #tpu.memory_space<vmem>>) semaphore(%arg16 : memref<!tpu.dma_semaphore, #tpu.memory_space<semaphore_mem>>)
      %mul3A_351 = arith.constant 5 : i32
      %mul3A_352 = arith.muli %mul3A_351, %scan3A_311 : i32
      %add3A_353 = arith.constant 2 : i32
      %add3A_354 = arith.addi %mul3A_352, %add3A_353 : i32
      %dma_wait3A_355 = arith.constant 0 : i32
      %dma_wait3A_356 = tpu.memref_slice %arg7[%add3A_354, %dma_wait3A_355] : memref<80x32xi32, #tpu.memory_space<vmem>> -> memref<1x32xi32, #tpu.memory_space<vmem>>
      %dma_wait3A_357 = tpu.memref_squeeze %dma_wait3A_356 : memref<1x32xi32, #tpu.memory_space<vmem>> -> memref<32xi32, #tpu.memory_space<vmem>>
      %dma_wait3A_358 = arith.constant 0 : i32
      %dma_wait3A_359 = arith.constant 0 : i32
      %dma_wait3A_360 = tpu.memref_slice %arg2[%dma_wait3A_358, %dma_wait3A_359] : memref<160000x128xf32, #tpu.memory_space<hbm>> -> memref<160000x128xf32, #tpu.memory_space<hbm>>
      tpu.wait_indirect_dma semaphore(%arg17 : memref<!tpu.dma_semaphore, #tpu.memory_space<semaphore_mem>>) src(%dma_wait3A_360 : memref<160000x128xf32, #tpu.memory_space<hbm>>) dst(%arg11 : memref<32x128xf32, #tpu.memory_space<vmem>>)
      "tpu.region"() ({
        %run_scoped3A = tpu.sem_alloc : memref<!tpu.dma_semaphore, #tpu.memory_space<semaphore_mem>>
        %dma_start3A_411 = arith.constant 0 : i32
        %dma_start3A_412 = tpu.memref_slice %arg8[%add3A_354, %dma_start3A_411] : memref<80x32xi32, #tpu.memory_space<vmem>> -> memref<1x32xi32, #tpu.memory_space<vmem>>
        %dma_start3A_413 = tpu.memref_squeeze %dma_start3A_412 : memref<1x32xi32, #tpu.memory_space<vmem>> -> memref<32xi32, #tpu.memory_space<vmem>>
        %dma_start3A_414 = arith.constant 0 : i32
        %dma_start3A_415 = arith.constant 0 : i32
        %dma_start3A_416 = tpu.memref_slice %arg14[%dma_start3A_414, %dma_start3A_415] : memref<10240x128xf32, #tpu.memory_space<vmem_shared>> -> memref<10240x128xf32, #tpu.memory_space<vmem_shared>>
        tpu.enqueue_indirect_dma source(%arg11 : memref<32x128xf32, #tpu.memory_space<vmem>>) target(%dma_start3A_416 : memref<10240x128xf32, #tpu.memory_space<vmem_shared>>) offsets(%dma_start3A_413 : memref<32xi32, #tpu.memory_space<vmem>>) semaphore(%run_scoped3A : memref<!tpu.dma_semaphore, #tpu.memory_space<semaphore_mem>>) {add = true}
        %dma_wait3A_417 = arith.constant 0 : i32
        %dma_wait3A_418 = tpu.memref_slice %arg8[%add3A_354, %dma_wait3A_417] : memref<80x32xi32, #tpu.memory_space<vmem>> -> memref<1x32xi32, #tpu.memory_space<vmem>>
        %dma_wait3A_419 = tpu.memref_squeeze %dma_wait3A_418 : memref<1x32xi32, #tpu.memory_space<vmem>> -> memref<32xi32, #tpu.memory_space<vmem>>
        %dma_wait3A_420 = arith.constant 0 : i32
        %dma_wait3A_421 = arith.constant 0 : i32
        %dma_wait3A_422 = tpu.memref_slice %arg14[%dma_wait3A_420, %dma_wait3A_421] : memref<10240x128xf32, #tpu.memory_space<vmem_shared>> -> memref<10240x128xf32, #tpu.memory_space<vmem_shared>>
        tpu.wait_indirect_dma semaphore(%run_scoped3A : memref<!tpu.dma_semaphore, #tpu.memory_space<semaphore_mem>>) src(%arg11 : memref<32x128xf32, #tpu.memory_space<vmem>>) dst(%dma_wait3A_422 : memref<10240x128xf32, #tpu.memory_space<vmem_shared>>)
        tpu.yield
      }) : () -> ()
      %add3A_361 = arith.constant 5 : i32
      %add3A_362 = arith.addi %add3A_354, %add3A_361 : i32
      %min3A_363 = arith.constant 79 : i32
      %min3A_364 = arith.minsi %add3A_362, %min3A_363 : i32
      %dma_start3A_365 = arith.constant 0 : i32
      %dma_start3A_366 = tpu.memref_slice %arg7[%min3A_364, %dma_start3A_365] : memref<80x32xi32, #tpu.memory_space<vmem>> -> memref<1x32xi32, #tpu.memory_space<vmem>>
      %dma_start3A_367 = tpu.memref_squeeze %dma_start3A_366 : memref<1x32xi32, #tpu.memory_space<vmem>> -> memref<32xi32, #tpu.memory_space<vmem>>
      %dma_start3A_368 = arith.constant 0 : i32
      %dma_start3A_369 = arith.constant 0 : i32
      %dma_start3A_370 = tpu.memref_slice %arg2[%dma_start3A_368, %dma_start3A_369] : memref<160000x128xf32, #tpu.memory_space<hbm>> -> memref<160000x128xf32, #tpu.memory_space<hbm>>
      tpu.enqueue_indirect_dma source(%dma_start3A_370 : memref<160000x128xf32, #tpu.memory_space<hbm>>) target(%arg11 : memref<32x128xf32, #tpu.memory_space<vmem>>) offsets(%dma_start3A_367 : memref<32xi32, #tpu.memory_space<vmem>>) semaphore(%arg17 : memref<!tpu.dma_semaphore, #tpu.memory_space<semaphore_mem>>)
      %mul3A_371 = arith.constant 5 : i32
      %mul3A_372 = arith.muli %mul3A_371, %scan3A_311 : i32
      %add3A_373 = arith.constant 3 : i32
      %add3A_374 = arith.addi %mul3A_372, %add3A_373 : i32
      %dma_wait3A_375 = arith.constant 0 : i32
      %dma_wait3A_376 = tpu.memref_slice %arg7[%add3A_374, %dma_wait3A_375] : memref<80x32xi32, #tpu.memory_space<vmem>> -> memref<1x32xi32, #tpu.memory_space<vmem>>
      %dma_wait3A_377 = tpu.memref_squeeze %dma_wait3A_376 : memref<1x32xi32, #tpu.memory_space<vmem>> -> memref<32xi32, #tpu.memory_space<vmem>>
      %dma_wait3A_378 = arith.constant 0 : i32
      %dma_wait3A_379 = arith.constant 0 : i32
      %dma_wait3A_380 = tpu.memref_slice %arg2[%dma_wait3A_378, %dma_wait3A_379] : memref<160000x128xf32, #tpu.memory_space<hbm>> -> memref<160000x128xf32, #tpu.memory_space<hbm>>
      tpu.wait_indirect_dma semaphore(%arg18 : memref<!tpu.dma_semaphore, #tpu.memory_space<semaphore_mem>>) src(%dma_wait3A_380 : memref<160000x128xf32, #tpu.memory_space<hbm>>) dst(%arg12 : memref<32x128xf32, #tpu.memory_space<vmem>>)
      "tpu.region"() ({
        %run_scoped3A = tpu.sem_alloc : memref<!tpu.dma_semaphore, #tpu.memory_space<semaphore_mem>>
        %dma_start3A_411 = arith.constant 0 : i32
        %dma_start3A_412 = tpu.memref_slice %arg8[%add3A_374, %dma_start3A_411] : memref<80x32xi32, #tpu.memory_space<vmem>> -> memref<1x32xi32, #tpu.memory_space<vmem>>
        %dma_start3A_413 = tpu.memref_squeeze %dma_start3A_412 : memref<1x32xi32, #tpu.memory_space<vmem>> -> memref<32xi32, #tpu.memory_space<vmem>>
        %dma_start3A_414 = arith.constant 0 : i32
        %dma_start3A_415 = arith.constant 0 : i32
        %dma_start3A_416 = tpu.memref_slice %arg14[%dma_start3A_414, %dma_start3A_415] : memref<10240x128xf32, #tpu.memory_space<vmem_shared>> -> memref<10240x128xf32, #tpu.memory_space<vmem_shared>>
        tpu.enqueue_indirect_dma source(%arg12 : memref<32x128xf32, #tpu.memory_space<vmem>>) target(%dma_start3A_416 : memref<10240x128xf32, #tpu.memory_space<vmem_shared>>) offsets(%dma_start3A_413 : memref<32xi32, #tpu.memory_space<vmem>>) semaphore(%run_scoped3A : memref<!tpu.dma_semaphore, #tpu.memory_space<semaphore_mem>>) {add = true}
        %dma_wait3A_417 = arith.constant 0 : i32
        %dma_wait3A_418 = tpu.memref_slice %arg8[%add3A_374, %dma_wait3A_417] : memref<80x32xi32, #tpu.memory_space<vmem>> -> memref<1x32xi32, #tpu.memory_space<vmem>>
        %dma_wait3A_419 = tpu.memref_squeeze %dma_wait3A_418 : memref<1x32xi32, #tpu.memory_space<vmem>> -> memref<32xi32, #tpu.memory_space<vmem>>
        %dma_wait3A_420 = arith.constant 0 : i32
        %dma_wait3A_421 = arith.constant 0 : i32
        %dma_wait3A_422 = tpu.memref_slice %arg14[%dma_wait3A_420, %dma_wait3A_421] : memref<10240x128xf32, #tpu.memory_space<vmem_shared>> -> memref<10240x128xf32, #tpu.memory_space<vmem_shared>>
        tpu.wait_indirect_dma semaphore(%run_scoped3A : memref<!tpu.dma_semaphore, #tpu.memory_space<semaphore_mem>>) src(%arg12 : memref<32x128xf32, #tpu.memory_space<vmem>>) dst(%dma_wait3A_422 : memref<10240x128xf32, #tpu.memory_space<vmem_shared>>)
        tpu.yield
      }) : () -> ()
      %add3A_381 = arith.constant 5 : i32
      %add3A_382 = arith.addi %add3A_374, %add3A_381 : i32
      %min3A_383 = arith.constant 79 : i32
      %min3A_384 = arith.minsi %add3A_382, %min3A_383 : i32
      %dma_start3A_385 = arith.constant 0 : i32
      %dma_start3A_386 = tpu.memref_slice %arg7[%min3A_384, %dma_start3A_385] : memref<80x32xi32, #tpu.memory_space<vmem>> -> memref<1x32xi32, #tpu.memory_space<vmem>>
      %dma_start3A_387 = tpu.memref_squeeze %dma_start3A_386 : memref<1x32xi32, #tpu.memory_space<vmem>> -> memref<32xi32, #tpu.memory_space<vmem>>
      %dma_start3A_388 = arith.constant 0 : i32
      %dma_start3A_389 = arith.constant 0 : i32
      %dma_start3A_390 = tpu.memref_slice %arg2[%dma_start3A_388, %dma_start3A_389] : memref<160000x128xf32, #tpu.memory_space<hbm>> -> memref<160000x128xf32, #tpu.memory_space<hbm>>
      tpu.enqueue_indirect_dma source(%dma_start3A_390 : memref<160000x128xf32, #tpu.memory_space<hbm>>) target(%arg12 : memref<32x128xf32, #tpu.memory_space<vmem>>) offsets(%dma_start3A_387 : memref<32xi32, #tpu.memory_space<vmem>>) semaphore(%arg18 : memref<!tpu.dma_semaphore, #tpu.memory_space<semaphore_mem>>)
      %mul3A_391 = arith.constant 5 : i32
      %mul3A_392 = arith.muli %mul3A_391, %scan3A_311 : i32
      %add3A_393 = arith.constant 4 : i32
      %add3A_394 = arith.addi %mul3A_392, %add3A_393 : i32
      %dma_wait3A_395 = arith.constant 0 : i32
      %dma_wait3A_396 = tpu.memref_slice %arg7[%add3A_394, %dma_wait3A_395] : memref<80x32xi32, #tpu.memory_space<vmem>> -> memref<1x32xi32, #tpu.memory_space<vmem>>
      %dma_wait3A_397 = tpu.memref_squeeze %dma_wait3A_396 : memref<1x32xi32, #tpu.memory_space<vmem>> -> memref<32xi32, #tpu.memory_space<vmem>>
      %dma_wait3A_398 = arith.constant 0 : i32
      %dma_wait3A_399 = arith.constant 0 : i32
      %dma_wait3A_400 = tpu.memref_slice %arg2[%dma_wait3A_398, %dma_wait3A_399] : memref<160000x128xf32, #tpu.memory_space<hbm>> -> memref<160000x128xf32, #tpu.memory_space<hbm>>
      tpu.wait_indirect_dma semaphore(%arg19 : memref<!tpu.dma_semaphore, #tpu.memory_space<semaphore_mem>>) src(%dma_wait3A_400 : memref<160000x128xf32, #tpu.memory_space<hbm>>) dst(%arg13 : memref<32x128xf32, #tpu.memory_space<vmem>>)
      "tpu.region"() ({
        %run_scoped3A = tpu.sem_alloc : memref<!tpu.dma_semaphore, #tpu.memory_space<semaphore_mem>>
        %dma_start3A_411 = arith.constant 0 : i32
        %dma_start3A_412 = tpu.memref_slice %arg8[%add3A_394, %dma_start3A_411] : memref<80x32xi32, #tpu.memory_space<vmem>> -> memref<1x32xi32, #tpu.memory_space<vmem>>
        %dma_start3A_413 = tpu.memref_squeeze %dma_start3A_412 : memref<1x32xi32, #tpu.memory_space<vmem>> -> memref<32xi32, #tpu.memory_space<vmem>>
        %dma_start3A_414 = arith.constant 0 : i32
        %dma_start3A_415 = arith.constant 0 : i32
        %dma_start3A_416 = tpu.memref_slice %arg14[%dma_start3A_414, %dma_start3A_415] : memref<10240x128xf32, #tpu.memory_space<vmem_shared>> -> memref<10240x128xf32, #tpu.memory_space<vmem_shared>>
        tpu.enqueue_indirect_dma source(%arg13 : memref<32x128xf32, #tpu.memory_space<vmem>>) target(%dma_start3A_416 : memref<10240x128xf32, #tpu.memory_space<vmem_shared>>) offsets(%dma_start3A_413 : memref<32xi32, #tpu.memory_space<vmem>>) semaphore(%run_scoped3A : memref<!tpu.dma_semaphore, #tpu.memory_space<semaphore_mem>>) {add = true}
        %dma_wait3A_417 = arith.constant 0 : i32
        %dma_wait3A_418 = tpu.memref_slice %arg8[%add3A_394, %dma_wait3A_417] : memref<80x32xi32, #tpu.memory_space<vmem>> -> memref<1x32xi32, #tpu.memory_space<vmem>>
        %dma_wait3A_419 = tpu.memref_squeeze %dma_wait3A_418 : memref<1x32xi32, #tpu.memory_space<vmem>> -> memref<32xi32, #tpu.memory_space<vmem>>
        %dma_wait3A_420 = arith.constant 0 : i32
        %dma_wait3A_421 = arith.constant 0 : i32
        %dma_wait3A_422 = tpu.memref_slice %arg14[%dma_wait3A_420, %dma_wait3A_421] : memref<10240x128xf32, #tpu.memory_space<vmem_shared>> -> memref<10240x128xf32, #tpu.memory_space<vmem_shared>>
        tpu.wait_indirect_dma semaphore(%run_scoped3A : memref<!tpu.dma_semaphore, #tpu.memory_space<semaphore_mem>>) src(%arg13 : memref<32x128xf32, #tpu.memory_space<vmem>>) dst(%dma_wait3A_422 : memref<10240x128xf32, #tpu.memory_space<vmem_shared>>)
        tpu.yield
      }) : () -> ()
      %add3A_401 = arith.constant 5 : i32
      %add3A_402 = arith.addi %add3A_394, %add3A_401 : i32
      %min3A_403 = arith.constant 79 : i32
      %min3A_404 = arith.minsi %add3A_402, %min3A_403 : i32
      %dma_start3A_405 = arith.constant 0 : i32
      %dma_start3A_406 = tpu.memref_slice %arg7[%min3A_404, %dma_start3A_405] : memref<80x32xi32, #tpu.memory_space<vmem>> -> memref<1x32xi32, #tpu.memory_space<vmem>>
      %dma_start3A_407 = tpu.memref_squeeze %dma_start3A_406 : memref<1x32xi32, #tpu.memory_space<vmem>> -> memref<32xi32, #tpu.memory_space<vmem>>
      %dma_start3A_408 = arith.constant 0 : i32
      %dma_start3A_409 = arith.constant 0 : i32
      %dma_start3A_410 = tpu.memref_slice %arg2[%dma_start3A_408, %dma_start3A_409] : memref<160000x128xf32, #tpu.memory_space<hbm>> -> memref<160000x128xf32, #tpu.memory_space<hbm>>
      tpu.enqueue_indirect_dma source(%dma_start3A_410 : memref<160000x128xf32, #tpu.memory_space<hbm>>) target(%arg13 : memref<32x128xf32, #tpu.memory_space<vmem>>) offsets(%dma_start3A_407 : memref<32xi32, #tpu.memory_space<vmem>>) semaphore(%arg19 : memref<!tpu.dma_semaphore, #tpu.memory_space<semaphore_mem>>)
    }
    %scan3A_194 = arith.constant 16 : i32
    %dma_wait3A_195 = arith.constant 79 : i32
    %dma_wait3A_196 = arith.constant 0 : i32
    %dma_wait3A_197 = tpu.memref_slice %arg7[%dma_wait3A_195, %dma_wait3A_196] : memref<80x32xi32, #tpu.memory_space<vmem>> -> memref<1x32xi32, #tpu.memory_space<vmem>>
    %dma_wait3A_198 = tpu.memref_squeeze %dma_wait3A_197 : memref<1x32xi32, #tpu.memory_space<vmem>> -> memref<32xi32, #tpu.memory_space<vmem>>
    %dma_wait3A_199 = arith.constant 0 : i32
    %dma_wait3A_200 = arith.constant 0 : i32
    %dma_wait3A_201 = tpu.memref_slice %arg2[%dma_wait3A_199, %dma_wait3A_200] : memref<160000x128xf32, #tpu.memory_space<hbm>> -> memref<160000x128xf32, #tpu.memory_space<hbm>>
    tpu.wait_indirect_dma semaphore(%arg15 : memref<!tpu.dma_semaphore, #tpu.memory_space<semaphore_mem>>) src(%dma_wait3A_201 : memref<160000x128xf32, #tpu.memory_space<hbm>>) dst(%arg9 : memref<32x128xf32, #tpu.memory_space<vmem>>)
    %dma_wait3A_202 = arith.constant 79 : i32
    %dma_wait3A_203 = arith.constant 0 : i32
    %dma_wait3A_204 = tpu.memref_slice %arg7[%dma_wait3A_202, %dma_wait3A_203] : memref<80x32xi32, #tpu.memory_space<vmem>> -> memref<1x32xi32, #tpu.memory_space<vmem>>
    %dma_wait3A_205 = tpu.memref_squeeze %dma_wait3A_204 : memref<1x32xi32, #tpu.memory_space<vmem>> -> memref<32xi32, #tpu.memory_space<vmem>>
    %dma_wait3A_206 = arith.constant 0 : i32
    %dma_wait3A_207 = arith.constant 0 : i32
    %dma_wait3A_208 = tpu.memref_slice %arg2[%dma_wait3A_206, %dma_wait3A_207] : memref<160000x128xf32, #tpu.memory_space<hbm>> -> memref<160000x128xf32, #tpu.memory_space<hbm>>
    tpu.wait_indirect_dma semaphore(%arg16 : memref<!tpu.dma_semaphore, #tpu.memory_space<semaphore_mem>>) src(%dma_wait3A_208 : memref<160000x128xf32, #tpu.memory_space<hbm>>) dst(%arg10 : memref<32x128xf32, #tpu.memory_space<vmem>>)
    %dma_wait3A_209 = arith.constant 79 : i32
    %dma_wait3A_210 = arith.constant 0 : i32
    %dma_wait3A_211 = tpu.memref_slice %arg7[%dma_wait3A_209, %dma_wait3A_210] : memref<80x32xi32, #tpu.memory_space<vmem>> -> memref<1x32xi32, #tpu.memory_space<vmem>>
    %dma_wait3A_212 = tpu.memref_squeeze %dma_wait3A_211 : memref<1x32xi32, #tpu.memory_space<vmem>> -> memref<32xi32, #tpu.memory_space<vmem>>
    %dma_wait3A_213 = arith.constant 0 : i32
    %dma_wait3A_214 = arith.constant 0 : i32
    %dma_wait3A_215 = tpu.memref_slice %arg2[%dma_wait3A_213, %dma_wait3A_214] : memref<160000x128xf32, #tpu.memory_space<hbm>> -> memref<160000x128xf32, #tpu.memory_space<hbm>>
    tpu.wait_indirect_dma semaphore(%arg17 : memref<!tpu.dma_semaphore, #tpu.memory_space<semaphore_mem>>) src(%dma_wait3A_215 : memref<160000x128xf32, #tpu.memory_space<hbm>>) dst(%arg11 : memref<32x128xf32, #tpu.memory_space<vmem>>)
    %dma_wait3A_216 = arith.constant 79 : i32
    %dma_wait3A_217 = arith.constant 0 : i32
    %dma_wait3A_218 = tpu.memref_slice %arg7[%dma_wait3A_216, %dma_wait3A_217] : memref<80x32xi32, #tpu.memory_space<vmem>> -> memref<1x32xi32, #tpu.memory_space<vmem>>
    %dma_wait3A_219 = tpu.memref_squeeze %dma_wait3A_218 : memref<1x32xi32, #tpu.memory_space<vmem>> -> memref<32xi32, #tpu.memory_space<vmem>>
    %dma_wait3A_220 = arith.constant 0 : i32
    %dma_wait3A_221 = arith.constant 0 : i32
    %dma_wait3A_222 = tpu.memref_slice %arg2[%dma_wait3A_220, %dma_wait3A_221] : memref<160000x128xf32, #tpu.memory_space<hbm>> -> memref<160000x128xf32, #tpu.memory_space<hbm>>
    tpu.wait_indirect_dma semaphore(%arg18 : memref<!tpu.dma_semaphore, #tpu.memory_space<semaphore_mem>>) src(%dma_wait3A_222 : memref<160000x128xf32, #tpu.memory_space<hbm>>) dst(%arg12 : memref<32x128xf32, #tpu.memory_space<vmem>>)
    %dma_wait3A_223 = arith.constant 79 : i32
    %dma_wait3A_224 = arith.constant 0 : i32
    %dma_wait3A_225 = tpu.memref_slice %arg7[%dma_wait3A_223, %dma_wait3A_224] : memref<80x32xi32, #tpu.memory_space<vmem>> -> memref<1x32xi32, #tpu.memory_space<vmem>>
    %dma_wait3A_226 = tpu.memref_squeeze %dma_wait3A_225 : memref<1x32xi32, #tpu.memory_space<vmem>> -> memref<32xi32, #tpu.memory_space<vmem>>
    %dma_wait3A_227 = arith.constant 0 : i32
    %dma_wait3A_228 = arith.constant 0 : i32
    %dma_wait3A_229 = tpu.memref_slice %arg2[%dma_wait3A_227, %dma_wait3A_228] : memref<160000x128xf32, #tpu.memory_space<hbm>> -> memref<160000x128xf32, #tpu.memory_space<hbm>>
    tpu.wait_indirect_dma semaphore(%arg19 : memref<!tpu.dma_semaphore, #tpu.memory_space<semaphore_mem>>) src(%dma_wait3A_229 : memref<160000x128xf32, #tpu.memory_space<hbm>>) dst(%arg13 : memref<32x128xf32, #tpu.memory_space<vmem>>)
    "tpu.region"() ({
      %run_scoped3A = tpu.sem_alloc : memref<!tpu.dma_semaphore, #tpu.memory_space<semaphore_mem>>
      %dma_start3A_311 = arith.constant 240 : i32
      %dma_start3A_312 = arith.constant 0 : i32
      %dma_start3A_313 = tpu.memref_slice %arg3[%add3A, %dma_start3A_311, %dma_start3A_312] : memref<32x320x32xi32, #tpu.memory_space<hbm>> -> memref<1x80x32xi32, #tpu.memory_space<hbm>>
      %dma_start3A_314 = tpu.memref_squeeze %dma_start3A_313 : memref<1x80x32xi32, #tpu.memory_space<hbm>> -> memref<80x32xi32, #tpu.memory_space<hbm>>
      %dma_start3A_315 = arith.constant 240 : i32
      %dma_start3A_316 = arith.constant 0 : i32
      %dma_start3A_317 = tpu.memref_slice %arg3[%add3A, %dma_start3A_315, %dma_start3A_316] : memref<32x320x32xi32, #tpu.memory_space<hbm>> -> memref<1x80x32xi32, #tpu.memory_space<hbm>>
      %dma_start3A_318 = tpu.memref_squeeze %dma_start3A_317 : memref<1x80x32xi32, #tpu.memory_space<hbm>> -> memref<80x32xi32, #tpu.memory_space<hbm>>
      tpu.enqueue_dma source(%dma_start3A_318 : memref<80x32xi32, #tpu.memory_space<hbm>>) target(%arg7 : memref<80x32xi32, #tpu.memory_space<vmem>>) target_semaphore(%run_scoped3A : memref<!tpu.dma_semaphore, #tpu.memory_space<semaphore_mem>>)
      %dma_wait3A_319 = arith.constant 240 : i32
      %dma_wait3A_320 = arith.constant 0 : i32
      %dma_wait3A_321 = tpu.memref_slice %arg3[%add3A, %dma_wait3A_319, %dma_wait3A_320] : memref<32x320x32xi32, #tpu.memory_space<hbm>> -> memref<1x80x32xi32, #tpu.memory_space<hbm>>
      %dma_wait3A_322 = tpu.memref_squeeze %dma_wait3A_321 : memref<1x80x32xi32, #tpu.memory_space<hbm>> -> memref<80x32xi32, #tpu.memory_space<hbm>>
      %dma_wait3A_323 = arith.constant 240 : i32
      %dma_wait3A_324 = arith.constant 0 : i32
      %dma_wait3A_325 = tpu.memref_slice %arg3[%add3A, %dma_wait3A_323, %dma_wait3A_324] : memref<32x320x32xi32, #tpu.memory_space<hbm>> -> memref<1x80x32xi32, #tpu.memory_space<hbm>>
      %dma_wait3A_326 = tpu.memref_squeeze %dma_wait3A_325 : memref<1x80x32xi32, #tpu.memory_space<hbm>> -> memref<80x32xi32, #tpu.memory_space<hbm>>
      tpu.wait_dma2 semaphore(%run_scoped3A : memref<!tpu.dma_semaphore, #tpu.memory_space<semaphore_mem>>) src(%dma_wait3A_326 : memref<80x32xi32, #tpu.memory_space<hbm>>) dst(%arg7 : memref<80x32xi32, #tpu.memory_space<vmem>>)
      tpu.yield
    }) : () -> ()
    "tpu.region"() ({
      %run_scoped3A = tpu.sem_alloc : memref<!tpu.dma_semaphore, #tpu.memory_space<semaphore_mem>>
      %dma_start3A_311 = arith.constant 240 : i32
      %dma_start3A_312 = arith.constant 0 : i32
      %dma_start3A_313 = tpu.memref_slice %arg4[%add3A, %dma_start3A_311, %dma_start3A_312] : memref<32x320x32xi32, #tpu.memory_space<hbm>> -> memref<1x80x32xi32, #tpu.memory_space<hbm>>
      %dma_start3A_314 = tpu.memref_squeeze %dma_start3A_313 : memref<1x80x32xi32, #tpu.memory_space<hbm>> -> memref<80x32xi32, #tpu.memory_space<hbm>>
      %dma_start3A_315 = arith.constant 240 : i32
      %dma_start3A_316 = arith.constant 0 : i32
      %dma_start3A_317 = tpu.memref_slice %arg4[%add3A, %dma_start3A_315, %dma_start3A_316] : memref<32x320x32xi32, #tpu.memory_space<hbm>> -> memref<1x80x32xi32, #tpu.memory_space<hbm>>
      %dma_start3A_318 = tpu.memref_squeeze %dma_start3A_317 : memref<1x80x32xi32, #tpu.memory_space<hbm>> -> memref<80x32xi32, #tpu.memory_space<hbm>>
      tpu.enqueue_dma source(%dma_start3A_318 : memref<80x32xi32, #tpu.memory_space<hbm>>) target(%arg8 : memref<80x32xi32, #tpu.memory_space<vmem>>) target_semaphore(%run_scoped3A : memref<!tpu.dma_semaphore, #tpu.memory_space<semaphore_mem>>)
      %dma_wait3A_319 = arith.constant 240 : i32
      %dma_wait3A_320 = arith.constant 0 : i32
      %dma_wait3A_321 = tpu.memref_slice %arg4[%add3A, %dma_wait3A_319, %dma_wait3A_320] : memref<32x320x32xi32, #tpu.memory_space<hbm>> -> memref<1x80x32xi32, #tpu.memory_space<hbm>>
      %dma_wait3A_322 = tpu.memref_squeeze %dma_wait3A_321 : memref<1x80x32xi32, #tpu.memory_space<hbm>> -> memref<80x32xi32, #tpu.memory_space<hbm>>
      %dma_wait3A_323 = arith.constant 240 : i32
      %dma_wait3A_324 = arith.constant 0 : i32
      %dma_wait3A_325 = tpu.memref_slice %arg4[%add3A, %dma_wait3A_323, %dma_wait3A_324] : memref<32x320x32xi32, #tpu.memory_space<hbm>> -> memref<1x80x32xi32, #tpu.memory_space<hbm>>
      %dma_wait3A_326 = tpu.memref_squeeze %dma_wait3A_325 : memref<1x80x32xi32, #tpu.memory_space<hbm>> -> memref<80x32xi32, #tpu.memory_space<hbm>>
      tpu.wait_dma2 semaphore(%run_scoped3A : memref<!tpu.dma_semaphore, #tpu.memory_space<semaphore_mem>>) src(%dma_wait3A_326 : memref<80x32xi32, #tpu.memory_space<hbm>>) dst(%arg8 : memref<80x32xi32, #tpu.memory_space<vmem>>)
      tpu.yield
    }) : () -> ()
    %dma_start3A_230 = arith.constant 0 : i32
    %dma_start3A_231 = arith.constant 0 : i32
    %dma_start3A_232 = tpu.memref_slice %arg7[%dma_start3A_230, %dma_start3A_231] : memref<80x32xi32, #tpu.memory_space<vmem>> -> memref<1x32xi32, #tpu.memory_space<vmem>>
    %dma_start3A_233 = tpu.memref_squeeze %dma_start3A_232 : memref<1x32xi32, #tpu.memory_space<vmem>> -> memref<32xi32, #tpu.memory_space<vmem>>
    %dma_start3A_234 = arith.constant 0 : i32
    %dma_start3A_235 = arith.constant 0 : i32
    %dma_start3A_236 = tpu.memref_slice %arg2[%dma_start3A_234, %dma_start3A_235] : memref<160000x128xf32, #tpu.memory_space<hbm>> -> memref<160000x128xf32, #tpu.memory_space<hbm>>
    tpu.enqueue_indirect_dma source(%dma_start3A_236 : memref<160000x128xf32, #tpu.memory_space<hbm>>) target(%arg9 : memref<32x128xf32, #tpu.memory_space<vmem>>) offsets(%dma_start3A_233 : memref<32xi32, #tpu.memory_space<vmem>>) semaphore(%arg15 : memref<!tpu.dma_semaphore, #tpu.memory_space<semaphore_mem>>)
    %dma_start3A_237 = arith.constant 1 : i32
    %dma_start3A_238 = arith.constant 0 : i32
    %dma_start3A_239 = tpu.memref_slice %arg7[%dma_start3A_237, %dma_start3A_238] : memref<80x32xi32, #tpu.memory_space<vmem>> -> memref<1x32xi32, #tpu.memory_space<vmem>>
    %dma_start3A_240 = tpu.memref_squeeze %dma_start3A_239 : memref<1x32xi32, #tpu.memory_space<vmem>> -> memref<32xi32, #tpu.memory_space<vmem>>
    %dma_start3A_241 = arith.constant 0 : i32
    %dma_start3A_242 = arith.constant 0 : i32
    %dma_start3A_243 = tpu.memref_slice %arg2[%dma_start3A_241, %dma_start3A_242] : memref<160000x128xf32, #tpu.memory_space<hbm>> -> memref<160000x128xf32, #tpu.memory_space<hbm>>
    tpu.enqueue_indirect_dma source(%dma_start3A_243 : memref<160000x128xf32, #tpu.memory_space<hbm>>) target(%arg10 : memref<32x128xf32, #tpu.memory_space<vmem>>) offsets(%dma_start3A_240 : memref<32xi32, #tpu.memory_space<vmem>>) semaphore(%arg16 : memref<!tpu.dma_semaphore, #tpu.memory_space<semaphore_mem>>)
    %dma_start3A_244 = arith.constant 2 : i32
    %dma_start3A_245 = arith.constant 0 : i32
    %dma_start3A_246 = tpu.memref_slice %arg7[%dma_start3A_244, %dma_start3A_245] : memref<80x32xi32, #tpu.memory_space<vmem>> -> memref<1x32xi32, #tpu.memory_space<vmem>>
    %dma_start3A_247 = tpu.memref_squeeze %dma_start3A_246 : memref<1x32xi32, #tpu.memory_space<vmem>> -> memref<32xi32, #tpu.memory_space<vmem>>
    %dma_start3A_248 = arith.constant 0 : i32
    %dma_start3A_249 = arith.constant 0 : i32
    %dma_start3A_250 = tpu.memref_slice %arg2[%dma_start3A_248, %dma_start3A_249] : memref<160000x128xf32, #tpu.memory_space<hbm>> -> memref<160000x128xf32, #tpu.memory_space<hbm>>
    tpu.enqueue_indirect_dma source(%dma_start3A_250 : memref<160000x128xf32, #tpu.memory_space<hbm>>) target(%arg11 : memref<32x128xf32, #tpu.memory_space<vmem>>) offsets(%dma_start3A_247 : memref<32xi32, #tpu.memory_space<vmem>>) semaphore(%arg17 : memref<!tpu.dma_semaphore, #tpu.memory_space<semaphore_mem>>)
    %dma_start3A_251 = arith.constant 3 : i32
    %dma_start3A_252 = arith.constant 0 : i32
    %dma_start3A_253 = tpu.memref_slice %arg7[%dma_start3A_251, %dma_start3A_252] : memref<80x32xi32, #tpu.memory_space<vmem>> -> memref<1x32xi32, #tpu.memory_space<vmem>>
    %dma_start3A_254 = tpu.memref_squeeze %dma_start3A_253 : memref<1x32xi32, #tpu.memory_space<vmem>> -> memref<32xi32, #tpu.memory_space<vmem>>
    %dma_start3A_255 = arith.constant 0 : i32
    %dma_start3A_256 = arith.constant 0 : i32
    %dma_start3A_257 = tpu.memref_slice %arg2[%dma_start3A_255, %dma_start3A_256] : memref<160000x128xf32, #tpu.memory_space<hbm>> -> memref<160000x128xf32, #tpu.memory_space<hbm>>
    tpu.enqueue_indirect_dma source(%dma_start3A_257 : memref<160000x128xf32, #tpu.memory_space<hbm>>) target(%arg12 : memref<32x128xf32, #tpu.memory_space<vmem>>) offsets(%dma_start3A_254 : memref<32xi32, #tpu.memory_space<vmem>>) semaphore(%arg18 : memref<!tpu.dma_semaphore, #tpu.memory_space<semaphore_mem>>)
    %dma_start3A_258 = arith.constant 4 : i32
    %dma_start3A_259 = arith.constant 0 : i32
    %dma_start3A_260 = tpu.memref_slice %arg7[%dma_start3A_258, %dma_start3A_259] : memref<80x32xi32, #tpu.memory_space<vmem>> -> memref<1x32xi32, #tpu.memory_space<vmem>>
    %dma_start3A_261 = tpu.memref_squeeze %dma_start3A_260 : memref<1x32xi32, #tpu.memory_space<vmem>> -> memref<32xi32, #tpu.memory_space<vmem>>
    %dma_start3A_262 = arith.constant 0 : i32
    %dma_start3A_263 = arith.constant 0 : i32
    %dma_start3A_264 = tpu.memref_slice %arg2[%dma_start3A_262, %dma_start3A_263] : memref<160000x128xf32, #tpu.memory_space<hbm>> -> memref<160000x128xf32, #tpu.memory_space<hbm>>
    tpu.enqueue_indirect_dma source(%dma_start3A_264 : memref<160000x128xf32, #tpu.memory_space<hbm>>) target(%arg13 : memref<32x128xf32, #tpu.memory_space<vmem>>) offsets(%dma_start3A_261 : memref<32xi32, #tpu.memory_space<vmem>>) semaphore(%arg19 : memref<!tpu.dma_semaphore, #tpu.memory_space<semaphore_mem>>)
    %scan3A_265 = arith.constant 0 : i32
    %scan3A_266 = arith.constant 0 : i32
    %scan3A_267 = arith.constant 16 : i32
    %scan3A_268 = arith.addi %scan3A_266, %scan3A_267 : i32
    %scan3A_269 = arith.constant 1 : i32
    scf.for %scan3A_311 = %scan3A_266 to %scan3A_268 step %scan3A_269  : i32 {
      %mul3A_312 = arith.constant 5 : i32
      %mul3A_313 = arith.muli %mul3A_312, %scan3A_311 : i32
      %add3A_314 = arith.constant 0 : i32
      %add3A_315 = arith.addi %mul3A_313, %add3A_314 : i32
      %dma_wait3A_316 = arith.constant 0 : i32
      %dma_wait3A_317 = tpu.memref_slice %arg7[%add3A_315, %dma_wait3A_316] : memref<80x32xi32, #tpu.memory_space<vmem>> -> memref<1x32xi32, #tpu.memory_space<vmem>>
      %dma_wait3A_318 = tpu.memref_squeeze %dma_wait3A_317 : memref<1x32xi32, #tpu.memory_space<vmem>> -> memref<32xi32, #tpu.memory_space<vmem>>
      %dma_wait3A_319 = arith.constant 0 : i32
      %dma_wait3A_320 = arith.constant 0 : i32
      %dma_wait3A_321 = tpu.memref_slice %arg2[%dma_wait3A_319, %dma_wait3A_320] : memref<160000x128xf32, #tpu.memory_space<hbm>> -> memref<160000x128xf32, #tpu.memory_space<hbm>>
      tpu.wait_indirect_dma semaphore(%arg15 : memref<!tpu.dma_semaphore, #tpu.memory_space<semaphore_mem>>) src(%dma_wait3A_321 : memref<160000x128xf32, #tpu.memory_space<hbm>>) dst(%arg9 : memref<32x128xf32, #tpu.memory_space<vmem>>)
      "tpu.region"() ({
        %run_scoped3A = tpu.sem_alloc : memref<!tpu.dma_semaphore, #tpu.memory_space<semaphore_mem>>
        %dma_start3A_411 = arith.constant 0 : i32
        %dma_start3A_412 = tpu.memref_slice %arg8[%add3A_315, %dma_start3A_411] : memref<80x32xi32, #tpu.memory_space<vmem>> -> memref<1x32xi32, #tpu.memory_space<vmem>>
        %dma_start3A_413 = tpu.memref_squeeze %dma_start3A_412 : memref<1x32xi32, #tpu.memory_space<vmem>> -> memref<32xi32, #tpu.memory_space<vmem>>
        %dma_start3A_414 = arith.constant 0 : i32
        %dma_start3A_415 = arith.constant 0 : i32
        %dma_start3A_416 = tpu.memref_slice %arg14[%dma_start3A_414, %dma_start3A_415] : memref<10240x128xf32, #tpu.memory_space<vmem_shared>> -> memref<10240x128xf32, #tpu.memory_space<vmem_shared>>
        tpu.enqueue_indirect_dma source(%arg9 : memref<32x128xf32, #tpu.memory_space<vmem>>) target(%dma_start3A_416 : memref<10240x128xf32, #tpu.memory_space<vmem_shared>>) offsets(%dma_start3A_413 : memref<32xi32, #tpu.memory_space<vmem>>) semaphore(%run_scoped3A : memref<!tpu.dma_semaphore, #tpu.memory_space<semaphore_mem>>) {add = true}
        %dma_wait3A_417 = arith.constant 0 : i32
        %dma_wait3A_418 = tpu.memref_slice %arg8[%add3A_315, %dma_wait3A_417] : memref<80x32xi32, #tpu.memory_space<vmem>> -> memref<1x32xi32, #tpu.memory_space<vmem>>
        %dma_wait3A_419 = tpu.memref_squeeze %dma_wait3A_418 : memref<1x32xi32, #tpu.memory_space<vmem>> -> memref<32xi32, #tpu.memory_space<vmem>>
        %dma_wait3A_420 = arith.constant 0 : i32
        %dma_wait3A_421 = arith.constant 0 : i32
        %dma_wait3A_422 = tpu.memref_slice %arg14[%dma_wait3A_420, %dma_wait3A_421] : memref<10240x128xf32, #tpu.memory_space<vmem_shared>> -> memref<10240x128xf32, #tpu.memory_space<vmem_shared>>
        tpu.wait_indirect_dma semaphore(%run_scoped3A : memref<!tpu.dma_semaphore, #tpu.memory_space<semaphore_mem>>) src(%arg9 : memref<32x128xf32, #tpu.memory_space<vmem>>) dst(%dma_wait3A_422 : memref<10240x128xf32, #tpu.memory_space<vmem_shared>>)
        tpu.yield
      }) : () -> ()
      %add3A_322 = arith.constant 5 : i32
      %add3A_323 = arith.addi %add3A_315, %add3A_322 : i32
      %min3A = arith.constant 79 : i32
      %min3A_324 = arith.minsi %add3A_323, %min3A : i32
      %dma_start3A_325 = arith.constant 0 : i32
      %dma_start3A_326 = tpu.memref_slice %arg7[%min3A_324, %dma_start3A_325] : memref<80x32xi32, #tpu.memory_space<vmem>> -> memref<1x32xi32, #tpu.memory_space<vmem>>
      %dma_start3A_327 = tpu.memref_squeeze %dma_start3A_326 : memref<1x32xi32, #tpu.memory_space<vmem>> -> memref<32xi32, #tpu.memory_space<vmem>>
      %dma_start3A_328 = arith.constant 0 : i32
      %dma_start3A_329 = arith.constant 0 : i32
      %dma_start3A_330 = tpu.memref_slice %arg2[%dma_start3A_328, %dma_start3A_329] : memref<160000x128xf32, #tpu.memory_space<hbm>> -> memref<160000x128xf32, #tpu.memory_space<hbm>>
      tpu.enqueue_indirect_dma source(%dma_start3A_330 : memref<160000x128xf32, #tpu.memory_space<hbm>>) target(%arg9 : memref<32x128xf32, #tpu.memory_space<vmem>>) offsets(%dma_start3A_327 : memref<32xi32, #tpu.memory_space<vmem>>) semaphore(%arg15 : memref<!tpu.dma_semaphore, #tpu.memory_space<semaphore_mem>>)
      %mul3A_331 = arith.constant 5 : i32
      %mul3A_332 = arith.muli %mul3A_331, %scan3A_311 : i32
      %add3A_333 = arith.constant 1 : i32
      %add3A_334 = arith.addi %mul3A_332, %add3A_333 : i32
      %dma_wait3A_335 = arith.constant 0 : i32
      %dma_wait3A_336 = tpu.memref_slice %arg7[%add3A_334, %dma_wait3A_335] : memref<80x32xi32, #tpu.memory_space<vmem>> -> memref<1x32xi32, #tpu.memory_space<vmem>>
      %dma_wait3A_337 = tpu.memref_squeeze %dma_wait3A_336 : memref<1x32xi32, #tpu.memory_space<vmem>> -> memref<32xi32, #tpu.memory_space<vmem>>
      %dma_wait3A_338 = arith.constant 0 : i32
      %dma_wait3A_339 = arith.constant 0 : i32
      %dma_wait3A_340 = tpu.memref_slice %arg2[%dma_wait3A_338, %dma_wait3A_339] : memref<160000x128xf32, #tpu.memory_space<hbm>> -> memref<160000x128xf32, #tpu.memory_space<hbm>>
      tpu.wait_indirect_dma semaphore(%arg16 : memref<!tpu.dma_semaphore, #tpu.memory_space<semaphore_mem>>) src(%dma_wait3A_340 : memref<160000x128xf32, #tpu.memory_space<hbm>>) dst(%arg10 : memref<32x128xf32, #tpu.memory_space<vmem>>)
      "tpu.region"() ({
        %run_scoped3A = tpu.sem_alloc : memref<!tpu.dma_semaphore, #tpu.memory_space<semaphore_mem>>
        %dma_start3A_411 = arith.constant 0 : i32
        %dma_start3A_412 = tpu.memref_slice %arg8[%add3A_334, %dma_start3A_411] : memref<80x32xi32, #tpu.memory_space<vmem>> -> memref<1x32xi32, #tpu.memory_space<vmem>>
        %dma_start3A_413 = tpu.memref_squeeze %dma_start3A_412 : memref<1x32xi32, #tpu.memory_space<vmem>> -> memref<32xi32, #tpu.memory_space<vmem>>
        %dma_start3A_414 = arith.constant 0 : i32
        %dma_start3A_415 = arith.constant 0 : i32
        %dma_start3A_416 = tpu.memref_slice %arg14[%dma_start3A_414, %dma_start3A_415] : memref<10240x128xf32, #tpu.memory_space<vmem_shared>> -> memref<10240x128xf32, #tpu.memory_space<vmem_shared>>
        tpu.enqueue_indirect_dma source(%arg10 : memref<32x128xf32, #tpu.memory_space<vmem>>) target(%dma_start3A_416 : memref<10240x128xf32, #tpu.memory_space<vmem_shared>>) offsets(%dma_start3A_413 : memref<32xi32, #tpu.memory_space<vmem>>) semaphore(%run_scoped3A : memref<!tpu.dma_semaphore, #tpu.memory_space<semaphore_mem>>) {add = true}
        %dma_wait3A_417 = arith.constant 0 : i32
        %dma_wait3A_418 = tpu.memref_slice %arg8[%add3A_334, %dma_wait3A_417] : memref<80x32xi32, #tpu.memory_space<vmem>> -> memref<1x32xi32, #tpu.memory_space<vmem>>
        %dma_wait3A_419 = tpu.memref_squeeze %dma_wait3A_418 : memref<1x32xi32, #tpu.memory_space<vmem>> -> memref<32xi32, #tpu.memory_space<vmem>>
        %dma_wait3A_420 = arith.constant 0 : i32
        %dma_wait3A_421 = arith.constant 0 : i32
        %dma_wait3A_422 = tpu.memref_slice %arg14[%dma_wait3A_420, %dma_wait3A_421] : memref<10240x128xf32, #tpu.memory_space<vmem_shared>> -> memref<10240x128xf32, #tpu.memory_space<vmem_shared>>
        tpu.wait_indirect_dma semaphore(%run_scoped3A : memref<!tpu.dma_semaphore, #tpu.memory_space<semaphore_mem>>) src(%arg10 : memref<32x128xf32, #tpu.memory_space<vmem>>) dst(%dma_wait3A_422 : memref<10240x128xf32, #tpu.memory_space<vmem_shared>>)
        tpu.yield
      }) : () -> ()
      %add3A_341 = arith.constant 5 : i32
      %add3A_342 = arith.addi %add3A_334, %add3A_341 : i32
      %min3A_343 = arith.constant 79 : i32
      %min3A_344 = arith.minsi %add3A_342, %min3A_343 : i32
      %dma_start3A_345 = arith.constant 0 : i32
      %dma_start3A_346 = tpu.memref_slice %arg7[%min3A_344, %dma_start3A_345] : memref<80x32xi32, #tpu.memory_space<vmem>> -> memref<1x32xi32, #tpu.memory_space<vmem>>
      %dma_start3A_347 = tpu.memref_squeeze %dma_start3A_346 : memref<1x32xi32, #tpu.memory_space<vmem>> -> memref<32xi32, #tpu.memory_space<vmem>>
      %dma_start3A_348 = arith.constant 0 : i32
      %dma_start3A_349 = arith.constant 0 : i32
      %dma_start3A_350 = tpu.memref_slice %arg2[%dma_start3A_348, %dma_start3A_349] : memref<160000x128xf32, #tpu.memory_space<hbm>> -> memref<160000x128xf32, #tpu.memory_space<hbm>>
      tpu.enqueue_indirect_dma source(%dma_start3A_350 : memref<160000x128xf32, #tpu.memory_space<hbm>>) target(%arg10 : memref<32x128xf32, #tpu.memory_space<vmem>>) offsets(%dma_start3A_347 : memref<32xi32, #tpu.memory_space<vmem>>) semaphore(%arg16 : memref<!tpu.dma_semaphore, #tpu.memory_space<semaphore_mem>>)
      %mul3A_351 = arith.constant 5 : i32
      %mul3A_352 = arith.muli %mul3A_351, %scan3A_311 : i32
      %add3A_353 = arith.constant 2 : i32
      %add3A_354 = arith.addi %mul3A_352, %add3A_353 : i32
      %dma_wait3A_355 = arith.constant 0 : i32
      %dma_wait3A_356 = tpu.memref_slice %arg7[%add3A_354, %dma_wait3A_355] : memref<80x32xi32, #tpu.memory_space<vmem>> -> memref<1x32xi32, #tpu.memory_space<vmem>>
      %dma_wait3A_357 = tpu.memref_squeeze %dma_wait3A_356 : memref<1x32xi32, #tpu.memory_space<vmem>> -> memref<32xi32, #tpu.memory_space<vmem>>
      %dma_wait3A_358 = arith.constant 0 : i32
      %dma_wait3A_359 = arith.constant 0 : i32
      %dma_wait3A_360 = tpu.memref_slice %arg2[%dma_wait3A_358, %dma_wait3A_359] : memref<160000x128xf32, #tpu.memory_space<hbm>> -> memref<160000x128xf32, #tpu.memory_space<hbm>>
      tpu.wait_indirect_dma semaphore(%arg17 : memref<!tpu.dma_semaphore, #tpu.memory_space<semaphore_mem>>) src(%dma_wait3A_360 : memref<160000x128xf32, #tpu.memory_space<hbm>>) dst(%arg11 : memref<32x128xf32, #tpu.memory_space<vmem>>)
      "tpu.region"() ({
        %run_scoped3A = tpu.sem_alloc : memref<!tpu.dma_semaphore, #tpu.memory_space<semaphore_mem>>
        %dma_start3A_411 = arith.constant 0 : i32
        %dma_start3A_412 = tpu.memref_slice %arg8[%add3A_354, %dma_start3A_411] : memref<80x32xi32, #tpu.memory_space<vmem>> -> memref<1x32xi32, #tpu.memory_space<vmem>>
        %dma_start3A_413 = tpu.memref_squeeze %dma_start3A_412 : memref<1x32xi32, #tpu.memory_space<vmem>> -> memref<32xi32, #tpu.memory_space<vmem>>
        %dma_start3A_414 = arith.constant 0 : i32
        %dma_start3A_415 = arith.constant 0 : i32
        %dma_start3A_416 = tpu.memref_slice %arg14[%dma_start3A_414, %dma_start3A_415] : memref<10240x128xf32, #tpu.memory_space<vmem_shared>> -> memref<10240x128xf32, #tpu.memory_space<vmem_shared>>
        tpu.enqueue_indirect_dma source(%arg11 : memref<32x128xf32, #tpu.memory_space<vmem>>) target(%dma_start3A_416 : memref<10240x128xf32, #tpu.memory_space<vmem_shared>>) offsets(%dma_start3A_413 : memref<32xi32, #tpu.memory_space<vmem>>) semaphore(%run_scoped3A : memref<!tpu.dma_semaphore, #tpu.memory_space<semaphore_mem>>) {add = true}
        %dma_wait3A_417 = arith.constant 0 : i32
        %dma_wait3A_418 = tpu.memref_slice %arg8[%add3A_354, %dma_wait3A_417] : memref<80x32xi32, #tpu.memory_space<vmem>> -> memref<1x32xi32, #tpu.memory_space<vmem>>
        %dma_wait3A_419 = tpu.memref_squeeze %dma_wait3A_418 : memref<1x32xi32, #tpu.memory_space<vmem>> -> memref<32xi32, #tpu.memory_space<vmem>>
        %dma_wait3A_420 = arith.constant 0 : i32
        %dma_wait3A_421 = arith.constant 0 : i32
        %dma_wait3A_422 = tpu.memref_slice %arg14[%dma_wait3A_420, %dma_wait3A_421] : memref<10240x128xf32, #tpu.memory_space<vmem_shared>> -> memref<10240x128xf32, #tpu.memory_space<vmem_shared>>
        tpu.wait_indirect_dma semaphore(%run_scoped3A : memref<!tpu.dma_semaphore, #tpu.memory_space<semaphore_mem>>) src(%arg11 : memref<32x128xf32, #tpu.memory_space<vmem>>) dst(%dma_wait3A_422 : memref<10240x128xf32, #tpu.memory_space<vmem_shared>>)
        tpu.yield
      }) : () -> ()
      %add3A_361 = arith.constant 5 : i32
      %add3A_362 = arith.addi %add3A_354, %add3A_361 : i32
      %min3A_363 = arith.constant 79 : i32
      %min3A_364 = arith.minsi %add3A_362, %min3A_363 : i32
      %dma_start3A_365 = arith.constant 0 : i32
      %dma_start3A_366 = tpu.memref_slice %arg7[%min3A_364, %dma_start3A_365] : memref<80x32xi32, #tpu.memory_space<vmem>> -> memref<1x32xi32, #tpu.memory_space<vmem>>
      %dma_start3A_367 = tpu.memref_squeeze %dma_start3A_366 : memref<1x32xi32, #tpu.memory_space<vmem>> -> memref<32xi32, #tpu.memory_space<vmem>>
      %dma_start3A_368 = arith.constant 0 : i32
      %dma_start3A_369 = arith.constant 0 : i32
      %dma_start3A_370 = tpu.memref_slice %arg2[%dma_start3A_368, %dma_start3A_369] : memref<160000x128xf32, #tpu.memory_space<hbm>> -> memref<160000x128xf32, #tpu.memory_space<hbm>>
      tpu.enqueue_indirect_dma source(%dma_start3A_370 : memref<160000x128xf32, #tpu.memory_space<hbm>>) target(%arg11 : memref<32x128xf32, #tpu.memory_space<vmem>>) offsets(%dma_start3A_367 : memref<32xi32, #tpu.memory_space<vmem>>) semaphore(%arg17 : memref<!tpu.dma_semaphore, #tpu.memory_space<semaphore_mem>>)
      %mul3A_371 = arith.constant 5 : i32
      %mul3A_372 = arith.muli %mul3A_371, %scan3A_311 : i32
      %add3A_373 = arith.constant 3 : i32
      %add3A_374 = arith.addi %mul3A_372, %add3A_373 : i32
      %dma_wait3A_375 = arith.constant 0 : i32
      %dma_wait3A_376 = tpu.memref_slice %arg7[%add3A_374, %dma_wait3A_375] : memref<80x32xi32, #tpu.memory_space<vmem>> -> memref<1x32xi32, #tpu.memory_space<vmem>>
      %dma_wait3A_377 = tpu.memref_squeeze %dma_wait3A_376 : memref<1x32xi32, #tpu.memory_space<vmem>> -> memref<32xi32, #tpu.memory_space<vmem>>
      %dma_wait3A_378 = arith.constant 0 : i32
      %dma_wait3A_379 = arith.constant 0 : i32
      %dma_wait3A_380 = tpu.memref_slice %arg2[%dma_wait3A_378, %dma_wait3A_379] : memref<160000x128xf32, #tpu.memory_space<hbm>> -> memref<160000x128xf32, #tpu.memory_space<hbm>>
      tpu.wait_indirect_dma semaphore(%arg18 : memref<!tpu.dma_semaphore, #tpu.memory_space<semaphore_mem>>) src(%dma_wait3A_380 : memref<160000x128xf32, #tpu.memory_space<hbm>>) dst(%arg12 : memref<32x128xf32, #tpu.memory_space<vmem>>)
      "tpu.region"() ({
        %run_scoped3A = tpu.sem_alloc : memref<!tpu.dma_semaphore, #tpu.memory_space<semaphore_mem>>
        %dma_start3A_411 = arith.constant 0 : i32
        %dma_start3A_412 = tpu.memref_slice %arg8[%add3A_374, %dma_start3A_411] : memref<80x32xi32, #tpu.memory_space<vmem>> -> memref<1x32xi32, #tpu.memory_space<vmem>>
        %dma_start3A_413 = tpu.memref_squeeze %dma_start3A_412 : memref<1x32xi32, #tpu.memory_space<vmem>> -> memref<32xi32, #tpu.memory_space<vmem>>
        %dma_start3A_414 = arith.constant 0 : i32
        %dma_start3A_415 = arith.constant 0 : i32
        %dma_start3A_416 = tpu.memref_slice %arg14[%dma_start3A_414, %dma_start3A_415] : memref<10240x128xf32, #tpu.memory_space<vmem_shared>> -> memref<10240x128xf32, #tpu.memory_space<vmem_shared>>
        tpu.enqueue_indirect_dma source(%arg12 : memref<32x128xf32, #tpu.memory_space<vmem>>) target(%dma_start3A_416 : memref<10240x128xf32, #tpu.memory_space<vmem_shared>>) offsets(%dma_start3A_413 : memref<32xi32, #tpu.memory_space<vmem>>) semaphore(%run_scoped3A : memref<!tpu.dma_semaphore, #tpu.memory_space<semaphore_mem>>) {add = true}
        %dma_wait3A_417 = arith.constant 0 : i32
        %dma_wait3A_418 = tpu.memref_slice %arg8[%add3A_374, %dma_wait3A_417] : memref<80x32xi32, #tpu.memory_space<vmem>> -> memref<1x32xi32, #tpu.memory_space<vmem>>
        %dma_wait3A_419 = tpu.memref_squeeze %dma_wait3A_418 : memref<1x32xi32, #tpu.memory_space<vmem>> -> memref<32xi32, #tpu.memory_space<vmem>>
        %dma_wait3A_420 = arith.constant 0 : i32
        %dma_wait3A_421 = arith.constant 0 : i32
        %dma_wait3A_422 = tpu.memref_slice %arg14[%dma_wait3A_420, %dma_wait3A_421] : memref<10240x128xf32, #tpu.memory_space<vmem_shared>> -> memref<10240x128xf32, #tpu.memory_space<vmem_shared>>
        tpu.wait_indirect_dma semaphore(%run_scoped3A : memref<!tpu.dma_semaphore, #tpu.memory_space<semaphore_mem>>) src(%arg12 : memref<32x128xf32, #tpu.memory_space<vmem>>) dst(%dma_wait3A_422 : memref<10240x128xf32, #tpu.memory_space<vmem_shared>>)
        tpu.yield
      }) : () -> ()
      %add3A_381 = arith.constant 5 : i32
      %add3A_382 = arith.addi %add3A_374, %add3A_381 : i32
      %min3A_383 = arith.constant 79 : i32
      %min3A_384 = arith.minsi %add3A_382, %min3A_383 : i32
      %dma_start3A_385 = arith.constant 0 : i32
      %dma_start3A_386 = tpu.memref_slice %arg7[%min3A_384, %dma_start3A_385] : memref<80x32xi32, #tpu.memory_space<vmem>> -> memref<1x32xi32, #tpu.memory_space<vmem>>
      %dma_start3A_387 = tpu.memref_squeeze %dma_start3A_386 : memref<1x32xi32, #tpu.memory_space<vmem>> -> memref<32xi32, #tpu.memory_space<vmem>>
      %dma_start3A_388 = arith.constant 0 : i32
      %dma_start3A_389 = arith.constant 0 : i32
      %dma_start3A_390 = tpu.memref_slice %arg2[%dma_start3A_388, %dma_start3A_389] : memref<160000x128xf32, #tpu.memory_space<hbm>> -> memref<160000x128xf32, #tpu.memory_space<hbm>>
      tpu.enqueue_indirect_dma source(%dma_start3A_390 : memref<160000x128xf32, #tpu.memory_space<hbm>>) target(%arg12 : memref<32x128xf32, #tpu.memory_space<vmem>>) offsets(%dma_start3A_387 : memref<32xi32, #tpu.memory_space<vmem>>) semaphore(%arg18 : memref<!tpu.dma_semaphore, #tpu.memory_space<semaphore_mem>>)
      %mul3A_391 = arith.constant 5 : i32
      %mul3A_392 = arith.muli %mul3A_391, %scan3A_311 : i32
      %add3A_393 = arith.constant 4 : i32
      %add3A_394 = arith.addi %mul3A_392, %add3A_393 : i32
      %dma_wait3A_395 = arith.constant 0 : i32
      %dma_wait3A_396 = tpu.memref_slice %arg7[%add3A_394, %dma_wait3A_395] : memref<80x32xi32, #tpu.memory_space<vmem>> -> memref<1x32xi32, #tpu.memory_space<vmem>>
      %dma_wait3A_397 = tpu.memref_squeeze %dma_wait3A_396 : memref<1x32xi32, #tpu.memory_space<vmem>> -> memref<32xi32, #tpu.memory_space<vmem>>
      %dma_wait3A_398 = arith.constant 0 : i32
      %dma_wait3A_399 = arith.constant 0 : i32
      %dma_wait3A_400 = tpu.memref_slice %arg2[%dma_wait3A_398, %dma_wait3A_399] : memref<160000x128xf32, #tpu.memory_space<hbm>> -> memref<160000x128xf32, #tpu.memory_space<hbm>>
      tpu.wait_indirect_dma semaphore(%arg19 : memref<!tpu.dma_semaphore, #tpu.memory_space<semaphore_mem>>) src(%dma_wait3A_400 : memref<160000x128xf32, #tpu.memory_space<hbm>>) dst(%arg13 : memref<32x128xf32, #tpu.memory_space<vmem>>)
      "tpu.region"() ({
        %run_scoped3A = tpu.sem_alloc : memref<!tpu.dma_semaphore, #tpu.memory_space<semaphore_mem>>
        %dma_start3A_411 = arith.constant 0 : i32
        %dma_start3A_412 = tpu.memref_slice %arg8[%add3A_394, %dma_start3A_411] : memref<80x32xi32, #tpu.memory_space<vmem>> -> memref<1x32xi32, #tpu.memory_space<vmem>>
        %dma_start3A_413 = tpu.memref_squeeze %dma_start3A_412 : memref<1x32xi32, #tpu.memory_space<vmem>> -> memref<32xi32, #tpu.memory_space<vmem>>
        %dma_start3A_414 = arith.constant 0 : i32
        %dma_start3A_415 = arith.constant 0 : i32
        %dma_start3A_416 = tpu.memref_slice %arg14[%dma_start3A_414, %dma_start3A_415] : memref<10240x128xf32, #tpu.memory_space<vmem_shared>> -> memref<10240x128xf32, #tpu.memory_space<vmem_shared>>
        tpu.enqueue_indirect_dma source(%arg13 : memref<32x128xf32, #tpu.memory_space<vmem>>) target(%dma_start3A_416 : memref<10240x128xf32, #tpu.memory_space<vmem_shared>>) offsets(%dma_start3A_413 : memref<32xi32, #tpu.memory_space<vmem>>) semaphore(%run_scoped3A : memref<!tpu.dma_semaphore, #tpu.memory_space<semaphore_mem>>) {add = true}
        %dma_wait3A_417 = arith.constant 0 : i32
        %dma_wait3A_418 = tpu.memref_slice %arg8[%add3A_394, %dma_wait3A_417] : memref<80x32xi32, #tpu.memory_space<vmem>> -> memref<1x32xi32, #tpu.memory_space<vmem>>
        %dma_wait3A_419 = tpu.memref_squeeze %dma_wait3A_418 : memref<1x32xi32, #tpu.memory_space<vmem>> -> memref<32xi32, #tpu.memory_space<vmem>>
        %dma_wait3A_420 = arith.constant 0 : i32
        %dma_wait3A_421 = arith.constant 0 : i32
        %dma_wait3A_422 = tpu.memref_slice %arg14[%dma_wait3A_420, %dma_wait3A_421] : memref<10240x128xf32, #tpu.memory_space<vmem_shared>> -> memref<10240x128xf32, #tpu.memory_space<vmem_shared>>
        tpu.wait_indirect_dma semaphore(%run_scoped3A : memref<!tpu.dma_semaphore, #tpu.memory_space<semaphore_mem>>) src(%arg13 : memref<32x128xf32, #tpu.memory_space<vmem>>) dst(%dma_wait3A_422 : memref<10240x128xf32, #tpu.memory_space<vmem_shared>>)
        tpu.yield
      }) : () -> ()
      %add3A_401 = arith.constant 5 : i32
      %add3A_402 = arith.addi %add3A_394, %add3A_401 : i32
      %min3A_403 = arith.constant 79 : i32
      %min3A_404 = arith.minsi %add3A_402, %min3A_403 : i32
      %dma_start3A_405 = arith.constant 0 : i32
      %dma_start3A_406 = tpu.memref_slice %arg7[%min3A_404, %dma_start3A_405] : memref<80x32xi32, #tpu.memory_space<vmem>> -> memref<1x32xi32, #tpu.memory_space<vmem>>
      %dma_start3A_407 = tpu.memref_squeeze %dma_start3A_406 : memref<1x32xi32, #tpu.memory_space<vmem>> -> memref<32xi32, #tpu.memory_space<vmem>>
      %dma_start3A_408 = arith.constant 0 : i32
      %dma_start3A_409 = arith.constant 0 : i32
      %dma_start3A_410 = tpu.memref_slice %arg2[%dma_start3A_408, %dma_start3A_409] : memref<160000x128xf32, #tpu.memory_space<hbm>> -> memref<160000x128xf32, #tpu.memory_space<hbm>>
      tpu.enqueue_indirect_dma source(%dma_start3A_410 : memref<160000x128xf32, #tpu.memory_space<hbm>>) target(%arg13 : memref<32x128xf32, #tpu.memory_space<vmem>>) offsets(%dma_start3A_407 : memref<32xi32, #tpu.memory_space<vmem>>) semaphore(%arg19 : memref<!tpu.dma_semaphore, #tpu.memory_space<semaphore_mem>>)
    }
    %scan3A_270 = arith.constant 16 : i32
    %dma_wait3A_271 = arith.constant 79 : i32
    %dma_wait3A_272 = arith.constant 0 : i32
    %dma_wait3A_273 = tpu.memref_slice %arg7[%dma_wait3A_271, %dma_wait3A_272] : memref<80x32xi32, #tpu.memory_space<vmem>> -> memref<1x32xi32, #tpu.memory_space<vmem>>
    %dma_wait3A_274 = tpu.memref_squeeze %dma_wait3A_273 : memref<1x32xi32, #tpu.memory_space<vmem>> -> memref<32xi32, #tpu.memory_space<vmem>>
    %dma_wait3A_275 = arith.constant 0 : i32
    %dma_wait3A_276 = arith.constant 0 : i32
    %dma_wait3A_277 = tpu.memref_slice %arg2[%dma_wait3A_275, %dma_wait3A_276] : memref<160000x128xf32, #tpu.memory_space<hbm>> -> memref<160000x128xf32, #tpu.memory_space<hbm>>
    tpu.wait_indirect_dma semaphore(%arg15 : memref<!tpu.dma_semaphore, #tpu.memory_space<semaphore_mem>>) src(%dma_wait3A_277 : memref<160000x128xf32, #tpu.memory_space<hbm>>) dst(%arg9 : memref<32x128xf32, #tpu.memory_space<vmem>>)
    %dma_wait3A_278 = arith.constant 79 : i32
    %dma_wait3A_279 = arith.constant 0 : i32
    %dma_wait3A_280 = tpu.memref_slice %arg7[%dma_wait3A_278, %dma_wait3A_279] : memref<80x32xi32, #tpu.memory_space<vmem>> -> memref<1x32xi32, #tpu.memory_space<vmem>>
    %dma_wait3A_281 = tpu.memref_squeeze %dma_wait3A_280 : memref<1x32xi32, #tpu.memory_space<vmem>> -> memref<32xi32, #tpu.memory_space<vmem>>
    %dma_wait3A_282 = arith.constant 0 : i32
    %dma_wait3A_283 = arith.constant 0 : i32
    %dma_wait3A_284 = tpu.memref_slice %arg2[%dma_wait3A_282, %dma_wait3A_283] : memref<160000x128xf32, #tpu.memory_space<hbm>> -> memref<160000x128xf32, #tpu.memory_space<hbm>>
    tpu.wait_indirect_dma semaphore(%arg16 : memref<!tpu.dma_semaphore, #tpu.memory_space<semaphore_mem>>) src(%dma_wait3A_284 : memref<160000x128xf32, #tpu.memory_space<hbm>>) dst(%arg10 : memref<32x128xf32, #tpu.memory_space<vmem>>)
    %dma_wait3A_285 = arith.constant 79 : i32
    %dma_wait3A_286 = arith.constant 0 : i32
    %dma_wait3A_287 = tpu.memref_slice %arg7[%dma_wait3A_285, %dma_wait3A_286] : memref<80x32xi32, #tpu.memory_space<vmem>> -> memref<1x32xi32, #tpu.memory_space<vmem>>
    %dma_wait3A_288 = tpu.memref_squeeze %dma_wait3A_287 : memref<1x32xi32, #tpu.memory_space<vmem>> -> memref<32xi32, #tpu.memory_space<vmem>>
    %dma_wait3A_289 = arith.constant 0 : i32
    %dma_wait3A_290 = arith.constant 0 : i32
    %dma_wait3A_291 = tpu.memref_slice %arg2[%dma_wait3A_289, %dma_wait3A_290] : memref<160000x128xf32, #tpu.memory_space<hbm>> -> memref<160000x128xf32, #tpu.memory_space<hbm>>
    tpu.wait_indirect_dma semaphore(%arg17 : memref<!tpu.dma_semaphore, #tpu.memory_space<semaphore_mem>>) src(%dma_wait3A_291 : memref<160000x128xf32, #tpu.memory_space<hbm>>) dst(%arg11 : memref<32x128xf32, #tpu.memory_space<vmem>>)
    %dma_wait3A_292 = arith.constant 79 : i32
    %dma_wait3A_293 = arith.constant 0 : i32
    %dma_wait3A_294 = tpu.memref_slice %arg7[%dma_wait3A_292, %dma_wait3A_293] : memref<80x32xi32, #tpu.memory_space<vmem>> -> memref<1x32xi32, #tpu.memory_space<vmem>>
    %dma_wait3A_295 = tpu.memref_squeeze %dma_wait3A_294 : memref<1x32xi32, #tpu.memory_space<vmem>> -> memref<32xi32, #tpu.memory_space<vmem>>
    %dma_wait3A_296 = arith.constant 0 : i32
    %dma_wait3A_297 = arith.constant 0 : i32
    %dma_wait3A_298 = tpu.memref_slice %arg2[%dma_wait3A_296, %dma_wait3A_297] : memref<160000x128xf32, #tpu.memory_space<hbm>> -> memref<160000x128xf32, #tpu.memory_space<hbm>>
    tpu.wait_indirect_dma semaphore(%arg18 : memref<!tpu.dma_semaphore, #tpu.memory_space<semaphore_mem>>) src(%dma_wait3A_298 : memref<160000x128xf32, #tpu.memory_space<hbm>>) dst(%arg12 : memref<32x128xf32, #tpu.memory_space<vmem>>)
    %dma_wait3A_299 = arith.constant 79 : i32
    %dma_wait3A_300 = arith.constant 0 : i32
    %dma_wait3A_301 = tpu.memref_slice %arg7[%dma_wait3A_299, %dma_wait3A_300] : memref<80x32xi32, #tpu.memory_space<vmem>> -> memref<1x32xi32, #tpu.memory_space<vmem>>
    %dma_wait3A_302 = tpu.memref_squeeze %dma_wait3A_301 : memref<1x32xi32, #tpu.memory_space<vmem>> -> memref<32xi32, #tpu.memory_space<vmem>>
    %dma_wait3A_303 = arith.constant 0 : i32
    %dma_wait3A_304 = arith.constant 0 : i32
    %dma_wait3A_305 = tpu.memref_slice %arg2[%dma_wait3A_303, %dma_wait3A_304] : memref<160000x128xf32, #tpu.memory_space<hbm>> -> memref<160000x128xf32, #tpu.memory_space<hbm>>
    tpu.wait_indirect_dma semaphore(%arg19 : memref<!tpu.dma_semaphore, #tpu.memory_space<semaphore_mem>>) src(%dma_wait3A_305 : memref<160000x128xf32, #tpu.memory_space<hbm>>) dst(%arg13 : memref<32x128xf32, #tpu.memory_space<vmem>>)
    %barrier3A_306 = arith.constant 0 : index
    tpu.barrier barrier_id(%barrier3A_306)
    %mul3A_307 = arith.constant 640 : i32
    %mul3A_308 = arith.muli %arg1, %mul3A_307 : i32
    %mul3A_309 = arith.constant 640 : i32
    %mul3A_310 = arith.muli %arg1, %mul3A_309 : i32
    "tpu.region"() ({
      %run_scoped3A = tpu.sem_alloc : memref<!tpu.dma_semaphore, #tpu.memory_space<semaphore_mem>>
      %dma_start3A_311 = arith.constant 0 : i32
      %dma_start3A_312 = tpu.memref_slice %arg6[%arg0, %mul3A_310, %dma_start3A_311] : memref<2x10240x128xf32, #tpu.memory_space<hbm>> -> memref<1x640x128xf32, #tpu.memory_space<hbm>>
      %dma_start3A_313 = tpu.memref_squeeze %dma_start3A_312 : memref<1x640x128xf32, #tpu.memory_space<hbm>> -> memref<640x128xf32, #tpu.memory_space<hbm>>
      %dma_start3A_314 = arith.constant 0 : i32
      %dma_start3A_315 = tpu.memref_slice %arg14[%mul3A_308, %dma_start3A_314] : memref<10240x128xf32, #tpu.memory_space<vmem_shared>> -> memref<640x128xf32, #tpu.memory_space<vmem_shared>>
      tpu.enqueue_dma source(%dma_start3A_315 : memref<640x128xf32, #tpu.memory_space<vmem_shared>>) target(%dma_start3A_313 : memref<640x128xf32, #tpu.memory_space<hbm>>) target_semaphore(%run_scoped3A : memref<!tpu.dma_semaphore, #tpu.memory_space<semaphore_mem>>)
      %dma_wait3A_316 = arith.constant 0 : i32
      %dma_wait3A_317 = tpu.memref_slice %arg6[%arg0, %mul3A_310, %dma_wait3A_316] : memref<2x10240x128xf32, #tpu.memory_space<hbm>> -> memref<1x640x128xf32, #tpu.memory_space<hbm>>
      %dma_wait3A_318 = tpu.memref_squeeze %dma_wait3A_317 : memref<1x640x128xf32, #tpu.memory_space<hbm>> -> memref<640x128xf32, #tpu.memory_space<hbm>>
      %dma_wait3A_319 = arith.constant 0 : i32
      %dma_wait3A_320 = tpu.memref_slice %arg14[%mul3A_308, %dma_wait3A_319] : memref<10240x128xf32, #tpu.memory_space<vmem_shared>> -> memref<640x128xf32, #tpu.memory_space<vmem_shared>>
      tpu.wait_dma2 semaphore(%run_scoped3A : memref<!tpu.dma_semaphore, #tpu.memory_space<semaphore_mem>>) src(%dma_wait3A_320 : memref<640x128xf32, #tpu.memory_space<vmem_shared>>) dst(%dma_wait3A_318 : memref<640x128xf32, #tpu.memory_space<hbm>>)
      tpu.yield
    }) : () -> ()
    return
  }
}

module attributes {stable_mosaic.version = 14 : i64} {
  func.func @_idx_body(%arg0: i32, %arg1: memref<2560x128xi32, #tpu.memory_space<vmem>>, %arg2: memref<2560x128xi32, #tpu.memory_space<vmem>>, %arg3: memref<2560x128xi32, #tpu.memory_space<vmem>>) attributes {dimension_semantics = [#tpu.dimension_semantics<arbitrary>], iteration_bounds = array<i64: 1>, scalar_prefetch = 0 : i64, scratch_operands = 0 : i64, tpu.core_type = #tpu.core_type<tc>, window_params = [{pipeline_mode = #tpu.pipeline_mode<synchronous>, transform_indices = @transform_0, window_bounds = array<i64: 2560, 128>}, {pipeline_mode = #tpu.pipeline_mode<synchronous>, transform_indices = @transform_1, window_bounds = array<i64: 2560, 128>}, {pipeline_mode = #tpu.pipeline_mode<synchronous>, transform_indices = @transform_2, window_bounds = array<i64: 2560, 128>}]} {
    %get3A = arith.constant 0 : index
    %get3A_0 = arith.constant 0 : index
    %get3A_1 = vector.load %arg1[%get3A, %get3A_0] : memref<2560x128xi32, #tpu.memory_space<vmem>>, vector<2560x128xi32>
    %mul3A = arith.constant 10000 : i32
    %mul3A_2 = vector.broadcast %mul3A : i32 to vector<2560x128xi32>
    %mul3A_3 = arith.muli %get3A_1, %mul3A_2 : vector<2560x128xi32>
    %get3A_4 = arith.constant 0 : index
    %get3A_5 = arith.constant 0 : index
    %get3A_6 = vector.load %arg2[%get3A_4, %get3A_5] : memref<2560x128xi32, #tpu.memory_space<vmem>>, vector<2560x128xi32>
    %add3A = arith.addi %mul3A_3, %get3A_6 : vector<2560x128xi32>
    %swap3A = arith.constant 0 : index
    %swap3A_7 = arith.constant 0 : index
    %swap3A_8 = vector.load %arg3[%swap3A, %swap3A_7] : memref<2560x128xi32, #tpu.memory_space<vmem>>, vector<2560x128xi32>
    tpu.vector_store %arg3[%swap3A, %swap3A_7], %add3A {strides = array<i32>} : memref<2560x128xi32, #tpu.memory_space<vmem>>, vector<2560x128xi32>,
    return
  }
  func.func @transform_0(%arg0: i32) -> (i32, i32) {
    %c0_i32 = arith.constant 0 : i32
    %c0_i32_0 = arith.constant 0 : i32
    %c0_i32_1 = arith.constant 0 : i32
    return %c0_i32, %c0_i32_0 : i32, i32
  }
  func.func @transform_1(%arg0: i32) -> (i32, i32) {
    %c0_i32 = arith.constant 0 : i32
    %c0_i32_0 = arith.constant 0 : i32
    %c0_i32_1 = arith.constant 0 : i32
    return %c0_i32, %c0_i32_0 : i32, i32
  }
  func.func @transform_2(%arg0: i32) -> (i32, i32) {
    %c0_i32 = arith.constant 0 : i32
    %c0_i32_0 = arith.constant 0 : i32
    %c0_i32_1 = arith.constant 0 : i32
    return %c0_i32, %c0_i32_0 : i32, i32
  }
}

module attributes {stable_mosaic.version = 14 : i64} {
  func.func @_linz_body(%arg0: i32, %arg1: memref<2000x128xf32, #tpu.memory_space<vmem>>, %arg2: memref<128x128xf32, #tpu.memory_space<vmem>>, %arg3: memref<1x128xf32, #tpu.memory_space<vmem>>, %arg4: memref<128x128xf32, #tpu.memory_space<vmem>>, %arg5: memref<2000x128xf32, #tpu.memory_space<vmem>>, %arg6: memref<2000x128xf32, #tpu.memory_space<vmem>>) attributes {dimension_semantics = [#tpu.dimension_semantics<arbitrary>], iteration_bounds = array<i64: 5>, scalar_prefetch = 0 : i64, scratch_operands = 0 : i64, tpu.core_type = #tpu.core_type<tc>, window_params = [{transform_indices = @transform_0, window_bounds = array<i64: 2000, 128>}, {pipeline_mode = #tpu.pipeline_mode<synchronous>, transform_indices = @transform_1, window_bounds = array<i64: 128, 128>}, {pipeline_mode = #tpu.pipeline_mode<synchronous>, transform_indices = @transform_2, window_bounds = array<i64: 1, 128>}, {pipeline_mode = #tpu.pipeline_mode<synchronous>, transform_indices = @transform_3, window_bounds = array<i64: 128, 128>}, {transform_indices = @transform_4, window_bounds = array<i64: 2000, 128>}, {transform_indices = @transform_5, window_bounds = array<i64: 2000, 128>}]} {
    %get3A = arith.constant 0 : index
    %get3A_0 = arith.constant 0 : index
    %get3A_1 = vector.load %arg1[%get3A, %get3A_0] : memref<2000x128xf32, #tpu.memory_space<vmem>>, vector<2000x128xf32>
    %get3A_2 = arith.constant 0 : index
    %get3A_3 = arith.constant 0 : index
    %get3A_4 = vector.load %arg2[%get3A_2, %get3A_3] : memref<128x128xf32, #tpu.memory_space<vmem>>, vector<128x128xf32>
    %dot_general3A = arith.constant dense<0.000000e+00> : vector<2000x128xf32>
    %dot_general3A_5 = tpu.matmul %get3A_1, %get3A_4, %dot_general3A {dimension_numbers = #tpu.dot_dimension_numbers<[1], [1], [0], [0], [0, 0, 1, 0], [], []>, transpose_lhs_hint = false} : vector<2000x128xf32>, vector<128x128xf32>, vector<2000x128xf32> -> vector<2000x128xf32>
    %get3A_6 = arith.constant 0 : index
    %get3A_7 = arith.constant 0 : index
    %get3A_8 = vector.load %arg3[%get3A_6, %get3A_7] : memref<1x128xf32, #tpu.memory_space<vmem>>, vector<1x128xf32>
    %add3A = vector.broadcast %get3A_8 : vector<1x128xf32> to vector<2000x128xf32>
    %add3A_9 = arith.addf %dot_general3A_5, %add3A : vector<2000x128xf32>
    %swap3A = arith.constant 0 : index
    %swap3A_10 = arith.constant 0 : index
    %swap3A_11 = vector.load %arg5[%swap3A, %swap3A_10] : memref<2000x128xf32, #tpu.memory_space<vmem>>, vector<2000x128xf32>
    tpu.vector_store %arg5[%swap3A, %swap3A_10], %add3A_9 {strides = array<i32>} : memref<2000x128xf32, #tpu.memory_space<vmem>>, vector<2000x128xf32>,
    %tanh3A = math.tanh %add3A_9 : vector<2000x128xf32>
    %get3A_12 = arith.constant 0 : index
    %get3A_13 = arith.constant 0 : index
    %get3A_14 = vector.load %arg4[%get3A_12, %get3A_13] : memref<128x128xf32, #tpu.memory_space<vmem>>, vector<128x128xf32>
    %dot_general3A_15 = arith.constant dense<0.000000e+00> : vector<2000x128xf32>
    %dot_general3A_16 = tpu.matmul %tanh3A, %get3A_14, %dot_general3A_15 {dimension_numbers = #tpu.dot_dimension_numbers<[1], [1], [0], [0], [0, 0, 1, 0], [], []>, transpose_lhs_hint = false} : vector<2000x128xf32>, vector<128x128xf32>, vector<2000x128xf32> -> vector<2000x128xf32>
    %swap3A_17 = arith.constant 0 : index
    %swap3A_18 = arith.constant 0 : index
    %swap3A_19 = vector.load %arg6[%swap3A_17, %swap3A_18] : memref<2000x128xf32, #tpu.memory_space<vmem>>, vector<2000x128xf32>
    tpu.vector_store %arg6[%swap3A_17, %swap3A_18], %dot_general3A_16 {strides = array<i32>} : memref<2000x128xf32, #tpu.memory_space<vmem>>, vector<2000x128xf32>,
    return
  }
  func.func @transform_0(%arg0: i32) -> (i32, i32) {
    %c0_i32 = arith.constant 0 : i32
    %c0_i32_0 = arith.constant 0 : i32
    return %arg0, %c0_i32 : i32, i32
  }
  func.func @transform_1(%arg0: i32) -> (i32, i32) {
    %c0_i32 = arith.constant 0 : i32
    %c0_i32_0 = arith.constant 0 : i32
    %c0_i32_1 = arith.constant 0 : i32
    return %c0_i32, %c0_i32_0 : i32, i32
  }
  func.func @transform_2(%arg0: i32) -> (i32, i32) {
    %c0_i32 = arith.constant 0 : i32
    %c0_i32_0 = arith.constant 0 : i32
    %c0_i32_1 = arith.constant 0 : i32
    return %c0_i32, %c0_i32_0 : i32, i32
  }
  func.func @transform_3(%arg0: i32) -> (i32, i32) {
    %c0_i32 = arith.constant 0 : i32
    %c0_i32_0 = arith.constant 0 : i32
    %c0_i32_1 = arith.constant 0 : i32
    return %c0_i32, %c0_i32_0 : i32, i32
  }
  func.func @transform_4(%arg0: i32) -> (i32, i32) {
    %c0_i32 = arith.constant 0 : i32
    %c0_i32_0 = arith.constant 0 : i32
    return %arg0, %c0_i32 : i32, i32
  }
  func.func @transform_5(%arg0: i32) -> (i32, i32) {
    %c0_i32 = arith.constant 0 : i32
    %c0_i32_0 = arith.constant 0 : i32
    return %arg0, %c0_i32 : i32, i32
  }
}

module attributes {stable_mosaic.version = 14 : i64} {
  func.func @_y_body(%arg0: i32, %arg1: i32, %arg2: memref<2000x128xf32, #tpu.memory_space<vmem>>, %arg3: memref<1x128x128xf32, #tpu.memory_space<vmem>>, %arg4: memref<1x2000x128xf32, #tpu.memory_space<vmem>>) attributes {dimension_semantics = [#tpu.dimension_semantics<arbitrary>, #tpu.dimension_semantics<arbitrary>], iteration_bounds = array<i64: 5, 16>, scalar_prefetch = 0 : i64, scratch_operands = 0 : i64, tpu.core_type = #tpu.core_type<tc>, window_params = [{transform_indices = @transform_0, window_bounds = array<i64: 2000, 128>}, {transform_indices = @transform_1, window_bounds = array<i64: 1, 128, 128>}, {transform_indices = @transform_2, window_bounds = array<i64: 1, 2000, 128>}]} {
    %get3A = arith.constant 0 : index
    %get3A_0 = arith.constant 0 : index
    %get3A_1 = vector.load %arg2[%get3A, %get3A_0] : memref<2000x128xf32, #tpu.memory_space<vmem>>, vector<2000x128xf32>
    %get3A_2 = arith.constant 0 : index
    %get3A_3 = arith.constant 0 : index
    %get3A_4 = arith.constant 0 : index
    %get3A_5 = vector.load %arg3[%get3A_2, %get3A_3, %get3A_4] : memref<1x128x128xf32, #tpu.memory_space<vmem>>, vector<1x128x128xf32>
    %get3A_6 = vector.shape_cast %get3A_5 : vector<1x128x128xf32> to vector<128x128xf32>
    %dot_general3A = arith.constant dense<0.000000e+00> : vector<2000x128xf32>
    %dot_general3A_7 = tpu.matmul %get3A_1, %get3A_6, %dot_general3A {dimension_numbers = #tpu.dot_dimension_numbers<[1], [1], [0], [0], [0, 0, 1, 0], [], []>, transpose_lhs_hint = false} : vector<2000x128xf32>, vector<128x128xf32>, vector<2000x128xf32> -> vector<2000x128xf32>
    %swap3A = arith.constant 0 : index
    %swap3A_8 = arith.constant 0 : index
    %swap3A_9 = arith.constant 0 : index
    %swap3A_10 = vector.load %arg4[%swap3A, %swap3A_8, %swap3A_9] : memref<1x2000x128xf32, #tpu.memory_space<vmem>>, vector<1x2000x128xf32>
    %swap3A_11 = vector.shape_cast %swap3A_10 : vector<1x2000x128xf32> to vector<2000x128xf32>
    %swap3A_12 = vector.shape_cast %dot_general3A_7 : vector<2000x128xf32> to vector<1x2000x128xf32>
    tpu.vector_store %arg4[%swap3A, %swap3A_8, %swap3A_9], %swap3A_12 {strides = array<i32>} : memref<1x2000x128xf32, #tpu.memory_space<vmem>>, vector<1x2000x128xf32>,
    return
  }
  func.func @transform_0(%arg0: i32, %arg1: i32) -> (i32, i32) {
    %c0_i32 = arith.constant 0 : i32
    %c0_i32_0 = arith.constant 0 : i32
    return %arg0, %c0_i32 : i32, i32
  }
  func.func @transform_1(%arg0: i32, %arg1: i32) -> (i32, i32, i32) {
    %c0_i32 = arith.constant 0 : i32
    %c0_i32_0 = arith.constant 0 : i32
    %c0_i32_1 = arith.constant 0 : i32
    return %arg1, %c0_i32, %c0_i32_0 : i32, i32, i32
  }
  func.func @transform_2(%arg0: i32, %arg1: i32) -> (i32, i32, i32) {
    %c0_i32 = arith.constant 0 : i32
    %c0_i32_0 = arith.constant 0 : i32
    return %arg1, %arg0, %c0_i32 : i32, i32, i32
  }
}

module attributes {stable_mosaic.version = 14 : i64} {
  func.func @_final_body(%arg0: i32, %arg1: memref<2000x128xf32, #tpu.memory_space<vmem>>, %arg2: memref<2x2000x128xf32, #tpu.memory_space<vmem>>, %arg3: memref<2000x128xf32, #tpu.memory_space<vmem>>) attributes {dimension_semantics = [#tpu.dimension_semantics<arbitrary>], iteration_bounds = array<i64: 5>, scalar_prefetch = 0 : i64, scratch_operands = 0 : i64, tpu.core_type = #tpu.core_type<tc>, window_params = [{transform_indices = @transform_0, window_bounds = array<i64: 2000, 128>}, {transform_indices = @transform_1, window_bounds = array<i64: 2, 2000, 128>}, {transform_indices = @transform_2, window_bounds = array<i64: 2000, 128>}]} {
    %get3A = arith.constant 0 : index
    %get3A_0 = arith.constant 0 : index
    %get3A_1 = vector.load %arg1[%get3A, %get3A_0] : memref<2000x128xf32, #tpu.memory_space<vmem>>, vector<2000x128xf32>
    %get3A_2 = arith.constant 0 : index
    %get3A_3 = arith.constant 0 : index
    %get3A_4 = arith.constant 0 : index
    %get3A_5 = vector.load %arg2[%get3A_2, %get3A_3, %get3A_4] : memref<2x2000x128xf32, #tpu.memory_space<vmem>>, vector<1x2000x128xf32>
    %get3A_6 = vector.shape_cast %get3A_5 : vector<1x2000x128xf32> to vector<2000x128xf32>
    %add3A = arith.addf %get3A_1, %get3A_6 : vector<2000x128xf32>
    %get3A_7 = arith.constant 1 : index
    %get3A_8 = arith.constant 0 : index
    %get3A_9 = arith.constant 0 : index
    %get3A_10 = vector.load %arg2[%get3A_7, %get3A_8, %get3A_9] : memref<2x2000x128xf32, #tpu.memory_space<vmem>>, vector<1x2000x128xf32>
    %get3A_11 = vector.shape_cast %get3A_10 : vector<1x2000x128xf32> to vector<2000x128xf32>
    %add3A_12 = arith.addf %add3A, %get3A_11 : vector<2000x128xf32>
    %tanh3A = math.tanh %add3A_12 : vector<2000x128xf32>
    %swap3A = arith.constant 0 : index
    %swap3A_13 = arith.constant 0 : index
    %swap3A_14 = vector.load %arg3[%swap3A, %swap3A_13] : memref<2000x128xf32, #tpu.memory_space<vmem>>, vector<2000x128xf32>
    tpu.vector_store %arg3[%swap3A, %swap3A_13], %tanh3A {strides = array<i32>} : memref<2000x128xf32, #tpu.memory_space<vmem>>, vector<2000x128xf32>,
    return
  }
  func.func @transform_0(%arg0: i32) -> (i32, i32) {
    %c0_i32 = arith.constant 0 : i32
    %c0_i32_0 = arith.constant 0 : i32
    return %arg0, %c0_i32 : i32, i32
  }
  func.func @transform_1(%arg0: i32) -> (i32, i32, i32) {
    %c0_i32 = arith.constant 0 : i32
    %c0_i32_0 = arith.constant 0 : i32
    %c0_i32_1 = arith.constant 0 : i32
    return %c0_i32, %arg0, %c0_i32_0 : i32, i32, i32
  }
  func.func @transform_2(%arg0: i32) -> (i32, i32) {
    %c0_i32 = arith.constant 0 : i32
    %c0_i32_0 = arith.constant 0 : i32
    return %arg0, %c0_i32 : i32, i32
  }
}

</mosaic_0001>

<sc_bundles>
// kernel: kernel.7.cloned.1.call-start
scs
__scs_entry_jumppad:
0x0: {  	(pc) =	sbr.rel $0x88, $3  }
0x1: {  	(tag) =	ssettag $0x0;
	lr =	simm.s32 $0x1  }
0x2: {  	[smem:$0x3F9A] =	sst lr;
	_ =	strace $0xD0000000  }
0x3: {  	_ = 	snop  }
0x4: {  	_ = 	snop  }
0x5: {  	_ = 	snop  }
0x6: {  	_ = 	snop  }
0x7: {  	_ = 	snop  }
__scs_overlays_trampoline_lowered:
0x8: {  	[smem:$0x3FA9] =	sst s0  }
0x9: {  	[smem:$0x3FAA] =	sst s1  }
0xa: {  	[smem:$0x3FAB] =	sst s2  }
0xb: {  	[smem:$0x3FAC] =	sst s3  }
0xc: {  	[smem:$0x3FAD] =	sst s4  }
0xd: {  	[smem:$0x3FAE] =	sst s5  }
0xe: {  	[smem:$0x3FAF] =	sst s6  }
0xf: {  	[smem:$0x3FB0] =	sst s7  }
0x10: {  	[smem:$0x3FB1] =	sst s8  }
0x11: {  	[smem:$0x3FB2] =	sst s9;
	s0 =	simm.s32 @!p0 $0x0  }
0x12: {  	s1 =	sld [smem:$0x3F98];
	s0 =	simm.s32 @p0 $0x1  }
0x13: {  	[smem:$0x3FB3] =	sst s0;
	s0 =	simm.s32 @!p1 $0x0  }
0x14: {  	s2 =	sld [smem:$0x3F97];
	s0 =	simm.s32 @p1 $0x1  }
0x15: {  	[smem:$0x3FB4] =	sst s0;
	s0 =	simm.s32 @!p2 $0x0  }
0x16: {  	s3 =	sld [smem:$0x3FDB];
	s0 =	simm.s32 @p2 $0x1  }
0x17: {  	s4 =	simm.s32 $0x1BF5;
	[smem:$0x3FB6] =	sst s0  }
0x18: {  	s0 =	sld [smem:$0x3F99];
	_ =	swait.ge [sflag:s4], $0x0  }
0x19: {  	s7 =	sld [smem:$0x3F9A]  }
0x1a: {  	s8 =	sadd.s32 $0xFFFFE003, lr  }
0x1b: {  	s9 =	sadd.s32 $0xFFFFFEF7, lr;
	s5 =	simm.s32 $0xFFFFFFFF;
	p2 =	slt.u32 s8, $0xFFFFF086  }
0x1c: {  	p1 =	slt.u32 s9, $0xF7A;
	s5 =	simm.s32 @!p2 $0x0  }
0x1d: {  	s5 =	simm.s32 @p1 $0x1;
	p0 =	seq.s32 s7, s2  }
0x1e: {  	s7 =	smul.u32 @!p0 $0xF7A, s2;
	p2 =	seq.s32 @!p0 s5, $0x0  }
0x1f: {  	s9 =	smul.u32 $0xF7A, s1;
	s8 =	simm.s32 @!p0 $0x1BF5;
	p2 =	por !p2, p0  }
0x20: {  	[sflag:s8] =	ssyncset.s32 @!p0 $0xFFFFF086;
	s6 =	sadd.s32 @!p0 s3, s7;
	s7 =	simm.s32 @!p0 $0x108  }
0x21: {  	s3 =	sadd.s32 s3, s9;
	s6 =	sadd.s32 @!p0 $0x88, s6;
	s7 =	simm.s32 @p2 $0x1082  }
0x22: {  	[simem:s7], [sflag:s8] =	dma.local @!p0 [hbm:s6], $0xF7A  }
0x23: {  	s9 =	sor.u32 $0xD0000000, s2;
	s6 =	simm.s32 $0x108;
	_ =	swait.ge @!p0 [sflag:s8], $0x0  }
0x24: {  	s3 =	sadd.s32 $0x88, s3;
	s6 =	simm.s32 @!p1 $0x1082;
	[sflag:s4] =	ssyncset.s32 $0xFFFFF086  }
0x25: {  	[simem:s6], [sflag:s4] =	dma.local [hbm:s3], $0xF7A  }
0x26: {  	[smem:$0x3F9A] =	sst s1;
	(tag) =	ssettag s2;
	_ =	strace s9  }
0x27: {  	s1 =	sld [smem:$0x3FAA]  }
0x28: {  	s2 =	sld [smem:$0x3FAB]  }
0x29: {  	s4 =	sld [smem:$0x3FAD]  }
0x2a: {  	p0 =	seq.s32 s5, $0x0;
	s5 =	sld [smem:$0x3FAE]  }
0x2b: {  	s6 =	sld [smem:$0x3FAF]  }
0x2c: {  	s7 =	sld [smem:$0x3FB0]  }
0x2d: {  	s3 =	simm.s32 $0x108;
	s8 =	sld [smem:$0x3FB1]  }
0x2e: {  	s3 =	simm.s32 @!p0 $0x1082;
	s9 =	sld [smem:$0x3FB2]  }
0x2f: {  	lr =	sadd.s32 s0, s3;
	s0 =	sld [smem:$0x3FA9]  }
0x30: {  	s3 =	sld [smem:$0x3FAC]  }
0x31: {  	[smem:$0x3FB5] =	sst s10  }
0x32: {  	s10 =	sld [smem:$0x3FB3];
	_ =	sdelay $0x3  }
0x33: {  	p0 =	seq.s32 s10, $0x1;
	s10 =	sld [smem:$0x3FB5];
	_ =	sdelay $0x3  }
0x34: {  	[smem:$0x3FB5] =	sst s10  }
0x35: {  	s10 =	sld [smem:$0x3FB4];
	_ =	sdelay $0x3  }
0x36: {  	p1 =	seq.s32 s10, $0x1;
	s10 =	sld [smem:$0x3FB5];
	_ =	sdelay $0x3  }
0x37: {  	[smem:$0x3FB5] =	sst s10  }
0x38: {  	s10 =	sld [smem:$0x3FB6]  }
0x39: {  	_ = 	snop;
	(pc) =	sbr.ind lr, $3  }
0x3a: {  	_ = 	snop  }
0x3b: {  	_ = 	snop  }
0x3c: {  	p2 =	seq.s32 s10, $0x1;
	s10 =	sld [smem:$0x3FB5]  }
0x3d: {  	_ =	shalt  }
0x3e: {  	_ =	shalt  }
0x3f: {  	_ =	shalt  }
0x40: {  	_ =	shalt  }
0x41: {  	_ =	shalt  }
0x42: {  	_ =	shalt  }
0x43: {  	_ =	shalt  }
0x44: {  	_ =	shalt  }
0x45: {  	_ =	shalt  }
0x46: {  	_ =	shalt  }
0x47: {  	_ =	shalt  }
0x48: {  	_ =	shalt  }
0x49: {  	_ =	shalt  }
0x4a: {  	_ =	shalt  }
0x4b: {  	_ =	shalt  }
0x4c: {  	_ =	shalt  }
0x4d: {  	_ =	shalt  }
0x4e: {  	_ =	shalt  }
0x4f: {  	_ =	shalt  }
0x50: {  	_ =	shalt  }
0x51: {  	_ =	shalt  }
0x52: {  	_ =	shalt  }
0x53: {  	_ =	shalt  }
0x54: {  	_ =	shalt  }
0x55: {  	_ =	shalt  }
0x56: {  	_ =	shalt  }
0x57: {  	_ =	shalt  }
0x58: {  	_ =	shalt  }
0x59: {  	_ =	shalt  }
0x5a: {  	_ =	shalt  }
0x5b: {  	_ =	shalt  }
0x5c: {  	_ =	shalt  }
0x5d: {  	_ =	shalt  }
0x5e: {  	_ =	shalt  }
0x5f: {  	_ =	shalt  }
0x60: {  	_ =	shalt  }
0x61: {  	_ =	shalt  }
0x62: {  	_ =	shalt  }
0x63: {  	_ =	shalt  }
0x64: {  	_ =	shalt  }
0x65: {  	_ =	shalt  }
0x66: {  	_ =	shalt  }
0x67: {  	_ =	shalt  }
0x68: {  	_ =	shalt  }
0x69: {  	_ =	shalt  }
0x6a: {  	_ =	shalt  }
0x6b: {  	_ =	shalt  }
0x6c: {  	_ =	shalt  }
0x6d: {  	_ =	shalt  }
0x6e: {  	_ =	shalt  }
0x6f: {  	_ =	shalt  }
0x70: {  	_ =	shalt  }
0x71: {  	_ =	shalt  }
0x72: {  	_ =	shalt  }
0x73: {  	_ =	shalt  }
0x74: {  	_ =	shalt  }
0x75: {  	_ =	shalt  }
0x76: {  	_ =	shalt  }
0x77: {  	_ =	shalt  }
0x78: {  	_ =	shalt  }
0x79: {  	_ =	shalt  }
0x7a: {  	_ =	shalt  }
0x7b: {  	_ =	shalt  }
0x7c: {  	_ =	shalt  }
0x7d: {  	_ =	shalt  }
0x7e: {  	_ =	shalt  }
0x7f: {  	_ =	shalt  }
0x80: {  	_ =	shalt  }
0x81: {  	_ =	shalt  }
0x82: {  	_ =	shalt  }
0x83: {  	_ =	shalt  }
0x84: {  	_ =	shalt  }
0x85: {  	_ =	shalt  }
0x86: {  	_ =	shalt  }
0x87: {  	_ =	shalt  }
.Lfunc_end0:
.L_simem_size_0:
called_computation_lowered:
.L_overlay_start_0:
0x88: {  	s2 =	sld [smem:$0x3FD9]  }
0x89: {  	s3 =	sld [smem:$0x3FFE];
	_ =	sdelay $0x1  }
0x8a: {  	s1 =	srdreg.scid  }
0x8b: {  	s0 =	sand.u32 $0x1, s1  }
0x8c: {  	s16 =	sshll.u32 s0, $0xA;
	s2 =	sadd.s32 s3, s2  }
0x8d: {  	s2 =	sadd.s32 s2, s16  }
0x8e: {  	[smem:$0x3FC1] =	sst s2  }
0x8f: {  	_ = 	snop  }
0x90: {  	(tm) =	ssettm $0x1  }
0x91: {  	s17 =	sld [smem:$0x3FFB];
	_ =	sdelay $0x3  }
0x92: {  	_ =	strace s17  }
0x93: {  	s2 =	sld [smem:$0x3FFC];
	_ =	sdelay $0x3  }
0x94: {  	_ =	strace s2  }
0x95: {  	s2 =	sld [smem:$0x3FFD];
	_ =	sdelay $0x3  }
0x96: {  	_ =	strace s2  }
0x97: {  	_ =	strace $0x8FFFFFFF  }
0x98: {  	s18 =	sld [smem:$0x3FDB];
	_ =	sdelay $0x1  }
0x99: {  	s19 =	simm.s32 $_scs_section_size  }
0x9a: {  	s4 =	simm.s32 $_size__tile_overlayer_lowered;
	s5 =	simm.s32 $_tile_overlayer_lowered  }
0x9b: {  	s22 =	simm.s32 $0x1BFF;
	s21 =	sshll.u32 s5, $0x1;
	s2 =	sadd.s32 s19, s18  }
0x9c: {  	s6 =	simm.s32 $0x0;
	s20 =	sshll.u32 s4, $0x1;
	s4 =	sadd.s32 s21, s2  }
0x9d: {  	[timem:s6], [sflag:s22] =	dma.local [hbm:s4], s20  }
0x9e: {  	_ =	swait.ge [sflag:s22], s20  }
0x9f: {  	s3 =	ssub.s32 $0x0, s20;
	[sflag:s22] =	ssyncset.done $0x0  }
0xa0: {  	[sflag:s22] =	ssyncadd.s32 s3;
	_ =	sdelay $0x1  }
0xa1: {  	s23 =	simm.s32 $0x1B8B  }
0xa2: {  	_ =	swait.ge [sflag:s23], $0x1  }
0xa3: {  	[sflag:s23] =	ssyncset.done $0x0  }
0xa4: {  	s25 =	simm.s32 $0x1B8E;
	s24 =	sld [smem:$0x3FFE];
	[sflag:s23] =	ssyncadd.s32 $0xFFFFFFFF  }
0xa5: {  	s26 =	simm.s32 $execute0_lowered;
	[smem:$0x3FD2] =	sst s25  }
0xa6: {  	s4 =	sshll.u32 s26, $0x1;
	_ =	strace $0x80000046;
	[dreg:$0x1] =	wrdreg $0xFFFFFFFF  }
0xa7: {  	s28 =	simm.s32 $_size_execute0_lowered;
	s2 =	sadd.s32 s2, s4;
	[dreg:$0x0] =	wrdreg $0x0  }
0xa8: {  	s4 =	sshll.u32 s28, $0x1;
	[dreg:$0x2] =	wrdreg s2  }
0xa9: {  	[dreg:$0x3] =	wrdreg s4  }
0xaa: {  	[dreg:$0x4] =	wrdreg $0xC0  }
0xab: {  	_ =	task [dreg:s6], $0x5FFFF  }
0xac: {  	[dreg:$0x1] =	wrdreg $0xFFFFFFFF  }
0xad: {  	[dreg:$0x0] =	wrdreg $0x60  }
0xae: {  	[dreg:$0x2] =	wrdreg s24  }
0xaf: {  	[dreg:$0x3] =	wrdreg $0xA0000  }
0xb0: {  	[dreg:$0x4] =	wrdreg $0x9  }
0xb1: {  	_ =	task.clear_ibuf [dreg:s6], $0x5FFFF;
	_ =	strace $0x90000046  }
0xb2: {  	s29 =	simm.s32 $0x9;
	_ =	strace $0x80000048  }
0xb3: {  	_ =	swait.ge [sflag:s29], $0x1  }
0xb4: {  	[sflag:s29] =	ssyncadd.s32 $0xFFFFFFFF  }
0xb5: {  	_ =	strace $0x90000048  }
0xb6: {  	_ =	sfence  }
0xb7: {  	s30 =	sld [smem:$0x0];
	_ =	sdelay $0x2  }
0xb8: {  	s31 =	sshll.u32 s1, $0xD;
	s1 =	sshrl.u32 s1, $0x2  }
0xb9: {  	s3 =	sand.u32 $0x4000, s31;
	s1 =	sadd.s32 s1, s30  }
0xba: {  	s0 =	sor.u32 s3, s0;
	s1 =	sshll.u32 s1, $0x11  }
0xbb: {  	s0 =	sor.u32 s1, s0  }
0xbc: {  	s0 =	sadd.s32 $0x8F2B, s0  }
0xbd: {  	[sflag:s0] =	ssyncadd.remote.s32 $0x1  }
0xbe: {  	_ =	sfence.sel $0xFFFF  }
0xbf: {  	[dreg:$0x0] =	wrdreg $0xFFFFFFFF;
	(pc) =	sbr.abs _section_cstart, $3  }
0xc0: {  	[dreg:$0x1] =	wrdreg $0xFFFFFFFF  }
0xc1: {  	_ =	task.clear_ibuf [dreg:s6], $0x2FFFF;
	_ =	strace $0x9FFFFFFF  }
0xc2: {  	(tm) =	ssettm $0x7FFFFFFF  }
0xc3: {  	_ =	shalt  }
tec
execute0_lowered:
.L_overlay_start_1:
0x0: {  	(tag) =	ssettag $0x1  }
0x1: {  	s0 =	rddreg [dreg:$0x0]  }
0x2: {  	s2 =	rddreg [dreg:$0x1]  }
0x3: {  	s3 =	simm.s32 $0x0;
	s10 =	stileid.u32;
	s1 =	srdreg.scid  }
0x4: {  	s28 =	simm.s32 $0x8000;
	s29 =	simm.s32 $0x200;
	s30 =	simm.s32 $0x9000  }
0x5: {  	s31 =	simm.s32 $0x1;
	s11 =	simm.s32 $0x2700;
	s12 =	simm.s32 $0x2780  }
0x6: {  	s13 =	simm.s32 $0x4D80;
	[smem:$0x7FF] =	sst s3;
	s14 =	smul.u32 $0x14000, s10  }
0x7: {  	s1 =	sand.u32 $0x1, s1;
	s4 =	sadd.s32 $0x51400, s0;
	s6 =	sadd.s32 $0x1400, s0  }
0x8: {  	s8 =	sadd.s32 $0x29400, s0;
	s15 =	smul.u32 $0x50000, s10;
	s9 =	sshll.u32 s10, $0x1  }
0x9: {  	s18 =	sshll.u32 s10, $0x6;
	s10 =	simm.s32 $0x2680;
	_ =	strace $0x80000047  }
0xa: {  	s5 =	smul.u32 $0x140000, s1;
	s16 =	ssub.s32 $0x2, s1;
	s1 =	sor.u32 s1, s9  }
0xb: {  	s22 =	sor.u32 $0x1C06, s18;
	s18 =	simm.s32 $0x6;
	s9 =	simm.s32 $0x2600  }
0xc: {  	s7 =	sshrl.u32 s14, $0x3;
	s17 =	sshrl.u32 s16, $0x1;
	s1 =	smul.u32 $0xA000, s1  }
0xd: {  	s7 =	sadd.s32 s7, s0;
	s3 =	sadd.s32 s14, s5;
	s5 =	sshrl.u32 s15, $0x2  }
0xe: {  	s14 =	simm.s32 $0x4E00;
	s15 =	simm.s32 $0x4E80;
	s3 =	sshrl.u32 s3, $0x3  }
0xf: {  	s5 =	sadd.s32 s5, s2;
	s7 =	sadd.s32 $0x2C2400, s7;
	s1 =	sshrl.u32 s1, $0x3  }
0x10: {  	s0 =	sadd.s32 s3, s0;
	[dreg:$0x3] =	wrdreg s7;
	s19 =	sadd.s32 s6, s1  }
0x11: {  	s20 =	sadd.s32 s8, s1;
	s21 =	sadd.s32 $0x500, s1;
	[dreg:$0x4] =	wrdreg s19  }
0x12: {  	s3 =	ssub.s32 s16, s17;
	[dreg:$0x5] =	wrdreg s20;
	s23 =	sadd.s32 s6, s21  }
0x13: {  	s24 =	sadd.s32 $0xA00, s1;
	s7 =	sadd.s32 s8, s21;
	[dreg:$0x6] =	wrdreg s23  }
0x14: {  	s1 =	sadd.s32 $0xF00, s1;
	s25 =	sadd.s32 s6, s24;
	[dreg:$0x7] =	wrdreg s7  }
0x15: {  	s16 =	simm.s32 $0x4F00;
	s6 =	sadd.s32 s6, s1;
	[dreg:$0x8] =	wrdreg s25  }
0x16: {  	s1 =	sadd.s32 s8, s1;
	s0 =	sadd.s32 $0x2EA400, s0;
	[dreg:$0xa] =	wrdreg s6  }
0x17: {  	s26 =	smax.u32 s3, $0x1;
	s20 =	simm.s32 $0x20;
	[dreg:$0xb] =	wrdreg s1  }
0x18: {  	s21 =	simm.s32 $0x5000;
	s3 =	simm.s32 $0x4F80;
	[dreg:$0xc] =	wrdreg s0  }
0x19: {  	s7 =	sadd.s32 s8, s24;
	[dreg:$0xd] =	wrdreg s26;
	s24 =	sshrl.u32 s5, $0x3  }
0x1a: {  	s23 =	simm.s32 $0x6000;
	s25 =	simm.s32 $0x7000;
	s0 =	simm.s32 $0x2  }
0x1b: {  	s1 =	simm.s32 $0x3;
	s5 =	simm.s32 $0x4;
	s8 =	simm.s32 $0x2580  }
0x1c: {  	s6 =	simm.s32 $0x0;
	[dreg:$0x9] =	wrdreg s7;
	s7 =	simm.s32 $0x5  }
.LBB2_1:
0x1d: {  	s19 =	rddreg [dreg:$0x3]  }
0x1e: {  	[spmem:s24], [sflag:s22] =	dma.local [hbm:s19], $0x2800  }
0x1f: {  	_ =	swait.ge [sflag:s18], $0x2800  }
0x20: {  	[sflag:s18] =	ssyncset.done $0x0  }
0x21: {  	[sflag:s18] =	ssyncadd.s32 $0xFFFFD800  }
0x22: {  	[bflag:$0x0] =	sbarrier.arrive $0xFFFF  }
0x23: {  	s26 =	smov.u32 s24;
	s19 =	simm.s32 $0x0;
	s24 =	rddreg [dreg:$0x4]  }
0x24: {  	[tilespmem:s19], [sflag:$0x6] =	stream.linear.gather [hbm4b:s24+s19], $0x2800, $0x38;
	[tilespmem:$0x1E000] =	vst v63  }
0x25: {  	_ =	swait.ge [sflag:s18], $0x2800  }
0x26: {  	s17 =	smov.u32 s22;
	[sflag:s18] =	ssyncset.done $0x0  }
0x27: {  	s24 =	simm.s32 $0x2800;
	s22 =	rddreg [dreg:$0x5];
	[sflag:s18] =	ssyncadd.s32 $0xFFFFD800  }
0x28: {  	[tilespmem:s24], [sflag:$0x6] =	stream.linear.gather [hbm4b:s22+s19], $0x2800, $0x38;
	[tilespmem:$0x1E000] =	vst v63  }
0x29: {  	_ =	swait.ge [sflag:s18], $0x2800  }
0x2a: {  	[sflag:s18] =	ssyncset.done $0x0  }
0x2b: {  	[sflag:s18] =	ssyncadd.s32 $0xFFFFD800  }
0x2c: {  	[tilespmem:s21], [sflag:$0x1] =	stream.indirect.gather [hbm4b:s4+s20], $0x80, s19, s20, $0xb8;
	[tilespmem:$0x1E000] =	vst v63  }
0x2d: {  	s22 =	simm.s32 $0x80  }
0x2e: {  	[tilespmem:s23], [sflag:$0x2] =	stream.indirect.gather [hbm4b:s4+s20], $0x80, s22, s20, $0xb8;
	[tilespmem:$0x1E000] =	vst v63  }
0x2f: {  	s24 =	simm.s32 $0x100  }
0x30: {  	[tilespmem:s25], [sflag:$0x3] =	stream.indirect.gather [hbm4b:s4+s20], $0x80, s24, s20, $0xb8;
	[tilespmem:$0x1E000] =	vst v63  }
0x31: {  	s22 =	simm.s32 $0x180  }
0x32: {  	[tilespmem:s28], [sflag:$0x4] =	stream.indirect.gather [hbm4b:s4+s20], $0x80, s22, s20, $0xb8;
	[tilespmem:$0x1E000] =	vst v63  }
0x33: {  	_ = 	snop  }
0x34: {  	[tilespmem:s30], [sflag:$0x5] =	stream.indirect.gather [hbm4b:s4+s20], $0x80, s29, s20, $0xb8;
	[tilespmem:$0x1E000] =	vst v63  }
0x35: {  	_ =	swait.ge [sflag:s31], $0x1000  }
0x36: {  	[sflag:s31] =	ssyncset.done $0x0  }
0x37: {  	s24 =	simm.s32 $0x2800;
	[sflag:s31] =	ssyncadd.s32 $0xFFFFF000  }
0x38: {  	[spmem:s2] =	stream.indirect.scatter.add.f32 [tilespmem:s21], [sflag:$0x6], $0x80, s24, s20, $0xb8;
	[tilespmem:$0x1E000] =	vst v63  }
0x39: {  	_ =	swait.ge [sflag:s18], $0x1000  }
0x3a: {  	[sflag:s18] =	ssyncset.done $0x0  }
0x3b: {  	s22 =	simm.s32 $0x280;
	[sflag:s18] =	ssyncadd.s32 $0xFFFFF000  }
0x3c: {  	[tilespmem:s21], [sflag:$0x1] =	stream.indirect.gather [hbm4b:s4+s20], $0x80, s22, s20, $0xb8;
	[tilespmem:$0x1E000] =	vst v63  }
0x3d: {  	_ =	swait.ge [sflag:s0], $0x1000  }
0x3e: {  	[sflag:s0] =	ssyncset.done $0x0  }
0x3f: {  	s24 =	simm.s32 $0x2880;
	[sflag:s0] =	ssyncadd.s32 $0xFFFFF000  }
0x40: {  	[spmem:s2] =	stream.indirect.scatter.add.f32 [tilespmem:s23], [sflag:$0x6], $0x80, s24, s20, $0xb8;
	[tilespmem:$0x1E000] =	vst v63  }
0x41: {  	_ =	swait.ge [sflag:s18], $0x1000  }
0x42: {  	[sflag:s18] =	ssyncset.done $0x0  }
0x43: {  	s22 =	simm.s32 $0x300;
	[sflag:s18] =	ssyncadd.s32 $0xFFFFF000  }
0x44: {  	[tilespmem:s23], [sflag:$0x2] =	stream.indirect.gather [hbm4b:s4+s20], $0x80, s22, s20, $0xb8;
	[tilespmem:$0x1E000] =	vst v63  }
0x45: {  	_ =	swait.ge [sflag:s1], $0x1000  }
0x46: {  	[sflag:s1] =	ssyncset.done $0x0  }
0x47: {  	s24 =	simm.s32 $0x2900;
	[sflag:s1] =	ssyncadd.s32 $0xFFFFF000  }
0x48: {  	[spmem:s2] =	stream.indirect.scatter.add.f32 [tilespmem:s25], [sflag:$0x6], $0x80, s24, s20, $0xb8;
	[tilespmem:$0x1E000] =	vst v63  }
0x49: {  	_ =	swait.ge [sflag:s18], $0x1000  }
0x4a: {  	[sflag:s18] =	ssyncset.done $0x0  }
0x4b: {  	s22 =	simm.s32 $0x380;
	[sflag:s18] =	ssyncadd.s32 $0xFFFFF000  }
0x4c: {  	[tilespmem:s25], [sflag:$0x3] =	stream.indirect.gather [hbm4b:s4+s20], $0x80, s22, s20, $0xb8;
	[tilespmem:$0x1E000] =	vst v63  }
0x4d: {  	_ =	swait.ge [sflag:s5], $0x1000  }
0x4e: {  	[sflag:s5] =	ssyncset.done $0x0  }
0x4f: {  	s24 =	simm.s32 $0x2980;
	[sflag:s5] =	ssyncadd.s32 $0xFFFFF000  }
0x50: {  	[spmem:s2] =	stream.indirect.scatter.add.f32 [tilespmem:s28], [sflag:$0x6], $0x80, s24, s20, $0xb8;
	[tilespmem:$0x1E000] =	vst v63  }
0x51: {  	_ =	swait.ge [sflag:s18], $0x1000  }
0x52: {  	[sflag:s18] =	ssyncset.done $0x0  }
0x53: {  	s22 =	simm.s32 $0x400;
	[sflag:s18] =	ssyncadd.s32 $0xFFFFF000  }
0x54: {  	[tilespmem:s28], [sflag:$0x4] =	stream.indirect.gather [hbm4b:s4+s20], $0x80, s22, s20, $0xb8;
	[tilespmem:$0x1E000] =	vst v63  }
0x55: {  	_ =	swait.ge [sflag:s7], $0x1000  }
0x56: {  	[sflag:s7] =	ssyncset.done $0x0  }
0x57: {  	s24 =	simm.s32 $0x2A00;
	[sflag:s7] =	ssyncadd.s32 $0xFFFFF000  }
0x58: {  	[spmem:s2] =	stream.indirect.scatter.add.f32 [tilespmem:s30], [sflag:$0x6], $0x80, s24, s20, $0xb8;
	[tilespmem:$0x1E000] =	vst v63  }
0x59: {  	_ =	swait.ge [sflag:s18], $0x1000  }
0x5a: {  	[sflag:s18] =	ssyncset.done $0x0  }
0x5b: {  	s19 =	simm.s32 $0xA00;
	s22 =	simm.s32 $0x480;
	[sflag:s18] =	ssyncadd.s32 $0xFFFFF000  }
.LBB2_2:
0x5c: {  	[tilespmem:s30], [sflag:$0x5] =	stream.indirect.gather [hbm4b:s4+s20], $0x80, s22, s20, $0xb8;
	[tilespmem:$0x1E000] =	vst v63  }
0x5d: {  	s22 =	smov.u32 s19;
	s19 =	sadd.s32 $0xA00, s19;
	_ =	swait.ge [sflag:s31], $0x1000  }
0x5e: {  	s22 =	sshra.s32 s22, $0x2;
	p0 =	sne.s32 s19, $0x8C00;
	[sflag:s31] =	ssyncset.done $0x0  }
0x5f: {  	s24 =	sadd.s32 $0x2800, s22;
	[sflag:s31] =	ssyncadd.s32 $0xFFFFF000  }
0x60: {  	[spmem:s2] =	stream.indirect.scatter.add.f32 [tilespmem:s21], [sflag:$0x6], $0x80, s24, s20, $0xb8;
	[tilespmem:$0x1E000] =	vst v63  }
0x61: {  	_ =	swait.ge [sflag:s18], $0x1000  }
0x62: {  	[sflag:s18] =	ssyncset.done $0x0  }
0x63: {  	s24 =	sadd.s32 $0x280, s22;
	[sflag:s18] =	ssyncadd.s32 $0xFFFFF000  }
0x64: {  	[tilespmem:s21], [sflag:$0x1] =	stream.indirect.gather [hbm4b:s4+s20], $0x80, s24, s20, $0xb8;
	[tilespmem:$0x1E000] =	vst v63  }
0x65: {  	_ =	swait.ge [sflag:s0], $0x1000  }
0x66: {  	[sflag:s0] =	ssyncset.done $0x0  }
0x67: {  	s24 =	sadd.s32 $0x2880, s22;
	[sflag:s0] =	ssyncadd.s32 $0xFFFFF000  }
0x68: {  	[spmem:s2] =	stream.indirect.scatter.add.f32 [tilespmem:s23], [sflag:$0x6], $0x80, s24, s20, $0xb8;
	[tilespmem:$0x1E000] =	vst v63  }
0x69: {  	_ =	swait.ge [sflag:s18], $0x1000  }
0x6a: {  	[sflag:s18] =	ssyncset.done $0x0  }
0x6b: {  	s24 =	sadd.s32 $0x300, s22;
	[sflag:s18] =	ssyncadd.s32 $0xFFFFF000  }
0x6c: {  	[tilespmem:s23], [sflag:$0x2] =	stream.indirect.gather [hbm4b:s4+s20], $0x80, s24, s20, $0xb8;
	[tilespmem:$0x1E000] =	vst v63  }
0x6d: {  	_ =	swait.ge [sflag:s1], $0x1000  }
0x6e: {  	[sflag:s1] =	ssyncset.done $0x0  }
0x6f: {  	s24 =	sadd.s32 $0x2900, s22;
	[sflag:s1] =	ssyncadd.s32 $0xFFFFF000  }
0x70: {  	[spmem:s2] =	stream.indirect.scatter.add.f32 [tilespmem:s25], [sflag:$0x6], $0x80, s24, s20, $0xb8;
	[tilespmem:$0x1E000] =	vst v63  }
0x71: {  	_ =	swait.ge [sflag:s18], $0x1000  }
0x72: {  	[sflag:s18] =	ssyncset.done $0x0  }
0x73: {  	s24 =	sadd.s32 $0x380, s22;
	[sflag:s18] =	ssyncadd.s32 $0xFFFFF000  }
0x74: {  	[tilespmem:s25], [sflag:$0x3] =	stream.indirect.gather [hbm4b:s4+s20], $0x80, s24, s20, $0xb8;
	[tilespmem:$0x1E000] =	vst v63  }
0x75: {  	_ =	swait.ge [sflag:s5], $0x1000  }
0x76: {  	[sflag:s5] =	ssyncset.done $0x0  }
0x77: {  	s24 =	sadd.s32 $0x2980, s22;
	[sflag:s5] =	ssyncadd.s32 $0xFFFFF000  }
0x78: {  	[spmem:s2] =	stream.indirect.scatter.add.f32 [tilespmem:s28], [sflag:$0x6], $0x80, s24, s20, $0xb8;
	[tilespmem:$0x1E000] =	vst v63  }
0x79: {  	_ =	swait.ge [sflag:s18], $0x1000  }
0x7a: {  	[sflag:s18] =	ssyncset.done $0x0  }
0x7b: {  	s24 =	sadd.s32 $0x400, s22;
	[sflag:s18] =	ssyncadd.s32 $0xFFFFF000  }
0x7c: {  	[tilespmem:s28], [sflag:$0x4] =	stream.indirect.gather [hbm4b:s4+s20], $0x80, s24, s20, $0xb8;
	[tilespmem:$0x1E000] =	vst v63  }
0x7d: {  	_ =	swait.ge [sflag:s7], $0x1000  }
0x7e: {  	[sflag:s7] =	ssyncset.done $0x0  }
.Ltmp0:
0x7f: {  	s24 =	sadd.s32 $0x2A00, s22;
	[sflag:s7] =	ssyncadd.s32 $0xFFFFF000;
	(pc) =	sbr.rel @p0 .LBB2_2-.Ltmp0, $4  }
0x80: {  	[spmem:s2] =	stream.indirect.scatter.add.f32 [tilespmem:s30], [sflag:$0x6], $0x80, s24, s20, $0xb8;
	[tilespmem:$0x1E000] =	vst v63  }
0x81: {  	_ =	swait.ge [sflag:s18], $0x1000  }
0x82: {  	[sflag:s18] =	ssyncset.done $0x0  }
0x83: {  	s22 =	sadd.s32 $0x480, s22;
	[sflag:s18] =	ssyncadd.s32 $0xFFFFF000  }
0x84: {  	[tilespmem:s30], [sflag:$0x5] =	stream.indirect.gather [hbm4b:s4+s20], $0x80, s22, s20, $0xb8;
	[tilespmem:$0x1E000] =	vst v63  }
0x85: {  	_ =	swait.ge [sflag:s31], $0x1000  }
0x86: {  	s19 =	sshra.s32 s19, $0x2;
	[sflag:s31] =	ssyncset.done $0x0  }
0x87: {  	s24 =	sadd.s32 $0x2800, s19;
	[sflag:s31] =	ssyncadd.s32 $0xFFFFF000  }
0x88: {  	[spmem:s2] =	stream.indirect.scatter.add.f32 [tilespmem:s21], [sflag:$0x6], $0x80, s24, s20, $0xb8;
	[tilespmem:$0x1E000] =	vst v63  }
0x89: {  	_ =	swait.ge [sflag:s18], $0x1000  }
0x8a: {  	[sflag:s18] =	ssyncset.done $0x0  }
0x8b: {  	[sflag:s18] =	ssyncadd.s32 $0xFFFFF000  }
0x8c: {  	[tilespmem:s21], [sflag:$0x1] =	stream.indirect.gather [hbm4b:s4+s20], $0x80, s8, s20, $0xb8;
	[tilespmem:$0x1E000] =	vst v63  }
0x8d: {  	_ =	swait.ge [sflag:s0], $0x1000  }
0x8e: {  	[sflag:s0] =	ssyncset.done $0x0  }
0x8f: {  	s24 =	sadd.s32 $0x2880, s19;
	[sflag:s0] =	ssyncadd.s32 $0xFFFFF000  }
0x90: {  	[spmem:s2] =	stream.indirect.scatter.add.f32 [tilespmem:s23], [sflag:$0x6], $0x80, s24, s20, $0xb8;
	[tilespmem:$0x1E000] =	vst v63  }
0x91: {  	_ =	swait.ge [sflag:s18], $0x1000  }
0x92: {  	[sflag:s18] =	ssyncset.done $0x0  }
0x93: {  	[sflag:s18] =	ssyncadd.s32 $0xFFFFF000  }
0x94: {  	[tilespmem:s23], [sflag:$0x2] =	stream.indirect.gather [hbm4b:s4+s20], $0x80, s9, s20, $0xb8;
	[tilespmem:$0x1E000] =	vst v63  }
0x95: {  	_ =	swait.ge [sflag:s1], $0x1000  }
0x96: {  	[sflag:s1] =	ssyncset.done $0x0  }
0x97: {  	s24 =	sadd.s32 $0x2900, s19;
	[sflag:s1] =	ssyncadd.s32 $0xFFFFF000  }
0x98: {  	[spmem:s2] =	stream.indirect.scatter.add.f32 [tilespmem:s25], [sflag:$0x6], $0x80, s24, s20, $0xb8;
	[tilespmem:$0x1E000] =	vst v63  }
0x99: {  	_ =	swait.ge [sflag:s18], $0x1000  }
0x9a: {  	[sflag:s18] =	ssyncset.done $0x0  }
0x9b: {  	[sflag:s18] =	ssyncadd.s32 $0xFFFFF000  }
0x9c: {  	[tilespmem:s25], [sflag:$0x3] =	stream.indirect.gather [hbm4b:s4+s20], $0x80, s10, s20, $0xb8;
	[tilespmem:$0x1E000] =	vst v63  }
0x9d: {  	_ =	swait.ge [sflag:s5], $0x1000  }
0x9e: {  	[sflag:s5] =	ssyncset.done $0x0  }
0x9f: {  	s24 =	sadd.s32 $0x2980, s19;
	[sflag:s5] =	ssyncadd.s32 $0xFFFFF000  }
0xa0: {  	[spmem:s2] =	stream.indirect.scatter.add.f32 [tilespmem:s28], [sflag:$0x6], $0x80, s24, s20, $0xb8;
	[tilespmem:$0x1E000] =	vst v63  }
0xa1: {  	_ =	swait.ge [sflag:s18], $0x1000  }
0xa2: {  	[sflag:s18] =	ssyncset.done $0x0  }
0xa3: {  	[sflag:s18] =	ssyncadd.s32 $0xFFFFF000  }
0xa4: {  	[tilespmem:s28], [sflag:$0x4] =	stream.indirect.gather [hbm4b:s4+s20], $0x80, s11, s20, $0xb8;
	[tilespmem:$0x1E000] =	vst v63  }
0xa5: {  	_ =	swait.ge [sflag:s7], $0x1000  }
0xa6: {  	[sflag:s7] =	ssyncset.done $0x0  }
0xa7: {  	s19 =	sadd.s32 $0x2A00, s19;
	[sflag:s7] =	ssyncadd.s32 $0xFFFFF000  }
0xa8: {  	[spmem:s2] =	stream.indirect.scatter.add.f32 [tilespmem:s30], [sflag:$0x6], $0x80, s19, s20, $0xb8;
	[tilespmem:$0x1E000] =	vst v63  }
0xa9: {  	_ =	swait.ge [sflag:s18], $0x1000  }
0xaa: {  	[sflag:s18] =	ssyncset.done $0x0  }
0xab: {  	[sflag:s18] =	ssyncadd.s32 $0xFFFFF000  }
0xac: {  	[tilespmem:s30], [sflag:$0x5] =	stream.indirect.gather [hbm4b:s4+s20], $0x80, s12, s20, $0xb8;
	[tilespmem:$0x1E000] =	vst v63  }
0xad: {  	_ =	swait.ge [sflag:s31], $0x1000  }
0xae: {  	[sflag:s31] =	ssyncset.done $0x0  }
0xaf: {  	[sflag:s31] =	ssyncadd.s32 $0xFFFFF000  }
0xb0: {  	[spmem:s2] =	stream.indirect.scatter.add.f32 [tilespmem:s21], [sflag:$0x6], $0x80, s13, s20, $0xb8;
	[tilespmem:$0x1E000] =	vst v63  }
0xb1: {  	_ =	swait.ge [sflag:s18], $0x1000  }
0xb2: {  	[sflag:s18] =	ssyncset.done $0x0  }
0xb3: {  	[sflag:s18] =	ssyncadd.s32 $0xFFFFF000  }
0xb4: {  	[tilespmem:s21], [sflag:$0x1] =	stream.indirect.gather [hbm4b:s4+s20], $0x80, s12, s20, $0xb8;
	[tilespmem:$0x1E000] =	vst v63  }
0xb5: {  	_ =	swait.ge [sflag:s0], $0x1000  }
0xb6: {  	[sflag:s0] =	ssyncset.done $0x0  }
0xb7: {  	[sflag:s0] =	ssyncadd.s32 $0xFFFFF000  }
0xb8: {  	[spmem:s2] =	stream.indirect.scatter.add.f32 [tilespmem:s23], [sflag:$0x6], $0x80, s14, s20, $0xb8;
	[tilespmem:$0x1E000] =	vst v63  }
0xb9: {  	_ =	swait.ge [sflag:s18], $0x1000  }
0xba: {  	[sflag:s18] =	ssyncset.done $0x0  }
0xbb: {  	[sflag:s18] =	ssyncadd.s32 $0xFFFFF000  }
0xbc: {  	[tilespmem:s23], [sflag:$0x2] =	stream.indirect.gather [hbm4b:s4+s20], $0x80, s12, s20, $0xb8;
	[tilespmem:$0x1E000] =	vst v63  }
0xbd: {  	_ =	swait.ge [sflag:s1], $0x1000  }
0xbe: {  	[sflag:s1] =	ssyncset.done $0x0  }
0xbf: {  	[sflag:s1] =	ssyncadd.s32 $0xFFFFF000  }
0xc0: {  	[spmem:s2] =	stream.indirect.scatter.add.f32 [tilespmem:s25], [sflag:$0x6], $0x80, s15, s20, $0xb8;
	[tilespmem:$0x1E000] =	vst v63  }
0xc1: {  	_ =	swait.ge [sflag:s18], $0x1000  }
0xc2: {  	[sflag:s18] =	ssyncset.done $0x0  }
0xc3: {  	[sflag:s18] =	ssyncadd.s32 $0xFFFFF000  }
0xc4: {  	[tilespmem:s25], [sflag:$0x3] =	stream.indirect.gather [hbm4b:s4+s20], $0x80, s12, s20, $0xb8;
	[tilespmem:$0x1E000] =	vst v63  }
0xc5: {  	_ =	swait.ge [sflag:s5], $0x1000  }
0xc6: {  	[sflag:s5] =	ssyncset.done $0x0  }
0xc7: {  	[sflag:s5] =	ssyncadd.s32 $0xFFFFF000  }
0xc8: {  	[spmem:s2] =	stream.indirect.scatter.add.f32 [tilespmem:s28], [sflag:$0x6], $0x80, s16, s20, $0xb8;
	[tilespmem:$0x1E000] =	vst v63  }
0xc9: {  	_ =	swait.ge [sflag:s18], $0x1000  }
0xca: {  	[sflag:s18] =	ssyncset.done $0x0  }
0xcb: {  	[sflag:s18] =	ssyncadd.s32 $0xFFFFF000  }
0xcc: {  	[tilespmem:s28], [sflag:$0x4] =	stream.indirect.gather [hbm4b:s4+s20], $0x80, s12, s20, $0xb8;
	[tilespmem:$0x1E000] =	vst v63  }
0xcd: {  	_ =	swait.ge [sflag:s7], $0x1000  }
0xce: {  	[sflag:s7] =	ssyncset.done $0x0  }
0xcf: {  	[sflag:s7] =	ssyncadd.s32 $0xFFFFF000  }
0xd0: {  	[spmem:s2] =	stream.indirect.scatter.add.f32 [tilespmem:s30], [sflag:$0x6], $0x80, s3, s20, $0xb8;
	[tilespmem:$0x1E000] =	vst v63  }
0xd1: {  	_ =	swait.ge [sflag:s18], $0x1000  }
0xd2: {  	[sflag:s18] =	ssyncset.done $0x0  }
0xd3: {  	[sflag:s18] =	ssyncadd.s32 $0xFFFFF000  }
0xd4: {  	[tilespmem:s30], [sflag:$0x5] =	stream.indirect.gather [hbm4b:s4+s20], $0x80, s12, s20, $0xb8;
	[tilespmem:$0x1E000] =	vst v63  }
0xd5: {  	_ =	swait.ge [sflag:s31], $0x1000  }
0xd6: {  	[sflag:s31] =	ssyncset.done $0x0  }
0xd7: {  	[sflag:s31] =	ssyncadd.s32 $0xFFFFF000  }
0xd8: {  	_ =	swait.ge [sflag:s0], $0x1000  }
0xd9: {  	[sflag:s0] =	ssyncset.done $0x0  }
0xda: {  	[sflag:s0] =	ssyncadd.s32 $0xFFFFF000  }
0xdb: {  	_ =	swait.ge [sflag:s1], $0x1000  }
0xdc: {  	[sflag:s1] =	ssyncset.done $0x0  }
0xdd: {  	[sflag:s1] =	ssyncadd.s32 $0xFFFFF000  }
0xde: {  	_ =	swait.ge [sflag:s5], $0x1000  }
0xdf: {  	[sflag:s5] =	ssyncset.done $0x0  }
0xe0: {  	[sflag:s5] =	ssyncadd.s32 $0xFFFFF000  }
0xe1: {  	_ =	swait.ge [sflag:s7], $0x1000  }
0xe2: {  	[sflag:s7] =	ssyncset.done $0x0  }
0xe3: {  	s19 =	simm.s32 $0x0;
	s24 =	rddreg [dreg:$0x6];
	[sflag:s7] =	ssyncadd.s32 $0xFFFFF000  }
0xe4: {  	[tilespmem:s19], [sflag:$0x6] =	stream.linear.gather [hbm4b:s24+s19], $0x2800, $0x38;
	[tilespmem:$0x1E000] =	vst v63  }
0xe5: {  	_ =	swait.ge [sflag:s18], $0x2800  }
0xe6: {  	[sflag:s18] =	ssyncset.done $0x0  }
0xe7: {  	s24 =	simm.s32 $0x2800;
	s22 =	rddreg [dreg:$0x7];
	[sflag:s18] =	ssyncadd.s32 $0xFFFFD800  }
0xe8: {  	[tilespmem:s24], [sflag:$0x6] =	stream.linear.gather [hbm4b:s22+s19], $0x2800, $0x38;
	[tilespmem:$0x1E000] =	vst v63  }
0xe9: {  	_ =	swait.ge [sflag:s18], $0x2800  }
0xea: {  	[sflag:s18] =	ssyncset.done $0x0  }
0xeb: {  	[sflag:s18] =	ssyncadd.s32 $0xFFFFD800  }
0xec: {  	[tilespmem:s21], [sflag:$0x1] =	stream.indirect.gather [hbm4b:s4+s20], $0x80, s19, s20, $0xb8;
	[tilespmem:$0x1E000] =	vst v63  }
0xed: {  	s22 =	simm.s32 $0x80  }
0xee: {  	[tilespmem:s23], [sflag:$0x2] =	stream.indirect.gather [hbm4b:s4+s20], $0x80, s22, s20, $0xb8;
	[tilespmem:$0x1E000] =	vst v63  }
0xef: {  	s24 =	simm.s32 $0x100  }
0xf0: {  	[tilespmem:s25], [sflag:$0x3] =	stream.indirect.gather [hbm4b:s4+s20], $0x80, s24, s20, $0xb8;
	[tilespmem:$0x1E000] =	vst v63  }
0xf1: {  	s22 =	simm.s32 $0x180  }
0xf2: {  	[tilespmem:s28], [sflag:$0x4] =	stream.indirect.gather [hbm4b:s4+s20], $0x80, s22, s20, $0xb8;
	[tilespmem:$0x1E000] =	vst v63  }
0xf3: {  	_ = 	snop  }
0xf4: {  	[tilespmem:s30], [sflag:$0x5] =	stream.indirect.gather [hbm4b:s4+s20], $0x80, s29, s20, $0xb8;
	[tilespmem:$0x1E000] =	vst v63  }
0xf5: {  	_ =	swait.ge [sflag:s31], $0x1000  }
0xf6: {  	[sflag:s31] =	ssyncset.done $0x0  }
0xf7: {  	s24 =	simm.s32 $0x2800;
	[sflag:s31] =	ssyncadd.s32 $0xFFFFF000  }
0xf8: {  	[spmem:s2] =	stream.indirect.scatter.add.f32 [tilespmem:s21], [sflag:$0x6], $0x80, s24, s20, $0xb8;
	[tilespmem:$0x1E000] =	vst v63  }
0xf9: {  	_ =	swait.ge [sflag:s18], $0x1000  }
0xfa: {  	[sflag:s18] =	ssyncset.done $0x0  }
0xfb: {  	s22 =	simm.s32 $0x280;
	[sflag:s18] =	ssyncadd.s32 $0xFFFFF000  }
0xfc: {  	[tilespmem:s21], [sflag:$0x1] =	stream.indirect.gather [hbm4b:s4+s20], $0x80, s22, s20, $0xb8;
	[tilespmem:$0x1E000] =	vst v63  }
0xfd: {  	_ =	swait.ge [sflag:s0], $0x1000  }
0xfe: {  	[sflag:s0] =	ssyncset.done $0x0  }
0xff: {  	s24 =	simm.s32 $0x2880;
	[sflag:s0] =	ssyncadd.s32 $0xFFFFF000  }
0x100: {  	[spmem:s2] =	stream.indirect.scatter.add.f32 [tilespmem:s23], [sflag:$0x6], $0x80, s24, s20, $0xb8;
	[tilespmem:$0x1E000] =	vst v63  }
0x101: {  	_ =	swait.ge [sflag:s18], $0x1000  }
0x102: {  	[sflag:s18] =	ssyncset.done $0x0  }
0x103: {  	s22 =	simm.s32 $0x300;
	[sflag:s18] =	ssyncadd.s32 $0xFFFFF000  }
0x104: {  	[tilespmem:s23], [sflag:$0x2] =	stream.indirect.gather [hbm4b:s4+s20], $0x80, s22, s20, $0xb8;
	[tilespmem:$0x1E000] =	vst v63  }
0x105: {  	_ =	swait.ge [sflag:s1], $0x1000  }
0x106: {  	[sflag:s1] =	ssyncset.done $0x0  }
0x107: {  	s24 =	simm.s32 $0x2900;
	[sflag:s1] =	ssyncadd.s32 $0xFFFFF000  }
0x108: {  	[spmem:s2] =	stream.indirect.scatter.add.f32 [tilespmem:s25], [sflag:$0x6], $0x80, s24, s20, $0xb8;
	[tilespmem:$0x1E000] =	vst v63  }
0x109: {  	_ =	swait.ge [sflag:s18], $0x1000  }
0x10a: {  	[sflag:s18] =	ssyncset.done $0x0  }
0x10b: {  	s22 =	simm.s32 $0x380;
	[sflag:s18] =	ssyncadd.s32 $0xFFFFF000  }
0x10c: {  	[tilespmem:s25], [sflag:$0x3] =	stream.indirect.gather [hbm4b:s4+s20], $0x80, s22, s20, $0xb8;
	[tilespmem:$0x1E000] =	vst v63  }
0x10d: {  	_ =	swait.ge [sflag:s5], $0x1000  }
0x10e: {  	[sflag:s5] =	ssyncset.done $0x0  }
0x10f: {  	s24 =	simm.s32 $0x2980;
	[sflag:s5] =	ssyncadd.s32 $0xFFFFF000  }
0x110: {  	[spmem:s2] =	stream.indirect.scatter.add.f32 [tilespmem:s28], [sflag:$0x6], $0x80, s24, s20, $0xb8;
	[tilespmem:$0x1E000] =	vst v63  }
0x111: {  	_ =	swait.ge [sflag:s18], $0x1000  }
0x112: {  	[sflag:s18] =	ssyncset.done $0x0  }
0x113: {  	s22 =	simm.s32 $0x400;
	[sflag:s18] =	ssyncadd.s32 $0xFFFFF000  }
0x114: {  	[tilespmem:s28], [sflag:$0x4] =	stream.indirect.gather [hbm4b:s4+s20], $0x80, s22, s20, $0xb8;
	[tilespmem:$0x1E000] =	vst v63  }
0x115: {  	_ =	swait.ge [sflag:s7], $0x1000  }
0x116: {  	[sflag:s7] =	ssyncset.done $0x0  }
0x117: {  	s24 =	simm.s32 $0x2A00;
	[sflag:s7] =	ssyncadd.s32 $0xFFFFF000  }
0x118: {  	[spmem:s2] =	stream.indirect.scatter.add.f32 [tilespmem:s30], [sflag:$0x6], $0x80, s24, s20, $0xb8;
	[tilespmem:$0x1E000] =	vst v63  }
0x119: {  	_ =	swait.ge [sflag:s18], $0x1000  }
0x11a: {  	[sflag:s18] =	ssyncset.done $0x0  }
0x11b: {  	s19 =	simm.s32 $0xA00;
	s22 =	simm.s32 $0x480;
	[sflag:s18] =	ssyncadd.s32 $0xFFFFF000  }
.LBB2_4:
0x11c: {  	[tilespmem:s30], [sflag:$0x5] =	stream.indirect.gather [hbm4b:s4+s20], $0x80, s22, s20, $0xb8;
	[tilespmem:$0x1E000] =	vst v63  }
0x11d: {  	s22 =	smov.u32 s19;
	s19 =	sadd.s32 $0xA00, s19;
	_ =	swait.ge [sflag:s31], $0x1000  }
0x11e: {  	s22 =	sshra.s32 s22, $0x2;
	p0 =	sne.s32 s19, $0x8C00;
	[sflag:s31] =	ssyncset.done $0x0  }
0x11f: {  	s24 =	sadd.s32 $0x2800, s22;
	[sflag:s31] =	ssyncadd.s32 $0xFFFFF000  }
0x120: {  	[spmem:s2] =	stream.indirect.scatter.add.f32 [tilespmem:s21], [sflag:$0x6], $0x80, s24, s20, $0xb8;
	[tilespmem:$0x1E000] =	vst v63  }
0x121: {  	_ =	swait.ge [sflag:s18], $0x1000  }
0x122: {  	[sflag:s18] =	ssyncset.done $0x0  }
0x123: {  	s24 =	sadd.s32 $0x280, s22;
	[sflag:s18] =	ssyncadd.s32 $0xFFFFF000  }
0x124: {  	[tilespmem:s21], [sflag:$0x1] =	stream.indirect.gather [hbm4b:s4+s20], $0x80, s24, s20, $0xb8;
	[tilespmem:$0x1E000] =	vst v63  }
0x125: {  	_ =	swait.ge [sflag:s0], $0x1000  }
0x126: {  	[sflag:s0] =	ssyncset.done $0x0  }
0x127: {  	s24 =	sadd.s32 $0x2880, s22;
	[sflag:s0] =	ssyncadd.s32 $0xFFFFF000  }
0x128: {  	[spmem:s2] =	stream.indirect.scatter.add.f32 [tilespmem:s23], [sflag:$0x6], $0x80, s24, s20, $0xb8;
	[tilespmem:$0x1E000] =	vst v63  }
0x129: {  	_ =	swait.ge [sflag:s18], $0x1000  }
0x12a: {  	[sflag:s18] =	ssyncset.done $0x0  }
0x12b: {  	s24 =	sadd.s32 $0x300, s22;
	[sflag:s18] =	ssyncadd.s32 $0xFFFFF000  }
0x12c: {  	[tilespmem:s23], [sflag:$0x2] =	stream.indirect.gather [hbm4b:s4+s20], $0x80, s24, s20, $0xb8;
	[tilespmem:$0x1E000] =	vst v63  }
0x12d: {  	_ =	swait.ge [sflag:s1], $0x1000  }
0x12e: {  	[sflag:s1] =	ssyncset.done $0x0  }
0x12f: {  	s24 =	sadd.s32 $0x2900, s22;
	[sflag:s1] =	ssyncadd.s32 $0xFFFFF000  }
0x130: {  	[spmem:s2] =	stream.indirect.scatter.add.f32 [tilespmem:s25], [sflag:$0x6], $0x80, s24, s20, $0xb8;
	[tilespmem:$0x1E000] =	vst v63  }
0x131: {  	_ =	swait.ge [sflag:s18], $0x1000  }
0x132: {  	[sflag:s18] =	ssyncset.done $0x0  }
0x133: {  	s24 =	sadd.s32 $0x380, s22;
	[sflag:s18] =	ssyncadd.s32 $0xFFFFF000  }
0x134: {  	[tilespmem:s25], [sflag:$0x3] =	stream.indirect.gather [hbm4b:s4+s20], $0x80, s24, s20, $0xb8;
	[tilespmem:$0x1E000] =	vst v63  }
0x135: {  	_ =	swait.ge [sflag:s5], $0x1000  }
0x136: {  	[sflag:s5] =	ssyncset.done $0x0  }
0x137: {  	s24 =	sadd.s32 $0x2980, s22;
	[sflag:s5] =	ssyncadd.s32 $0xFFFFF000  }
0x138: {  	[spmem:s2] =	stream.indirect.scatter.add.f32 [tilespmem:s28], [sflag:$0x6], $0x80, s24, s20, $0xb8;
	[tilespmem:$0x1E000] =	vst v63  }
0x139: {  	_ =	swait.ge [sflag:s18], $0x1000  }
0x13a: {  	[sflag:s18] =	ssyncset.done $0x0  }
0x13b: {  	s24 =	sadd.s32 $0x400, s22;
	[sflag:s18] =	ssyncadd.s32 $0xFFFFF000  }
0x13c: {  	[tilespmem:s28], [sflag:$0x4] =	stream.indirect.gather [hbm4b:s4+s20], $0x80, s24, s20, $0xb8;
	[tilespmem:$0x1E000] =	vst v63  }
0x13d: {  	_ =	swait.ge [sflag:s7], $0x1000  }
0x13e: {  	[sflag:s7] =	ssyncset.done $0x0  }
.Ltmp1:
0x13f: {  	s24 =	sadd.s32 $0x2A00, s22;
	[sflag:s7] =	ssyncadd.s32 $0xFFFFF000;
	(pc) =	sbr.rel @p0 .LBB2_4-.Ltmp1, $4  }
0x140: {  	[spmem:s2] =	stream.indirect.scatter.add.f32 [tilespmem:s30], [sflag:$0x6], $0x80, s24, s20, $0xb8;
	[tilespmem:$0x1E000] =	vst v63  }
0x141: {  	_ =	swait.ge [sflag:s18], $0x1000  }
0x142: {  	[sflag:s18] =	ssyncset.done $0x0  }
0x143: {  	s22 =	sadd.s32 $0x480, s22;
	[sflag:s18] =	ssyncadd.s32 $0xFFFFF000  }
0x144: {  	[tilespmem:s30], [sflag:$0x5] =	stream.indirect.gather [hbm4b:s4+s20], $0x80, s22, s20, $0xb8;
	[tilespmem:$0x1E000] =	vst v63  }
0x145: {  	_ =	swait.ge [sflag:s31], $0x1000  }
0x146: {  	s19 =	sshra.s32 s19, $0x2;
	[sflag:s31] =	ssyncset.done $0x0  }
0x147: {  	s24 =	sadd.s32 $0x2800, s19;
	[sflag:s31] =	ssyncadd.s32 $0xFFFFF000  }
0x148: {  	[spmem:s2] =	stream.indirect.scatter.add.f32 [tilespmem:s21], [sflag:$0x6], $0x80, s24, s20, $0xb8;
	[tilespmem:$0x1E000] =	vst v63  }
0x149: {  	_ =	swait.ge [sflag:s18], $0x1000  }
0x14a: {  	[sflag:s18] =	ssyncset.done $0x0  }
0x14b: {  	[sflag:s18] =	ssyncadd.s32 $0xFFFFF000  }
0x14c: {  	[tilespmem:s21], [sflag:$0x1] =	stream.indirect.gather [hbm4b:s4+s20], $0x80, s8, s20, $0xb8;
	[tilespmem:$0x1E000] =	vst v63  }
0x14d: {  	_ =	swait.ge [sflag:s0], $0x1000  }
0x14e: {  	[sflag:s0] =	ssyncset.done $0x0  }
0x14f: {  	s24 =	sadd.s32 $0x2880, s19;
	[sflag:s0] =	ssyncadd.s32 $0xFFFFF000  }
0x150: {  	[spmem:s2] =	stream.indirect.scatter.add.f32 [tilespmem:s23], [sflag:$0x6], $0x80, s24, s20, $0xb8;
	[tilespmem:$0x1E000] =	vst v63  }
0x151: {  	_ =	swait.ge [sflag:s18], $0x1000  }
0x152: {  	[sflag:s18] =	ssyncset.done $0x0  }
0x153: {  	[sflag:s18] =	ssyncadd.s32 $0xFFFFF000  }
0x154: {  	[tilespmem:s23], [sflag:$0x2] =	stream.indirect.gather [hbm4b:s4+s20], $0x80, s9, s20, $0xb8;
	[tilespmem:$0x1E000] =	vst v63  }
0x155: {  	_ =	swait.ge [sflag:s1], $0x1000  }
0x156: {  	[sflag:s1] =	ssyncset.done $0x0  }
0x157: {  	s24 =	sadd.s32 $0x2900, s19;
	[sflag:s1] =	ssyncadd.s32 $0xFFFFF000  }
0x158: {  	[spmem:s2] =	stream.indirect.scatter.add.f32 [tilespmem:s25], [sflag:$0x6], $0x80, s24, s20, $0xb8;
	[tilespmem:$0x1E000] =	vst v63  }
0x159: {  	_ =	swait.ge [sflag:s18], $0x1000  }
0x15a: {  	[sflag:s18] =	ssyncset.done $0x0  }
0x15b: {  	[sflag:s18] =	ssyncadd.s32 $0xFFFFF000  }
0x15c: {  	[tilespmem:s25], [sflag:$0x3] =	stream.indirect.gather [hbm4b:s4+s20], $0x80, s10, s20, $0xb8;
	[tilespmem:$0x1E000] =	vst v63  }
0x15d: {  	_ =	swait.ge [sflag:s5], $0x1000  }
0x15e: {  	[sflag:s5] =	ssyncset.done $0x0  }
0x15f: {  	s24 =	sadd.s32 $0x2980, s19;
	[sflag:s5] =	ssyncadd.s32 $0xFFFFF000  }
0x160: {  	[spmem:s2] =	stream.indirect.scatter.add.f32 [tilespmem:s28], [sflag:$0x6], $0x80, s24, s20, $0xb8;
	[tilespmem:$0x1E000] =	vst v63  }
0x161: {  	_ =	swait.ge [sflag:s18], $0x1000  }
0x162: {  	[sflag:s18] =	ssyncset.done $0x0  }
0x163: {  	[sflag:s18] =	ssyncadd.s32 $0xFFFFF000  }
0x164: {  	[tilespmem:s28], [sflag:$0x4] =	stream.indirect.gather [hbm4b:s4+s20], $0x80, s11, s20, $0xb8;
	[tilespmem:$0x1E000] =	vst v63  }
0x165: {  	_ =	swait.ge [sflag:s7], $0x1000  }
0x166: {  	[sflag:s7] =	ssyncset.done $0x0  }
0x167: {  	s19 =	sadd.s32 $0x2A00, s19;
	[sflag:s7] =	ssyncadd.s32 $0xFFFFF000  }
0x168: {  	[spmem:s2] =	stream.indirect.scatter.add.f32 [tilespmem:s30], [sflag:$0x6], $0x80, s19, s20, $0xb8;
	[tilespmem:$0x1E000] =	vst v63  }
0x169: {  	_ =	swait.ge [sflag:s18], $0x1000  }
0x16a: {  	[sflag:s18] =	ssyncset.done $0x0  }
0x16b: {  	[sflag:s18] =	ssyncadd.s32 $0xFFFFF000  }
0x16c: {  	[tilespmem:s30], [sflag:$0x5] =	stream.indirect.gather [hbm4b:s4+s20], $0x80, s12, s20, $0xb8;
	[tilespmem:$0x1E000] =	vst v63  }
0x16d: {  	_ =	swait.ge [sflag:s31], $0x1000  }
0x16e: {  	[sflag:s31] =	ssyncset.done $0x0  }
0x16f: {  	[sflag:s31] =	ssyncadd.s32 $0xFFFFF000  }
0x170: {  	[spmem:s2] =	stream.indirect.scatter.add.f32 [tilespmem:s21], [sflag:$0x6], $0x80, s13, s20, $0xb8;
	[tilespmem:$0x1E000] =	vst v63  }
0x171: {  	_ =	swait.ge [sflag:s18], $0x1000  }
0x172: {  	[sflag:s18] =	ssyncset.done $0x0  }
0x173: {  	[sflag:s18] =	ssyncadd.s32 $0xFFFFF000  }
0x174: {  	[tilespmem:s21], [sflag:$0x1] =	stream.indirect.gather [hbm4b:s4+s20], $0x80, s12, s20, $0xb8;
	[tilespmem:$0x1E000] =	vst v63  }
0x175: {  	_ =	swait.ge [sflag:s0], $0x1000  }
0x176: {  	[sflag:s0] =	ssyncset.done $0x0  }
0x177: {  	[sflag:s0] =	ssyncadd.s32 $0xFFFFF000  }
0x178: {  	[spmem:s2] =	stream.indirect.scatter.add.f32 [tilespmem:s23], [sflag:$0x6], $0x80, s14, s20, $0xb8;
	[tilespmem:$0x1E000] =	vst v63  }
0x179: {  	_ =	swait.ge [sflag:s18], $0x1000  }
0x17a: {  	[sflag:s18] =	ssyncset.done $0x0  }
0x17b: {  	[sflag:s18] =	ssyncadd.s32 $0xFFFFF000  }
0x17c: {  	[tilespmem:s23], [sflag:$0x2] =	stream.indirect.gather [hbm4b:s4+s20], $0x80, s12, s20, $0xb8;
	[tilespmem:$0x1E000] =	vst v63  }
0x17d: {  	_ =	swait.ge [sflag:s1], $0x1000  }
0x17e: {  	[sflag:s1] =	ssyncset.done $0x0  }
0x17f: {  	[sflag:s1] =	ssyncadd.s32 $0xFFFFF000  }
0x180: {  	[spmem:s2] =	stream.indirect.scatter.add.f32 [tilespmem:s25], [sflag:$0x6], $0x80, s15, s20, $0xb8;
	[tilespmem:$0x1E000] =	vst v63  }
0x181: {  	_ =	swait.ge [sflag:s18], $0x1000  }
0x182: {  	[sflag:s18] =	ssyncset.done $0x0  }
0x183: {  	[sflag:s18] =	ssyncadd.s32 $0xFFFFF000  }
0x184: {  	[tilespmem:s25], [sflag:$0x3] =	stream.indirect.gather [hbm4b:s4+s20], $0x80, s12, s20, $0xb8;
	[tilespmem:$0x1E000] =	vst v63  }
0x185: {  	_ =	swait.ge [sflag:s5], $0x1000  }
0x186: {  	[sflag:s5] =	ssyncset.done $0x0  }
0x187: {  	[sflag:s5] =	ssyncadd.s32 $0xFFFFF000  }
0x188: {  	[spmem:s2] =	stream.indirect.scatter.add.f32 [tilespmem:s28], [sflag:$0x6], $0x80, s16, s20, $0xb8;
	[tilespmem:$0x1E000] =	vst v63  }
0x189: {  	_ =	swait.ge [sflag:s18], $0x1000  }
0x18a: {  	[sflag:s18] =	ssyncset.done $0x0  }
0x18b: {  	[sflag:s18] =	ssyncadd.s32 $0xFFFFF000  }
0x18c: {  	[tilespmem:s28], [sflag:$0x4] =	stream.indirect.gather [hbm4b:s4+s20], $0x80, s12, s20, $0xb8;
	[tilespmem:$0x1E000] =	vst v63  }
0x18d: {  	_ =	swait.ge [sflag:s7], $0x1000  }
0x18e: {  	[sflag:s7] =	ssyncset.done $0x0  }
0x18f: {  	[sflag:s7] =	ssyncadd.s32 $0xFFFFF000  }
0x190: {  	[spmem:s2] =	stream.indirect.scatter.add.f32 [tilespmem:s30], [sflag:$0x6], $0x80, s3, s20, $0xb8;
	[tilespmem:$0x1E000] =	vst v63  }
0x191: {  	_ =	swait.ge [sflag:s18], $0x1000  }
0x192: {  	[sflag:s18] =	ssyncset.done $0x0  }
0x193: {  	[sflag:s18] =	ssyncadd.s32 $0xFFFFF000  }
0x194: {  	[tilespmem:s30], [sflag:$0x5] =	stream.indirect.gather [hbm4b:s4+s20], $0x80, s12, s20, $0xb8;
	[tilespmem:$0x1E000] =	vst v63  }
0x195: {  	_ =	swait.ge [sflag:s31], $0x1000  }
0x196: {  	[sflag:s31] =	ssyncset.done $0x0  }
0x197: {  	[sflag:s31] =	ssyncadd.s32 $0xFFFFF000  }
0x198: {  	_ =	swait.ge [sflag:s0], $0x1000  }
0x199: {  	[sflag:s0] =	ssyncset.done $0x0  }
0x19a: {  	[sflag:s0] =	ssyncadd.s32 $0xFFFFF000  }
0x19b: {  	_ =	swait.ge [sflag:s1], $0x1000  }
0x19c: {  	[sflag:s1] =	ssyncset.done $0x0  }
0x19d: {  	[sflag:s1] =	ssyncadd.s32 $0xFFFFF000  }
0x19e: {  	_ =	swait.ge [sflag:s5], $0x1000  }
0x19f: {  	[sflag:s5] =	ssyncset.done $0x0  }
0x1a0: {  	[sflag:s5] =	ssyncadd.s32 $0xFFFFF000  }
0x1a1: {  	_ =	swait.ge [sflag:s7], $0x1000  }
0x1a2: {  	[sflag:s7] =	ssyncset.done $0x0  }
0x1a3: {  	s19 =	simm.s32 $0x0;
	s24 =	rddreg [dreg:$0x8];
	[sflag:s7] =	ssyncadd.s32 $0xFFFFF000  }
0x1a4: {  	[tilespmem:s19], [sflag:$0x6] =	stream.linear.gather [hbm4b:s24+s19], $0x2800, $0x38;
	[tilespmem:$0x1E000] =	vst v63  }
0x1a5: {  	_ =	swait.ge [sflag:s18], $0x2800  }
0x1a6: {  	[sflag:s18] =	ssyncset.done $0x0  }
0x1a7: {  	s24 =	simm.s32 $0x2800;
	s22 =	rddreg [dreg:$0x9];
	[sflag:s18] =	ssyncadd.s32 $0xFFFFD800  }
0x1a8: {  	[tilespmem:s24], [sflag:$0x6] =	stream.linear.gather [hbm4b:s22+s19], $0x2800, $0x38;
	[tilespmem:$0x1E000] =	vst v63  }
0x1a9: {  	_ =	swait.ge [sflag:s18], $0x2800  }
0x1aa: {  	[sflag:s18] =	ssyncset.done $0x0  }
0x1ab: {  	[sflag:s18] =	ssyncadd.s32 $0xFFFFD800  }
0x1ac: {  	[tilespmem:s21], [sflag:$0x1] =	stream.indirect.gather [hbm4b:s4+s20], $0x80, s19, s20, $0xb8;
	[tilespmem:$0x1E000] =	vst v63  }
0x1ad: {  	s22 =	simm.s32 $0x80  }
0x1ae: {  	[tilespmem:s23], [sflag:$0x2] =	stream.indirect.gather [hbm4b:s4+s20], $0x80, s22, s20, $0xb8;
	[tilespmem:$0x1E000] =	vst v63  }
0x1af: {  	s24 =	simm.s32 $0x100  }
0x1b0: {  	[tilespmem:s25], [sflag:$0x3] =	stream.indirect.gather [hbm4b:s4+s20], $0x80, s24, s20, $0xb8;
	[tilespmem:$0x1E000] =	vst v63  }
0x1b1: {  	s22 =	simm.s32 $0x180  }
0x1b2: {  	[tilespmem:s28], [sflag:$0x4] =	stream.indirect.gather [hbm4b:s4+s20], $0x80, s22, s20, $0xb8;
	[tilespmem:$0x1E000] =	vst v63  }
0x1b3: {  	_ = 	snop  }
0x1b4: {  	[tilespmem:s30], [sflag:$0x5] =	stream.indirect.gather [hbm4b:s4+s20], $0x80, s29, s20, $0xb8;
	[tilespmem:$0x1E000] =	vst v63  }
0x1b5: {  	_ =	swait.ge [sflag:s31], $0x1000  }
0x1b6: {  	[sflag:s31] =	ssyncset.done $0x0  }
0x1b7: {  	s24 =	simm.s32 $0x2800;
	[sflag:s31] =	ssyncadd.s32 $0xFFFFF000  }
0x1b8: {  	[spmem:s2] =	stream.indirect.scatter.add.f32 [tilespmem:s21], [sflag:$0x6], $0x80, s24, s20, $0xb8;
	[tilespmem:$0x1E000] =	vst v63  }
0x1b9: {  	_ =	swait.ge [sflag:s18], $0x1000  }
0x1ba: {  	[sflag:s18] =	ssyncset.done $0x0  }
0x1bb: {  	s22 =	simm.s32 $0x280;
	[sflag:s18] =	ssyncadd.s32 $0xFFFFF000  }
0x1bc: {  	[tilespmem:s21], [sflag:$0x1] =	stream.indirect.gather [hbm4b:s4+s20], $0x80, s22, s20, $0xb8;
	[tilespmem:$0x1E000] =	vst v63  }
0x1bd: {  	_ =	swait.ge [sflag:s0], $0x1000  }
0x1be: {  	[sflag:s0] =	ssyncset.done $0x0  }
0x1bf: {  	s24 =	simm.s32 $0x2880;
	[sflag:s0] =	ssyncadd.s32 $0xFFFFF000  }
0x1c0: {  	[spmem:s2] =	stream.indirect.scatter.add.f32 [tilespmem:s23], [sflag:$0x6], $0x80, s24, s20, $0xb8;
	[tilespmem:$0x1E000] =	vst v63  }
0x1c1: {  	_ =	swait.ge [sflag:s18], $0x1000  }
0x1c2: {  	[sflag:s18] =	ssyncset.done $0x0  }
0x1c3: {  	s22 =	simm.s32 $0x300;
	[sflag:s18] =	ssyncadd.s32 $0xFFFFF000  }
0x1c4: {  	[tilespmem:s23], [sflag:$0x2] =	stream.indirect.gather [hbm4b:s4+s20], $0x80, s22, s20, $0xb8;
	[tilespmem:$0x1E000] =	vst v63  }
0x1c5: {  	_ =	swait.ge [sflag:s1], $0x1000  }
0x1c6: {  	[sflag:s1] =	ssyncset.done $0x0  }
0x1c7: {  	s24 =	simm.s32 $0x2900;
	[sflag:s1] =	ssyncadd.s32 $0xFFFFF000  }
0x1c8: {  	[spmem:s2] =	stream.indirect.scatter.add.f32 [tilespmem:s25], [sflag:$0x6], $0x80, s24, s20, $0xb8;
	[tilespmem:$0x1E000] =	vst v63  }
0x1c9: {  	_ =	swait.ge [sflag:s18], $0x1000  }
0x1ca: {  	[sflag:s18] =	ssyncset.done $0x0  }
0x1cb: {  	s22 =	simm.s32 $0x380;
	[sflag:s18] =	ssyncadd.s32 $0xFFFFF000  }
0x1cc: {  	[tilespmem:s25], [sflag:$0x3] =	stream.indirect.gather [hbm4b:s4+s20], $0x80, s22, s20, $0xb8;
	[tilespmem:$0x1E000] =	vst v63  }
0x1cd: {  	_ =	swait.ge [sflag:s5], $0x1000  }
0x1ce: {  	[sflag:s5] =	ssyncset.done $0x0  }
0x1cf: {  	s24 =	simm.s32 $0x2980;
	[sflag:s5] =	ssyncadd.s32 $0xFFFFF000  }
0x1d0: {  	[spmem:s2] =	stream.indirect.scatter.add.f32 [tilespmem:s28], [sflag:$0x6], $0x80, s24, s20, $0xb8;
	[tilespmem:$0x1E000] =	vst v63  }
0x1d1: {  	_ =	swait.ge [sflag:s18], $0x1000  }
0x1d2: {  	[sflag:s18] =	ssyncset.done $0x0  }
0x1d3: {  	s22 =	simm.s32 $0x400;
	[sflag:s18] =	ssyncadd.s32 $0xFFFFF000  }
0x1d4: {  	[tilespmem:s28], [sflag:$0x4] =	stream.indirect.gather [hbm4b:s4+s20], $0x80, s22, s20, $0xb8;
	[tilespmem:$0x1E000] =	vst v63  }
0x1d5: {  	_ =	swait.ge [sflag:s7], $0x1000  }
0x1d6: {  	[sflag:s7] =	ssyncset.done $0x0  }
0x1d7: {  	s24 =	simm.s32 $0x2A00;
	[sflag:s7] =	ssyncadd.s32 $0xFFFFF000  }
0x1d8: {  	[spmem:s2] =	stream.indirect.scatter.add.f32 [tilespmem:s30], [sflag:$0x6], $0x80, s24, s20, $0xb8;
	[tilespmem:$0x1E000] =	vst v63  }
0x1d9: {  	_ =	swait.ge [sflag:s18], $0x1000  }
0x1da: {  	[sflag:s18] =	ssyncset.done $0x0  }
0x1db: {  	s19 =	simm.s32 $0xA00;
	s22 =	simm.s32 $0x480;
	[sflag:s18] =	ssyncadd.s32 $0xFFFFF000  }
.LBB2_6:
0x1dc: {  	[tilespmem:s30], [sflag:$0x5] =	stream.indirect.gather [hbm4b:s4+s20], $0x80, s22, s20, $0xb8;
	[tilespmem:$0x1E000] =	vst v63  }
0x1dd: {  	s22 =	smov.u32 s19;
	s19 =	sadd.s32 $0xA00, s19;
	_ =	swait.ge [sflag:s31], $0x1000  }
0x1de: {  	s22 =	sshra.s32 s22, $0x2;
	p0 =	sne.s32 s19, $0x8C00;
	[sflag:s31] =	ssyncset.done $0x0  }
0x1df: {  	s24 =	sadd.s32 $0x2800, s22;
	[sflag:s31] =	ssyncadd.s32 $0xFFFFF000  }
0x1e0: {  	[spmem:s2] =	stream.indirect.scatter.add.f32 [tilespmem:s21], [sflag:$0x6], $0x80, s24, s20, $0xb8;
	[tilespmem:$0x1E000] =	vst v63  }
0x1e1: {  	_ =	swait.ge [sflag:s18], $0x1000  }
0x1e2: {  	[sflag:s18] =	ssyncset.done $0x0  }
0x1e3: {  	s24 =	sadd.s32 $0x280, s22;
	[sflag:s18] =	ssyncadd.s32 $0xFFFFF000  }
0x1e4: {  	[tilespmem:s21], [sflag:$0x1] =	stream.indirect.gather [hbm4b:s4+s20], $0x80, s24, s20, $0xb8;
	[tilespmem:$0x1E000] =	vst v63  }
0x1e5: {  	_ =	swait.ge [sflag:s0], $0x1000  }
0x1e6: {  	[sflag:s0] =	ssyncset.done $0x0  }
0x1e7: {  	s24 =	sadd.s32 $0x2880, s22;
	[sflag:s0] =	ssyncadd.s32 $0xFFFFF000  }
0x1e8: {  	[spmem:s2] =	stream.indirect.scatter.add.f32 [tilespmem:s23], [sflag:$0x6], $0x80, s24, s20, $0xb8;
	[tilespmem:$0x1E000] =	vst v63  }
0x1e9: {  	_ =	swait.ge [sflag:s18], $0x1000  }
0x1ea: {  	[sflag:s18] =	ssyncset.done $0x0  }
0x1eb: {  	s24 =	sadd.s32 $0x300, s22;
	[sflag:s18] =	ssyncadd.s32 $0xFFFFF000  }
0x1ec: {  	[tilespmem:s23], [sflag:$0x2] =	stream.indirect.gather [hbm4b:s4+s20], $0x80, s24, s20, $0xb8;
	[tilespmem:$0x1E000] =	vst v63  }
0x1ed: {  	_ =	swait.ge [sflag:s1], $0x1000  }
0x1ee: {  	[sflag:s1] =	ssyncset.done $0x0  }
0x1ef: {  	s24 =	sadd.s32 $0x2900, s22;
	[sflag:s1] =	ssyncadd.s32 $0xFFFFF000  }
0x1f0: {  	[spmem:s2] =	stream.indirect.scatter.add.f32 [tilespmem:s25], [sflag:$0x6], $0x80, s24, s20, $0xb8;
	[tilespmem:$0x1E000] =	vst v63  }
0x1f1: {  	_ =	swait.ge [sflag:s18], $0x1000  }
0x1f2: {  	[sflag:s18] =	ssyncset.done $0x0  }
0x1f3: {  	s24 =	sadd.s32 $0x380, s22;
	[sflag:s18] =	ssyncadd.s32 $0xFFFFF000  }
0x1f4: {  	[tilespmem:s25], [sflag:$0x3] =	stream.indirect.gather [hbm4b:s4+s20], $0x80, s24, s20, $0xb8;
	[tilespmem:$0x1E000] =	vst v63  }
0x1f5: {  	_ =	swait.ge [sflag:s5], $0x1000  }
0x1f6: {  	[sflag:s5] =	ssyncset.done $0x0  }
0x1f7: {  	s24 =	sadd.s32 $0x2980, s22;
	[sflag:s5] =	ssyncadd.s32 $0xFFFFF000  }
0x1f8: {  	[spmem:s2] =	stream.indirect.scatter.add.f32 [tilespmem:s28], [sflag:$0x6], $0x80, s24, s20, $0xb8;
	[tilespmem:$0x1E000] =	vst v63  }
0x1f9: {  	_ =	swait.ge [sflag:s18], $0x1000  }
0x1fa: {  	[sflag:s18] =	ssyncset.done $0x0  }
0x1fb: {  	s24 =	sadd.s32 $0x400, s22;
	[sflag:s18] =	ssyncadd.s32 $0xFFFFF000  }
0x1fc: {  	[tilespmem:s28], [sflag:$0x4] =	stream.indirect.gather [hbm4b:s4+s20], $0x80, s24, s20, $0xb8;
	[tilespmem:$0x1E000] =	vst v63  }
0x1fd: {  	_ =	swait.ge [sflag:s7], $0x1000  }
0x1fe: {  	[sflag:s7] =	ssyncset.done $0x0  }
.Ltmp2:
0x1ff: {  	s24 =	sadd.s32 $0x2A00, s22;
	[sflag:s7] =	ssyncadd.s32 $0xFFFFF000;
	(pc) =	sbr.rel @p0 .LBB2_6-.Ltmp2, $4  }
0x200: {  	[spmem:s2] =	stream.indirect.scatter.add.f32 [tilespmem:s30], [sflag:$0x6], $0x80, s24, s20, $0xb8;
	[tilespmem:$0x1E000] =	vst v63  }
0x201: {  	_ =	swait.ge [sflag:s18], $0x1000  }
0x202: {  	[sflag:s18] =	ssyncset.done $0x0  }
0x203: {  	s22 =	sadd.s32 $0x480, s22;
	[sflag:s18] =	ssyncadd.s32 $0xFFFFF000  }
0x204: {  	[tilespmem:s30], [sflag:$0x5] =	stream.indirect.gather [hbm4b:s4+s20], $0x80, s22, s20, $0xb8;
	[tilespmem:$0x1E000] =	vst v63  }
0x205: {  	_ =	swait.ge [sflag:s31], $0x1000  }
0x206: {  	s19 =	sshra.s32 s19, $0x2;
	[sflag:s31] =	ssyncset.done $0x0  }
0x207: {  	s24 =	sadd.s32 $0x2800, s19;
	[sflag:s31] =	ssyncadd.s32 $0xFFFFF000  }
0x208: {  	[spmem:s2] =	stream.indirect.scatter.add.f32 [tilespmem:s21], [sflag:$0x6], $0x80, s24, s20, $0xb8;
	[tilespmem:$0x1E000] =	vst v63  }
0x209: {  	_ =	swait.ge [sflag:s18], $0x1000  }
0x20a: {  	[sflag:s18] =	ssyncset.done $0x0  }
0x20b: {  	[sflag:s18] =	ssyncadd.s32 $0xFFFFF000  }
0x20c: {  	[tilespmem:s21], [sflag:$0x1] =	stream.indirect.gather [hbm4b:s4+s20], $0x80, s8, s20, $0xb8;
	[tilespmem:$0x1E000] =	vst v63  }
0x20d: {  	_ =	swait.ge [sflag:s0], $0x1000  }
0x20e: {  	[sflag:s0] =	ssyncset.done $0x0  }
0x20f: {  	s24 =	sadd.s32 $0x2880, s19;
	[sflag:s0] =	ssyncadd.s32 $0xFFFFF000  }
0x210: {  	[spmem:s2] =	stream.indirect.scatter.add.f32 [tilespmem:s23], [sflag:$0x6], $0x80, s24, s20, $0xb8;
	[tilespmem:$0x1E000] =	vst v63  }
0x211: {  	_ =	swait.ge [sflag:s18], $0x1000  }
0x212: {  	[sflag:s18] =	ssyncset.done $0x0  }
0x213: {  	[sflag:s18] =	ssyncadd.s32 $0xFFFFF000  }
0x214: {  	[tilespmem:s23], [sflag:$0x2] =	stream.indirect.gather [hbm4b:s4+s20], $0x80, s9, s20, $0xb8;
	[tilespmem:$0x1E000] =	vst v63  }
0x215: {  	_ =	swait.ge [sflag:s1], $0x1000  }
0x216: {  	[sflag:s1] =	ssyncset.done $0x0  }
0x217: {  	s24 =	sadd.s32 $0x2900, s19;
	[sflag:s1] =	ssyncadd.s32 $0xFFFFF000  }
0x218: {  	[spmem:s2] =	stream.indirect.scatter.add.f32 [tilespmem:s25], [sflag:$0x6], $0x80, s24, s20, $0xb8;
	[tilespmem:$0x1E000] =	vst v63  }
0x219: {  	_ =	swait.ge [sflag:s18], $0x1000  }
0x21a: {  	[sflag:s18] =	ssyncset.done $0x0  }
0x21b: {  	[sflag:s18] =	ssyncadd.s32 $0xFFFFF000  }
0x21c: {  	[tilespmem:s25], [sflag:$0x3] =	stream.indirect.gather [hbm4b:s4+s20], $0x80, s10, s20, $0xb8;
	[tilespmem:$0x1E000] =	vst v63  }
0x21d: {  	_ =	swait.ge [sflag:s5], $0x1000  }
0x21e: {  	[sflag:s5] =	ssyncset.done $0x0  }
0x21f: {  	s24 =	sadd.s32 $0x2980, s19;
	[sflag:s5] =	ssyncadd.s32 $0xFFFFF000  }
0x220: {  	[spmem:s2] =	stream.indirect.scatter.add.f32 [tilespmem:s28], [sflag:$0x6], $0x80, s24, s20, $0xb8;
	[tilespmem:$0x1E000] =	vst v63  }
0x221: {  	_ =	swait.ge [sflag:s18], $0x1000  }
0x222: {  	[sflag:s18] =	ssyncset.done $0x0  }
0x223: {  	[sflag:s18] =	ssyncadd.s32 $0xFFFFF000  }
0x224: {  	[tilespmem:s28], [sflag:$0x4] =	stream.indirect.gather [hbm4b:s4+s20], $0x80, s11, s20, $0xb8;
	[tilespmem:$0x1E000] =	vst v63  }
0x225: {  	_ =	swait.ge [sflag:s7], $0x1000  }
0x226: {  	[sflag:s7] =	ssyncset.done $0x0  }
0x227: {  	s19 =	sadd.s32 $0x2A00, s19;
	[sflag:s7] =	ssyncadd.s32 $0xFFFFF000  }
0x228: {  	[spmem:s2] =	stream.indirect.scatter.add.f32 [tilespmem:s30], [sflag:$0x6], $0x80, s19, s20, $0xb8;
	[tilespmem:$0x1E000] =	vst v63  }
0x229: {  	_ =	swait.ge [sflag:s18], $0x1000  }
0x22a: {  	[sflag:s18] =	ssyncset.done $0x0  }
0x22b: {  	[sflag:s18] =	ssyncadd.s32 $0xFFFFF000  }
0x22c: {  	[tilespmem:s30], [sflag:$0x5] =	stream.indirect.gather [hbm4b:s4+s20], $0x80, s12, s20, $0xb8;
	[tilespmem:$0x1E000] =	vst v63  }
0x22d: {  	_ =	swait.ge [sflag:s31], $0x1000  }
0x22e: {  	[sflag:s31] =	ssyncset.done $0x0  }
0x22f: {  	[sflag:s31] =	ssyncadd.s32 $0xFFFFF000  }
0x230: {  	[spmem:s2] =	stream.indirect.scatter.add.f32 [tilespmem:s21], [sflag:$0x6], $0x80, s13, s20, $0xb8;
	[tilespmem:$0x1E000] =	vst v63  }
0x231: {  	_ =	swait.ge [sflag:s18], $0x1000  }
0x232: {  	[sflag:s18] =	ssyncset.done $0x0  }
0x233: {  	[sflag:s18] =	ssyncadd.s32 $0xFFFFF000  }
0x234: {  	[tilespmem:s21], [sflag:$0x1] =	stream.indirect.gather [hbm4b:s4+s20], $0x80, s12, s20, $0xb8;
	[tilespmem:$0x1E000] =	vst v63  }
0x235: {  	_ =	swait.ge [sflag:s0], $0x1000  }
0x236: {  	[sflag:s0] =	ssyncset.done $0x0  }
0x237: {  	[sflag:s0] =	ssyncadd.s32 $0xFFFFF000  }
0x238: {  	[spmem:s2] =	stream.indirect.scatter.add.f32 [tilespmem:s23], [sflag:$0x6], $0x80, s14, s20, $0xb8;
	[tilespmem:$0x1E000] =	vst v63  }
0x239: {  	_ =	swait.ge [sflag:s18], $0x1000  }
0x23a: {  	[sflag:s18] =	ssyncset.done $0x0  }
0x23b: {  	[sflag:s18] =	ssyncadd.s32 $0xFFFFF000  }
0x23c: {  	[tilespmem:s23], [sflag:$0x2] =	stream.indirect.gather [hbm4b:s4+s20], $0x80, s12, s20, $0xb8;
	[tilespmem:$0x1E000] =	vst v63  }
0x23d: {  	_ =	swait.ge [sflag:s1], $0x1000  }
0x23e: {  	[sflag:s1] =	ssyncset.done $0x0  }
0x23f: {  	[sflag:s1] =	ssyncadd.s32 $0xFFFFF000  }
0x240: {  	[spmem:s2] =	stream.indirect.scatter.add.f32 [tilespmem:s25], [sflag:$0x6], $0x80, s15, s20, $0xb8;
	[tilespmem:$0x1E000] =	vst v63  }
0x241: {  	_ =	swait.ge [sflag:s18], $0x1000  }
0x242: {  	[sflag:s18] =	ssyncset.done $0x0  }
0x243: {  	[sflag:s18] =	ssyncadd.s32 $0xFFFFF000  }
0x244: {  	[tilespmem:s25], [sflag:$0x3] =	stream.indirect.gather [hbm4b:s4+s20], $0x80, s12, s20, $0xb8;
	[tilespmem:$0x1E000] =	vst v63  }
0x245: {  	_ =	swait.ge [sflag:s5], $0x1000  }
0x246: {  	[sflag:s5] =	ssyncset.done $0x0  }
0x247: {  	[sflag:s5] =	ssyncadd.s32 $0xFFFFF000  }
0x248: {  	[spmem:s2] =	stream.indirect.scatter.add.f32 [tilespmem:s28], [sflag:$0x6], $0x80, s16, s20, $0xb8;
	[tilespmem:$0x1E000] =	vst v63  }
0x249: {  	_ =	swait.ge [sflag:s18], $0x1000  }
0x24a: {  	[sflag:s18] =	ssyncset.done $0x0  }
0x24b: {  	[sflag:s18] =	ssyncadd.s32 $0xFFFFF000  }
0x24c: {  	[tilespmem:s28], [sflag:$0x4] =	stream.indirect.gather [hbm4b:s4+s20], $0x80, s12, s20, $0xb8;
	[tilespmem:$0x1E000] =	vst v63  }
0x24d: {  	_ =	swait.ge [sflag:s7], $0x1000  }
0x24e: {  	[sflag:s7] =	ssyncset.done $0x0  }
0x24f: {  	[sflag:s7] =	ssyncadd.s32 $0xFFFFF000  }
0x250: {  	[spmem:s2] =	stream.indirect.scatter.add.f32 [tilespmem:s30], [sflag:$0x6], $0x80, s3, s20, $0xb8;
	[tilespmem:$0x1E000] =	vst v63  }
0x251: {  	_ =	swait.ge [sflag:s18], $0x1000  }
0x252: {  	[sflag:s18] =	ssyncset.done $0x0  }
0x253: {  	[sflag:s18] =	ssyncadd.s32 $0xFFFFF000  }
0x254: {  	[tilespmem:s30], [sflag:$0x5] =	stream.indirect.gather [hbm4b:s4+s20], $0x80, s12, s20, $0xb8;
	[tilespmem:$0x1E000] =	vst v63  }
0x255: {  	_ =	swait.ge [sflag:s31], $0x1000  }
0x256: {  	[sflag:s31] =	ssyncset.done $0x0  }
0x257: {  	[sflag:s31] =	ssyncadd.s32 $0xFFFFF000  }
0x258: {  	_ =	swait.ge [sflag:s0], $0x1000  }
0x259: {  	[sflag:s0] =	ssyncset.done $0x0  }
0x25a: {  	[sflag:s0] =	ssyncadd.s32 $0xFFFFF000  }
0x25b: {  	_ =	swait.ge [sflag:s1], $0x1000  }
0x25c: {  	[sflag:s1] =	ssyncset.done $0x0  }
0x25d: {  	[sflag:s1] =	ssyncadd.s32 $0xFFFFF000  }
0x25e: {  	_ =	swait.ge [sflag:s5], $0x1000  }
0x25f: {  	[sflag:s5] =	ssyncset.done $0x0  }
0x260: {  	[sflag:s5] =	ssyncadd.s32 $0xFFFFF000  }
0x261: {  	_ =	swait.ge [sflag:s7], $0x1000  }
0x262: {  	[sflag:s7] =	ssyncset.done $0x0  }
0x263: {  	s19 =	simm.s32 $0x0;
	s24 =	rddreg [dreg:$0xa];
	[sflag:s7] =	ssyncadd.s32 $0xFFFFF000  }
0x264: {  	[tilespmem:s19], [sflag:$0x6] =	stream.linear.gather [hbm4b:s24+s19], $0x2800, $0x38;
	[tilespmem:$0x1E000] =	vst v63  }
0x265: {  	_ =	swait.ge [sflag:s18], $0x2800  }
0x266: {  	[sflag:s18] =	ssyncset.done $0x0  }
0x267: {  	s24 =	simm.s32 $0x2800;
	s22 =	rddreg [dreg:$0xb];
	[sflag:s18] =	ssyncadd.s32 $0xFFFFD800  }
0x268: {  	[tilespmem:s24], [sflag:$0x6] =	stream.linear.gather [hbm4b:s22+s19], $0x2800, $0x38;
	[tilespmem:$0x1E000] =	vst v63  }
0x269: {  	_ =	swait.ge [sflag:s18], $0x2800  }
0x26a: {  	[sflag:s18] =	ssyncset.done $0x0  }
0x26b: {  	[sflag:s18] =	ssyncadd.s32 $0xFFFFD800  }
0x26c: {  	[tilespmem:s21], [sflag:$0x1] =	stream.indirect.gather [hbm4b:s4+s20], $0x80, s19, s20, $0xb8;
	[tilespmem:$0x1E000] =	vst v63  }
0x26d: {  	s22 =	simm.s32 $0x80  }
0x26e: {  	[tilespmem:s23], [sflag:$0x2] =	stream.indirect.gather [hbm4b:s4+s20], $0x80, s22, s20, $0xb8;
	[tilespmem:$0x1E000] =	vst v63  }
0x26f: {  	s24 =	simm.s32 $0x100  }
0x270: {  	[tilespmem:s25], [sflag:$0x3] =	stream.indirect.gather [hbm4b:s4+s20], $0x80, s24, s20, $0xb8;
	[tilespmem:$0x1E000] =	vst v63  }
0x271: {  	s22 =	simm.s32 $0x180  }
0x272: {  	[tilespmem:s28], [sflag:$0x4] =	stream.indirect.gather [hbm4b:s4+s20], $0x80, s22, s20, $0xb8;
	[tilespmem:$0x1E000] =	vst v63  }
0x273: {  	_ = 	snop  }
0x274: {  	[tilespmem:s30], [sflag:$0x5] =	stream.indirect.gather [hbm4b:s4+s20], $0x80, s29, s20, $0xb8;
	[tilespmem:$0x1E000] =	vst v63  }
0x275: {  	_ =	swait.ge [sflag:s31], $0x1000  }
0x276: {  	[sflag:s31] =	ssyncset.done $0x0  }
0x277: {  	s24 =	simm.s32 $0x2800;
	[sflag:s31] =	ssyncadd.s32 $0xFFFFF000  }
0x278: {  	[spmem:s2] =	stream.indirect.scatter.add.f32 [tilespmem:s21], [sflag:$0x6], $0x80, s24, s20, $0xb8;
	[tilespmem:$0x1E000] =	vst v63  }
0x279: {  	_ =	swait.ge [sflag:s18], $0x1000  }
0x27a: {  	[sflag:s18] =	ssyncset.done $0x0  }
0x27b: {  	s22 =	simm.s32 $0x280;
	[sflag:s18] =	ssyncadd.s32 $0xFFFFF000  }
0x27c: {  	[tilespmem:s21], [sflag:$0x1] =	stream.indirect.gather [hbm4b:s4+s20], $0x80, s22, s20, $0xb8;
	[tilespmem:$0x1E000] =	vst v63  }
0x27d: {  	_ =	swait.ge [sflag:s0], $0x1000  }
0x27e: {  	[sflag:s0] =	ssyncset.done $0x0  }
0x27f: {  	s24 =	simm.s32 $0x2880;
	[sflag:s0] =	ssyncadd.s32 $0xFFFFF000  }
0x280: {  	[spmem:s2] =	stream.indirect.scatter.add.f32 [tilespmem:s23], [sflag:$0x6], $0x80, s24, s20, $0xb8;
	[tilespmem:$0x1E000] =	vst v63  }
0x281: {  	_ =	swait.ge [sflag:s18], $0x1000  }
0x282: {  	[sflag:s18] =	ssyncset.done $0x0  }
0x283: {  	s22 =	simm.s32 $0x300;
	[sflag:s18] =	ssyncadd.s32 $0xFFFFF000  }
0x284: {  	[tilespmem:s23], [sflag:$0x2] =	stream.indirect.gather [hbm4b:s4+s20], $0x80, s22, s20, $0xb8;
	[tilespmem:$0x1E000] =	vst v63  }
0x285: {  	_ =	swait.ge [sflag:s1], $0x1000  }
0x286: {  	[sflag:s1] =	ssyncset.done $0x0  }
0x287: {  	s24 =	simm.s32 $0x2900;
	[sflag:s1] =	ssyncadd.s32 $0xFFFFF000  }
0x288: {  	[spmem:s2] =	stream.indirect.scatter.add.f32 [tilespmem:s25], [sflag:$0x6], $0x80, s24, s20, $0xb8;
	[tilespmem:$0x1E000] =	vst v63  }
0x289: {  	_ =	swait.ge [sflag:s18], $0x1000  }
0x28a: {  	[sflag:s18] =	ssyncset.done $0x0  }
0x28b: {  	s22 =	simm.s32 $0x380;
	[sflag:s18] =	ssyncadd.s32 $0xFFFFF000  }
0x28c: {  	[tilespmem:s25], [sflag:$0x3] =	stream.indirect.gather [hbm4b:s4+s20], $0x80, s22, s20, $0xb8;
	[tilespmem:$0x1E000] =	vst v63  }
0x28d: {  	_ =	swait.ge [sflag:s5], $0x1000  }
0x28e: {  	[sflag:s5] =	ssyncset.done $0x0  }
0x28f: {  	s24 =	simm.s32 $0x2980;
	[sflag:s5] =	ssyncadd.s32 $0xFFFFF000  }
0x290: {  	[spmem:s2] =	stream.indirect.scatter.add.f32 [tilespmem:s28], [sflag:$0x6], $0x80, s24, s20, $0xb8;
	[tilespmem:$0x1E000] =	vst v63  }
0x291: {  	_ =	swait.ge [sflag:s18], $0x1000  }
0x292: {  	[sflag:s18] =	ssyncset.done $0x0  }
0x293: {  	s22 =	simm.s32 $0x400;
	[sflag:s18] =	ssyncadd.s32 $0xFFFFF000  }
0x294: {  	[tilespmem:s28], [sflag:$0x4] =	stream.indirect.gather [hbm4b:s4+s20], $0x80, s22, s20, $0xb8;
	[tilespmem:$0x1E000] =	vst v63  }
0x295: {  	_ =	swait.ge [sflag:s7], $0x1000  }
0x296: {  	[sflag:s7] =	ssyncset.done $0x0  }
0x297: {  	s24 =	simm.s32 $0x2A00;
	[sflag:s7] =	ssyncadd.s32 $0xFFFFF000  }
0x298: {  	[spmem:s2] =	stream.indirect.scatter.add.f32 [tilespmem:s30], [sflag:$0x6], $0x80, s24, s20, $0xb8;
	[tilespmem:$0x1E000] =	vst v63  }
0x299: {  	_ =	swait.ge [sflag:s18], $0x1000  }
0x29a: {  	[sflag:s18] =	ssyncset.done $0x0  }
0x29b: {  	s19 =	simm.s32 $0xA00;
	s22 =	simm.s32 $0x480;
	[sflag:s18] =	ssyncadd.s32 $0xFFFFF000  }
.LBB2_8:
0x29c: {  	[tilespmem:s30], [sflag:$0x5] =	stream.indirect.gather [hbm4b:s4+s20], $0x80, s22, s20, $0xb8;
	[tilespmem:$0x1E000] =	vst v63  }
0x29d: {  	s22 =	smov.u32 s19;
	s19 =	sadd.s32 $0xA00, s19;
	_ =	swait.ge [sflag:s31], $0x1000  }
0x29e: {  	s22 =	sshra.s32 s22, $0x2;
	p0 =	sne.s32 s19, $0x8C00;
	[sflag:s31] =	ssyncset.done $0x0  }
0x29f: {  	s24 =	sadd.s32 $0x2800, s22;
	[sflag:s31] =	ssyncadd.s32 $0xFFFFF000  }
0x2a0: {  	[spmem:s2] =	stream.indirect.scatter.add.f32 [tilespmem:s21], [sflag:$0x6], $0x80, s24, s20, $0xb8;
	[tilespmem:$0x1E000] =	vst v63  }
0x2a1: {  	_ =	swait.ge [sflag:s18], $0x1000  }
0x2a2: {  	[sflag:s18] =	ssyncset.done $0x0  }
0x2a3: {  	s24 =	sadd.s32 $0x280, s22;
	[sflag:s18] =	ssyncadd.s32 $0xFFFFF000  }
0x2a4: {  	[tilespmem:s21], [sflag:$0x1] =	stream.indirect.gather [hbm4b:s4+s20], $0x80, s24, s20, $0xb8;
	[tilespmem:$0x1E000] =	vst v63  }
0x2a5: {  	_ =	swait.ge [sflag:s0], $0x1000  }
0x2a6: {  	[sflag:s0] =	ssyncset.done $0x0  }
0x2a7: {  	s24 =	sadd.s32 $0x2880, s22;
	[sflag:s0] =	ssyncadd.s32 $0xFFFFF000  }
0x2a8: {  	[spmem:s2] =	stream.indirect.scatter.add.f32 [tilespmem:s23], [sflag:$0x6], $0x80, s24, s20, $0xb8;
	[tilespmem:$0x1E000] =	vst v63  }
0x2a9: {  	_ =	swait.ge [sflag:s18], $0x1000  }
0x2aa: {  	[sflag:s18] =	ssyncset.done $0x0  }
0x2ab: {  	s24 =	sadd.s32 $0x300, s22;
	[sflag:s18] =	ssyncadd.s32 $0xFFFFF000  }
0x2ac: {  	[tilespmem:s23], [sflag:$0x2] =	stream.indirect.gather [hbm4b:s4+s20], $0x80, s24, s20, $0xb8;
	[tilespmem:$0x1E000] =	vst v63  }
0x2ad: {  	_ =	swait.ge [sflag:s1], $0x1000  }
0x2ae: {  	[sflag:s1] =	ssyncset.done $0x0  }
0x2af: {  	s24 =	sadd.s32 $0x2900, s22;
	[sflag:s1] =	ssyncadd.s32 $0xFFFFF000  }
0x2b0: {  	[spmem:s2] =	stream.indirect.scatter.add.f32 [tilespmem:s25], [sflag:$0x6], $0x80, s24, s20, $0xb8;
	[tilespmem:$0x1E000] =	vst v63  }
0x2b1: {  	_ =	swait.ge [sflag:s18], $0x1000  }
0x2b2: {  	[sflag:s18] =	ssyncset.done $0x0  }
0x2b3: {  	s24 =	sadd.s32 $0x380, s22;
	[sflag:s18] =	ssyncadd.s32 $0xFFFFF000  }
0x2b4: {  	[tilespmem:s25], [sflag:$0x3] =	stream.indirect.gather [hbm4b:s4+s20], $0x80, s24, s20, $0xb8;
	[tilespmem:$0x1E000] =	vst v63  }
0x2b5: {  	_ =	swait.ge [sflag:s5], $0x1000  }
0x2b6: {  	[sflag:s5] =	ssyncset.done $0x0  }
0x2b7: {  	s24 =	sadd.s32 $0x2980, s22;
	[sflag:s5] =	ssyncadd.s32 $0xFFFFF000  }
0x2b8: {  	[spmem:s2] =	stream.indirect.scatter.add.f32 [tilespmem:s28], [sflag:$0x6], $0x80, s24, s20, $0xb8;
	[tilespmem:$0x1E000] =	vst v63  }
0x2b9: {  	_ =	swait.ge [sflag:s18], $0x1000  }
0x2ba: {  	[sflag:s18] =	ssyncset.done $0x0  }
0x2bb: {  	s24 =	sadd.s32 $0x400, s22;
	[sflag:s18] =	ssyncadd.s32 $0xFFFFF000  }
0x2bc: {  	[tilespmem:s28], [sflag:$0x4] =	stream.indirect.gather [hbm4b:s4+s20], $0x80, s24, s20, $0xb8;
	[tilespmem:$0x1E000] =	vst v63  }
0x2bd: {  	_ =	swait.ge [sflag:s7], $0x1000  }
0x2be: {  	[sflag:s7] =	ssyncset.done $0x0  }
.Ltmp3:
0x2bf: {  	s24 =	sadd.s32 $0x2A00, s22;
	[sflag:s7] =	ssyncadd.s32 $0xFFFFF000;
	(pc) =	sbr.rel @p0 .LBB2_8-.Ltmp3, $4  }
0x2c0: {  	[spmem:s2] =	stream.indirect.scatter.add.f32 [tilespmem:s30], [sflag:$0x6], $0x80, s24, s20, $0xb8;
	[tilespmem:$0x1E000] =	vst v63  }
0x2c1: {  	_ =	swait.ge [sflag:s18], $0x1000  }
0x2c2: {  	[sflag:s18] =	ssyncset.done $0x0  }
0x2c3: {  	s22 =	sadd.s32 $0x480, s22;
	[sflag:s18] =	ssyncadd.s32 $0xFFFFF000  }
0x2c4: {  	[tilespmem:s30], [sflag:$0x5] =	stream.indirect.gather [hbm4b:s4+s20], $0x80, s22, s20, $0xb8;
	[tilespmem:$0x1E000] =	vst v63  }
0x2c5: {  	_ =	swait.ge [sflag:s31], $0x1000  }
0x2c6: {  	s19 =	sshra.s32 s19, $0x2;
	[sflag:s31] =	ssyncset.done $0x0  }
0x2c7: {  	s24 =	sadd.s32 $0x2800, s19;
	[sflag:s31] =	ssyncadd.s32 $0xFFFFF000  }
0x2c8: {  	[spmem:s2] =	stream.indirect.scatter.add.f32 [tilespmem:s21], [sflag:$0x6], $0x80, s24, s20, $0xb8;
	[tilespmem:$0x1E000] =	vst v63  }
0x2c9: {  	_ =	swait.ge [sflag:s18], $0x1000  }
0x2ca: {  	[sflag:s18] =	ssyncset.done $0x0  }
0x2cb: {  	[sflag:s18] =	ssyncadd.s32 $0xFFFFF000  }
0x2cc: {  	[tilespmem:s21], [sflag:$0x1] =	stream.indirect.gather [hbm4b:s4+s20], $0x80, s8, s20, $0xb8;
	[tilespmem:$0x1E000] =	vst v63  }
0x2cd: {  	_ =	swait.ge [sflag:s0], $0x1000  }
0x2ce: {  	[sflag:s0] =	ssyncset.done $0x0  }
0x2cf: {  	s24 =	sadd.s32 $0x2880, s19;
	[sflag:s0] =	ssyncadd.s32 $0xFFFFF000  }
0x2d0: {  	[spmem:s2] =	stream.indirect.scatter.add.f32 [tilespmem:s23], [sflag:$0x6], $0x80, s24, s20, $0xb8;
	[tilespmem:$0x1E000] =	vst v63  }
0x2d1: {  	_ =	swait.ge [sflag:s18], $0x1000  }
0x2d2: {  	[sflag:s18] =	ssyncset.done $0x0  }
0x2d3: {  	[sflag:s18] =	ssyncadd.s32 $0xFFFFF000  }
0x2d4: {  	[tilespmem:s23], [sflag:$0x2] =	stream.indirect.gather [hbm4b:s4+s20], $0x80, s9, s20, $0xb8;
	[tilespmem:$0x1E000] =	vst v63  }
0x2d5: {  	_ =	swait.ge [sflag:s1], $0x1000  }
0x2d6: {  	[sflag:s1] =	ssyncset.done $0x0  }
0x2d7: {  	s24 =	sadd.s32 $0x2900, s19;
	[sflag:s1] =	ssyncadd.s32 $0xFFFFF000  }
0x2d8: {  	[spmem:s2] =	stream.indirect.scatter.add.f32 [tilespmem:s25], [sflag:$0x6], $0x80, s24, s20, $0xb8;
	[tilespmem:$0x1E000] =	vst v63  }
0x2d9: {  	_ =	swait.ge [sflag:s18], $0x1000  }
0x2da: {  	[sflag:s18] =	ssyncset.done $0x0  }
0x2db: {  	[sflag:s18] =	ssyncadd.s32 $0xFFFFF000  }
0x2dc: {  	[tilespmem:s25], [sflag:$0x3] =	stream.indirect.gather [hbm4b:s4+s20], $0x80, s10, s20, $0xb8;
	[tilespmem:$0x1E000] =	vst v63  }
0x2dd: {  	_ =	swait.ge [sflag:s5], $0x1000  }
0x2de: {  	[sflag:s5] =	ssyncset.done $0x0  }
0x2df: {  	s24 =	sadd.s32 $0x2980, s19;
	[sflag:s5] =	ssyncadd.s32 $0xFFFFF000  }
0x2e0: {  	[spmem:s2] =	stream.indirect.scatter.add.f32 [tilespmem:s28], [sflag:$0x6], $0x80, s24, s20, $0xb8;
	[tilespmem:$0x1E000] =	vst v63  }
0x2e1: {  	_ =	swait.ge [sflag:s18], $0x1000  }
0x2e2: {  	[sflag:s18] =	ssyncset.done $0x0  }
0x2e3: {  	[sflag:s18] =	ssyncadd.s32 $0xFFFFF000  }
0x2e4: {  	[tilespmem:s28], [sflag:$0x4] =	stream.indirect.gather [hbm4b:s4+s20], $0x80, s11, s20, $0xb8;
	[tilespmem:$0x1E000] =	vst v63  }
0x2e5: {  	_ =	swait.ge [sflag:s7], $0x1000  }
0x2e6: {  	[sflag:s7] =	ssyncset.done $0x0  }
0x2e7: {  	s19 =	sadd.s32 $0x2A00, s19;
	[sflag:s7] =	ssyncadd.s32 $0xFFFFF000  }
0x2e8: {  	[spmem:s2] =	stream.indirect.scatter.add.f32 [tilespmem:s30], [sflag:$0x6], $0x80, s19, s20, $0xb8;
	[tilespmem:$0x1E000] =	vst v63  }
0x2e9: {  	_ =	swait.ge [sflag:s18], $0x1000  }
0x2ea: {  	[sflag:s18] =	ssyncset.done $0x0  }
0x2eb: {  	[sflag:s18] =	ssyncadd.s32 $0xFFFFF000  }
0x2ec: {  	[tilespmem:s30], [sflag:$0x5] =	stream.indirect.gather [hbm4b:s4+s20], $0x80, s12, s20, $0xb8;
	[tilespmem:$0x1E000] =	vst v63  }
0x2ed: {  	_ =	swait.ge [sflag:s31], $0x1000  }
0x2ee: {  	[sflag:s31] =	ssyncset.done $0x0  }
0x2ef: {  	[sflag:s31] =	ssyncadd.s32 $0xFFFFF000  }
0x2f0: {  	[spmem:s2] =	stream.indirect.scatter.add.f32 [tilespmem:s21], [sflag:$0x6], $0x80, s13, s20, $0xb8;
	[tilespmem:$0x1E000] =	vst v63  }
0x2f1: {  	_ =	swait.ge [sflag:s18], $0x1000  }
0x2f2: {  	[sflag:s18] =	ssyncset.done $0x0  }
0x2f3: {  	[sflag:s18] =	ssyncadd.s32 $0xFFFFF000  }
0x2f4: {  	[tilespmem:s21], [sflag:$0x1] =	stream.indirect.gather [hbm4b:s4+s20], $0x80, s12, s20, $0xb8;
	[tilespmem:$0x1E000] =	vst v63  }
0x2f5: {  	_ =	swait.ge [sflag:s0], $0x1000  }
0x2f6: {  	[sflag:s0] =	ssyncset.done $0x0  }
0x2f7: {  	[sflag:s0] =	ssyncadd.s32 $0xFFFFF000  }
0x2f8: {  	[spmem:s2] =	stream.indirect.scatter.add.f32 [tilespmem:s23], [sflag:$0x6], $0x80, s14, s20, $0xb8;
	[tilespmem:$0x1E000] =	vst v63  }
0x2f9: {  	_ =	swait.ge [sflag:s18], $0x1000  }
0x2fa: {  	[sflag:s18] =	ssyncset.done $0x0  }
0x2fb: {  	[sflag:s18] =	ssyncadd.s32 $0xFFFFF000  }
0x2fc: {  	[tilespmem:s23], [sflag:$0x2] =	stream.indirect.gather [hbm4b:s4+s20], $0x80, s12, s20, $0xb8;
	[tilespmem:$0x1E000] =	vst v63  }
0x2fd: {  	_ =	swait.ge [sflag:s1], $0x1000  }
0x2fe: {  	[sflag:s1] =	ssyncset.done $0x0  }
0x2ff: {  	[sflag:s1] =	ssyncadd.s32 $0xFFFFF000  }
0x300: {  	[spmem:s2] =	stream.indirect.scatter.add.f32 [tilespmem:s25], [sflag:$0x6], $0x80, s15, s20, $0xb8;
	[tilespmem:$0x1E000] =	vst v63  }
0x301: {  	_ =	swait.ge [sflag:s18], $0x1000  }
0x302: {  	[sflag:s18] =	ssyncset.done $0x0  }
0x303: {  	[sflag:s18] =	ssyncadd.s32 $0xFFFFF000  }
0x304: {  	[tilespmem:s25], [sflag:$0x3] =	stream.indirect.gather [hbm4b:s4+s20], $0x80, s12, s20, $0xb8;
	[tilespmem:$0x1E000] =	vst v63  }
0x305: {  	_ =	swait.ge [sflag:s5], $0x1000  }
0x306: {  	[sflag:s5] =	ssyncset.done $0x0  }
0x307: {  	[sflag:s5] =	ssyncadd.s32 $0xFFFFF000  }
0x308: {  	[spmem:s2] =	stream.indirect.scatter.add.f32 [tilespmem:s28], [sflag:$0x6], $0x80, s16, s20, $0xb8;
	[tilespmem:$0x1E000] =	vst v63  }
0x309: {  	_ =	swait.ge [sflag:s18], $0x1000  }
0x30a: {  	[sflag:s18] =	ssyncset.done $0x0  }
0x30b: {  	[sflag:s18] =	ssyncadd.s32 $0xFFFFF000  }
0x30c: {  	[tilespmem:s28], [sflag:$0x4] =	stream.indirect.gather [hbm4b:s4+s20], $0x80, s12, s20, $0xb8;
	[tilespmem:$0x1E000] =	vst v63  }
0x30d: {  	_ =	swait.ge [sflag:s7], $0x1000  }
0x30e: {  	[sflag:s7] =	ssyncset.done $0x0  }
0x30f: {  	[sflag:s7] =	ssyncadd.s32 $0xFFFFF000  }
0x310: {  	[spmem:s2] =	stream.indirect.scatter.add.f32 [tilespmem:s30], [sflag:$0x6], $0x80, s3, s20, $0xb8;
	[tilespmem:$0x1E000] =	vst v63  }
0x311: {  	_ =	swait.ge [sflag:s18], $0x1000  }
0x312: {  	[sflag:s18] =	ssyncset.done $0x0  }
0x313: {  	[sflag:s18] =	ssyncadd.s32 $0xFFFFF000  }
0x314: {  	[tilespmem:s30], [sflag:$0x5] =	stream.indirect.gather [hbm4b:s4+s20], $0x80, s12, s20, $0xb8;
	[tilespmem:$0x1E000] =	vst v63  }
0x315: {  	_ =	swait.ge [sflag:s31], $0x1000  }
0x316: {  	[sflag:s31] =	ssyncset.done $0x0  }
0x317: {  	[sflag:s31] =	ssyncadd.s32 $0xFFFFF000  }
0x318: {  	_ =	swait.ge [sflag:s0], $0x1000  }
0x319: {  	[sflag:s0] =	ssyncset.done $0x0  }
0x31a: {  	[sflag:s0] =	ssyncadd.s32 $0xFFFFF000  }
0x31b: {  	_ =	swait.ge [sflag:s1], $0x1000  }
0x31c: {  	[sflag:s1] =	ssyncset.done $0x0  }
0x31d: {  	[sflag:s1] =	ssyncadd.s32 $0xFFFFF000  }
0x31e: {  	_ =	swait.ge [sflag:s5], $0x1000  }
0x31f: {  	[sflag:s5] =	ssyncset.done $0x0  }
0x320: {  	[sflag:s5] =	ssyncadd.s32 $0xFFFFF000  }
0x321: {  	_ =	swait.ge [sflag:s7], $0x1000  }
0x322: {  	[sflag:s7] =	ssyncset.done $0x0  }
0x323: {  	[sflag:s7] =	ssyncadd.s32 $0xFFFFF000  }
0x324: {  	[bflag:$0x0] =	sbarrier.arrive $0xFFFF  }
0x325: {  	s22 =	smov.u32 s17;
	s19 =	rddreg [dreg:$0xc]  }
0x326: {  	[hbm:s19], [sflag:s22] =	dma.local [spmem:s26], $0x2800  }
0x327: {  	_ =	swait.ge [sflag:s18], $0x2800  }
0x328: {  	s6 =	sadd.s32 $0x1, s6;
	s24 =	smov.u32 s26;
	s26 =	rddreg [dreg:$0xd]  }
0x329: {  	p0 =	sne.s32 s6, s26  }
.Ltmp4:
0x32a: {  	_ = 	snop;
	(pc) =	sbr.rel @p0 .LBB2_1-.Ltmp4, $3  }
0x32b: {  	_ =	sdelay $0x1  }
0x32c: {  	[sflag:s18] =	ssyncset.done $0x0  }
0x32d: {  	[sflag:s18] =	ssyncadd.s32 $0xFFFFD800  }
0x32e: {  	_ =	sfence.sel $0x180000  }
0x32f: {  	[bflag:$0x0] =	sbarrier.arrive $0xFFFF  }
0x330: {  	_ =	strace $0x90000047  }
0x331: {  	s0 =	stileid.u32;
	[bflag:$0x2] =	sbarrier.arrive $0xFFFF  }
0x332: {  	p0 =	sne.s32 s0, $0x0;
	s0 =	rddreg [dreg:$0x2]  }
0x333: {  	s0 =	sadd.s32 @!p0 $0x100000, s0  }
0x334: {  	[sflag:s0] =	ssyncadd.tile.s32 @!p0 $0x1;
	_ =	shalt  }
.Lfunc_end2:
_tile_overlayer_lowered:
.L_overlay_start_2:
0x335: {  	(tag) =	ssettag $0x2  }
0x336: {  	s0 =	rddreg [dreg:$0x0];
	s2 =	stileid.u32  }
0x337: {  	s1 =	rddreg [dreg:$0x1];
	p0 =	sne.s32 s2, $0x0  }
0x338: {  	s3 =	rddreg [dreg:$0x2];
	[bflag:$0x3] =	sbarrier.arrive $0xFFFF;
	s2 =	simm.s32 @!p0 $0x1C06  }
0x339: {  	[timem:s3], [sflag:s2] =	dma.local @!p0 [hbm:s0], s1  }
0x33a: {  	s0 =	simm.s32 @!p0 $0x6  }
0x33b: {  	_ =	swait.ge @!p0 [sflag:s0], s1  }
0x33c: {  	s1 =	ssub.s32 @!p0 $0x0, s1;
	[sflag:s0] =	ssyncset.done @!p0 $0x0  }
0x33d: {  	[sflag:s0] =	ssyncadd.s32 @!p0 s1  }
0x33e: {  	[bflag:$0x3] =	sbarrier.arrive $0xFFFF  }
0x33f: {  	_ =	shalt  }

</sc_bundles>
